<compile_context>
chip_gen: v7x
topology: tpu7x:2x2x1
jax: 0.10.2.dev20260603
libtpu: 0.0.44.dev20260713+nightly
codegen_flags: <defaults>
</compile_context>

<pallas_src>
import functools

import jax
import jax.numpy as jnp
from jax import lax
from jax.experimental import pallas as pl
from jax.experimental.pallas import tpu as pltpu
from jax.experimental.pallas import tpu_sc as plsc

_THETA = (1.0, -1.0, 0.5, -0.25)

_N = 10000
_E = 320000
_D = 128

_NC = 2
_NS = 16
_NW = _NC * _NS

_NP = 10240
_RPT = _NP // _NS
_CHUNK = 128
_CPT = 80
_CPS = 160
_DH = _D // 2
_EP = _NW * _CPT * _CHUNK

_mesh = plsc.VectorSubcoreMesh(core_axis_name="c", subcore_axis_name="s")


@functools.partial(
    pl.kernel,
    out_type=jax.ShapeDtypeStruct((_NC, _NP), jnp.float32),
    mesh=_mesh,
    scratch_types=[
        pltpu.VMEM((_CPT, _CHUNK), jnp.int32),
        pltpu.VMEM((_CHUNK,), jnp.float32),
        pltpu.VMEM((_RPT,), jnp.float32),
        pltpu.VMEM_SHARED((_NP,), jnp.float32),
        pltpu.SemaphoreType.DMA,
    ],
)
def _deg_kernel(dst_hbm, deg_hbm, dst_v, buf_v, tmp_v, deg_sh, sem):
    c = lax.axis_index("c")
    s = lax.axis_index("s")
    wid = s * _NC + c

    zero16 = jnp.zeros((16,), jnp.float32)

    def _zbuf(i, _):
        buf_v[pl.ds(i * 16, 16)] = zero16
        return 0

    lax.fori_loop(0, _CHUNK // 16, _zbuf, 0)

    def _zacc(i, _):
        pltpu.sync_copy(buf_v, deg_sh.at[pl.ds(s * _RPT + i * _CHUNK, _CHUNK)])
        return 0

    lax.fori_loop(0, _RPT // _CHUNK, _zacc, 0)

    one16 = jnp.ones((16,), jnp.float32)

    def _obuf(i, _):
        buf_v[pl.ds(i * 16, 16)] = one16
        return 0

    lax.fori_loop(0, _CHUNK // 16, _obuf, 0)

    pltpu.sync_copy(dst_hbm.at[pl.ds(wid * _CPT, _CPT)], dst_v)
    plsc.subcore_barrier()

    def _scatter(j, _):
        pltpu.sync_copy(buf_v, deg_sh.at[dst_v.at[j]], add=True)
        return 0

    lax.fori_loop(0, _CPT, _scatter, 0)
    plsc.subcore_barrier()

    pltpu.sync_copy(deg_sh.at[pl.ds(s * _RPT, _RPT)], tmp_v)
    pltpu.sync_copy(tmp_v, deg_hbm.at[c, pl.ds(s * _RPT, _RPT)])


@functools.partial(
    pl.kernel,
    out_type=jax.ShapeDtypeStruct((_NC, _NP, _DH), jnp.float32),
    mesh=_mesh,
    scratch_types=[
        pltpu.VMEM((_CPS, _CHUNK), jnp.int32),
        pltpu.VMEM((_CPS, _CHUNK), jnp.int32),
        pltpu.VMEM((2, _CHUNK, _DH), jnp.float32),
        pltpu.VMEM_SHARED((_NP, _DH), jnp.float32),
        pltpu.SemaphoreType.DMA,
        pltpu.SemaphoreType.DMA,
    ],
    compiler_params=pltpu.CompilerParams(use_tc_tiling_on_sc=False),
)
def _prop_kernel(y_hbm, src_hbm, dst_hbm, z_hbm, src_v, dst_v, rows_v, acc_sh,
                 sem0, sem1):
    c = lax.axis_index("c")
    s = lax.axis_index("s")

    zero16 = jnp.zeros((16,), jnp.float32)

    def _zrows(i, _):
        rows_v[0, i // (_DH // 16), pl.ds((i % (_DH // 16)) * 16, 16)] = zero16
        return 0

    lax.fori_loop(0, _CHUNK * _DH // 16, _zrows, 0)

    def _zacc(i, _):
        pltpu.sync_copy(rows_v.at[0],
                        acc_sh.at[pl.ds(s * _RPT + i * _CHUNK, _CHUNK)])
        return 0

    lax.fori_loop(0, _RPT // _CHUNK, _zacc, 0)

    pltpu.sync_copy(src_hbm.at[pl.ds(s * _CPS, _CPS)], src_v)
    pltpu.sync_copy(dst_hbm.at[pl.ds(s * _CPS, _CPS)], dst_v)

    def _xform(i, _):
        j = i // (_CHUNK // 16)
        k = (i % (_CHUNK // 16)) * 16
        v = src_v[j, pl.ds(k, 16)]
        src_v[j, pl.ds(k, 16)] = v + v + c
        return 0

    lax.fori_loop(0, _CPS * _CHUNK // 16, _xform, 0)
    plsc.subcore_barrier()

    pltpu.async_copy(y_hbm.at[src_v.at[0]], rows_v.at[0], sem0)

    def _edge_pair(jj, _):
        j = 2 * jj
        pltpu.make_async_copy(y_hbm.at[src_v.at[j]], rows_v.at[0], sem0).wait()
        pltpu.async_copy(y_hbm.at[src_v.at[j + 1]], rows_v.at[1], sem1)
        pltpu.make_async_copy(
            y_hbm.at[src_v.at[j + 1]], rows_v.at[1], sem1).wait()

        @pl.when(jj + 1 < _CPS // 2)
        def _():
            pltpu.async_copy(y_hbm.at[src_v.at[j + 2]], rows_v.at[0], sem0)

        return 0

    lax.fori_loop(0, _CPS // 2, _edge_pair, 0)
    plsc.subcore_barrier()

    def _wb(i, _):
        off = s * _RPT + i * _CHUNK
        pltpu.sync_copy(acc_sh.at[pl.ds(off, _CHUNK)], rows_v.at[0])
        pltpu.sync_copy(rows_v.at[0], z_hbm.at[c, pl.ds(off, _CHUNK)])
        return 0

    lax.fori_loop(0, _RPT // _CHUNK, _wb, 0)


_BLK = 640
_GRID = _NP // _BLK


def _dis_body(deg_ref, feat_ref, dis_ref, y_ref):
    d = deg_ref[...]
    tot = d[:, 0:1] + d[:, 1:2]
    dis = jnp.where(tot > 0.0, lax.rsqrt(tot), 0.0)
    disb = jnp.broadcast_to(dis, (_BLK, _D))
    dis_ref[...] = disb
    y_ref[...] = disb * feat_ref[...]


_dis_call = pl.pallas_call(
    _dis_body,
    grid=(_GRID,),
    in_specs=[
        pl.BlockSpec((_BLK, 2), lambda i: (i, 0)),
        pl.BlockSpec((_BLK, _D), lambda i: (i, 0)),
    ],
    out_specs=[
        pl.BlockSpec((_BLK, _D), lambda i: (i, 0)),
        pl.BlockSpec((_BLK, _D), lambda i: (i, 0)),
    ],
    out_shape=[
        jax.ShapeDtypeStruct((_NP, _D), jnp.float32),
        jax.ShapeDtypeStruct((_NP, _D), jnp.float32),
    ],
)


def _upd_body(theta, z_ref, dis_ref, x_ref, h_ref, xo_ref, ho_ref, yo_ref):
    zf = jnp.concatenate([z_ref[0], z_ref[1]], axis=-1)
    dis = dis_ref[...]
    xn = x_ref[...] - dis * zf
    xo_ref[...] = xn
    ho_ref[...] = h_ref[...] + theta * xn
    yo_ref[...] = dis * xn


def _make_upd(theta):
    return pl.pallas_call(
        functools.partial(_upd_body, theta),
        grid=(_GRID,),
        in_specs=[
            pl.BlockSpec((_NC, _BLK, _DH), lambda i: (0, i, 0)),
            pl.BlockSpec((_BLK, _D), lambda i: (i, 0)),
            pl.BlockSpec((_BLK, _D), lambda i: (i, 0)),
            pl.BlockSpec((_BLK, _D), lambda i: (i, 0)),
        ],
        out_specs=[
            pl.BlockSpec((_BLK, _D), lambda i: (i, 0)),
            pl.BlockSpec((_BLK, _D), lambda i: (i, 0)),
            pl.BlockSpec((_BLK, _D), lambda i: (i, 0)),
        ],
        out_shape=[
            jax.ShapeDtypeStruct((_NP, _D), jnp.float32),
            jax.ShapeDtypeStruct((_NP, _D), jnp.float32),
            jax.ShapeDtypeStruct((_NP, _D), jnp.float32),
        ],
    )


_upd_calls = tuple(_make_upd(t) for t in _THETA[1:])


def kernel(feat, edge_index):
    src = edge_index[0].astype(jnp.int32)
    dst = edge_index[1].astype(jnp.int32)

    feat_p = jnp.pad(feat, ((0, _NP - _N), (0, 0)))
    pad_idx = jnp.full((_EP - _E,), _NP - 1, jnp.int32)
    src_p = jnp.concatenate([src, pad_idx]).reshape(_EP // _CHUNK, _CHUNK)
    dst_p = jnp.concatenate([dst, pad_idx]).reshape(_EP // _CHUNK, _CHUNK)

    deg_parts = _deg_kernel(dst_p)
    dis_b, y = _dis_call(deg_parts.T, feat_p)

    x = feat_p
    h = feat_p
    for k in range(3):
        z = _prop_kernel(y.reshape(2 * _NP, _DH), src_p, dst_p)
        x, h, y = _upd_calls[k](z, dis_b, x, h)
    return h[:_N]

# --- scband reference (transcript-rebuilt; emitter-appended) ---
"""Pipeline reference for scband-poly-conv-72043781423165 (READ-ONLY COPY).

The authoritative reference and input builder live on the scoring server;
editing this copy changes nothing except your own understanding.
"""

import jax, jax.numpy as jnp
import numpy as np

# PolyConv init params (lin=False, bias=False -> linear layer unused)
THETA = [1.0, -1.0, 0.5, -0.25]

N_NODES = 10000
N_EDGES = 320000
D_FEAT = 128


def setup_inputs(seed: int = 0) -> dict:
    key = jax.random.key(seed)
    k1, k2 = jax.random.split(key)
    feat = jax.random.normal(k1, (N_NODES, D_FEAT), dtype=jnp.float32)
    edge_index = jax.random.randint(k2, (2, N_EDGES), 0, N_NODES)
    return {"feat": feat, "edge_index": edge_index}


def reference(feat, edge_index):
    N = feat.shape[0]
    src = edge_index[0]
    dst = edge_index[1]
    # gcn_norm(add_self_loops=False): deg over dst with unit edge weights,
    # edge_weight = deg^{-1/2}[src] * deg^{-1/2}[dst]
    ones = jnp.ones(src.shape[0], dtype=feat.dtype)
    deg = jnp.zeros((N,), dtype=feat.dtype).at[dst].add(ones)
    deg_inv_sqrt = jnp.where(deg > 0, deg ** -0.5, 0.0)
    w = deg_inv_sqrt[src] * deg_inv_sqrt[dst]

    h = THETA[0] * feat
    x = feat
    for k in range(1, len(THETA)):
        # MessagePassing propagate with 'add' aggregation:
        # out[dst] += edge_weight * x[src]
        msgs = w[:, None] * x[src]
        out = jnp.zeros_like(x).at[dst].add(msgs)
        x = x - out
        h = h + THETA[k] * x
    # lin=False -> no linear / activation
    return h

if __name__ == "__main__":
    import jax
    _d = setup_inputs()
    print(jax.jit(kernel)(*tuple(_d.values())))

</pallas_src>

<mosaic_0001>
#map = affine_map<(d0, d1) -> (0, 0)>
module attributes {stable_mosaic.version = 14 : i64} {
  func.func @_deg_kernel(%arg0: i32, %arg1: i32, %arg2: memref<2560x128xi32, #tpu.memory_space<hbm>>, %arg3: memref<2x10240xf32, #tpu.memory_space<hbm>>, %arg4: memref<80x128xi32, #tpu.memory_space<vmem>>, %arg5: memref<128xf32, #tpu.memory_space<vmem>>, %arg6: memref<640xf32, #tpu.memory_space<vmem>>, %arg7: memref<10240xf32, #tpu.memory_space<vmem_shared>>, %arg8: memref<!tpu.dma_semaphore, #tpu.memory_space<semaphore_mem>>) attributes {dimension_semantics = [#tpu.dimension_semantics<core_parallel>, #tpu.dimension_semantics<subcore_parallel>], iteration_bounds = array<i64: 2, 16>, scalar_prefetch = 0 : i64, scratch_operands = 5 : i64, tpu.core_type = #tpu.core_type<sc_vector_subcore>, window_params = [{transform_indices = #map}, {transform_indices = #map}]} {
    %mul3A = arith.constant 2 : i32
    %mul3A_0 = arith.muli %arg1, %mul3A : i32
    %add3A = arith.addi %mul3A_0, %arg0 : i32
    %broadcast_in_dim3A = arith.constant 0.000000e+00 : f32
    %broadcast_in_dim3A_1 = vector.broadcast %broadcast_in_dim3A : f32 to vector<16xf32>
    %scan3A = arith.constant 0 : i32
    %scan3A_2 = arith.constant 0 : i32
    %scan3A_3 = arith.constant 8 : i32
    %scan3A_4 = arith.addi %scan3A_2, %scan3A_3 : i32
    %scan3A_5 = arith.constant 1 : i32
    %scan3A_6 = scf.for %scan3A_38 = %scan3A_2 to %scan3A_4 step %scan3A_5 iter_args(%scan3A_39 = %scan3A) -> (i32)  : i32 {
      %mul3A_40 = arith.constant 16 : i32
      %mul3A_41 = arith.muli %scan3A_38, %mul3A_40 : i32
      %swap3A = arith.index_cast %mul3A_41 : i32 to index
      %swap3A_42 = tpu.vector_load %arg5[%swap3A] {strides = array<i32>} : memref<128xf32, #tpu.memory_space<vmem>>, vector<16xf32>,
      %swap3A_43 = vector.shape_cast %swap3A_42 : vector<16xf32> to vector<16xf32>
      %swap3A_44 = vector.shape_cast %broadcast_in_dim3A_1 : vector<16xf32> to vector<16xf32>
      tpu.vector_store %arg5[%swap3A], %swap3A_44 {strides = array<i32>} : memref<128xf32, #tpu.memory_space<vmem>>, vector<16xf32>,
      %scan3A_45 = arith.constant 0 : i32
      scf.yield %scan3A_45 : i32
    }
    %scan3A_7 = arith.constant 8 : i32
    %scan3A_8 = arith.constant 0 : i32
    %scan3A_9 = arith.constant 0 : i32
    %scan3A_10 = arith.constant 5 : i32
    %scan3A_11 = arith.addi %scan3A_9, %scan3A_10 : i32
    %scan3A_12 = arith.constant 1 : i32
    %scan3A_13 = scf.for %scan3A_38 = %scan3A_9 to %scan3A_11 step %scan3A_12 iter_args(%scan3A_39 = %scan3A_8) -> (i32)  : i32 {
      %mul3A_40 = arith.constant 640 : i32
      %mul3A_41 = arith.muli %arg1, %mul3A_40 : i32
      %mul3A_42 = arith.constant 128 : i32
      %mul3A_43 = arith.muli %scan3A_38, %mul3A_42 : i32
      %add3A_44 = arith.addi %mul3A_41, %mul3A_43 : i32
      "tpu.region"() ({
        %run_scoped3A = tpu.sem_alloc : memref<!tpu.dma_semaphore, #tpu.memory_space<semaphore_mem>>
        %dma_start3A = tpu.memref_slice %arg7[%add3A_44] : memref<10240xf32, #tpu.memory_space<vmem_shared>> -> memref<128xf32, #tpu.memory_space<vmem_shared>>
        %dma_start3A_46 = tpu.memref_slice %arg7[%add3A_44] : memref<10240xf32, #tpu.memory_space<vmem_shared>> -> memref<128xf32, #tpu.memory_space<vmem_shared>>
        tpu.enqueue_dma source(%arg5 : memref<128xf32, #tpu.memory_space<vmem>>) target(%dma_start3A_46 : memref<128xf32, #tpu.memory_space<vmem_shared>>) target_semaphore(%run_scoped3A : memref<!tpu.dma_semaphore, #tpu.memory_space<semaphore_mem>>)
        %dma_wait3A = tpu.memref_slice %arg7[%add3A_44] : memref<10240xf32, #tpu.memory_space<vmem_shared>> -> memref<128xf32, #tpu.memory_space<vmem_shared>>
        %dma_wait3A_47 = tpu.memref_slice %arg7[%add3A_44] : memref<10240xf32, #tpu.memory_space<vmem_shared>> -> memref<128xf32, #tpu.memory_space<vmem_shared>>
        tpu.wait_dma2 semaphore(%run_scoped3A : memref<!tpu.dma_semaphore, #tpu.memory_space<semaphore_mem>>) src(%arg5 : memref<128xf32, #tpu.memory_space<vmem>>) dst(%dma_wait3A_47 : memref<128xf32, #tpu.memory_space<vmem_shared>>)
        tpu.yield
      }) : () -> ()
      %scan3A_45 = arith.constant 0 : i32
      scf.yield %scan3A_45 : i32
    }
    %scan3A_14 = arith.constant 5 : i32
    %broadcast_in_dim3A_15 = arith.constant 1.000000e+00 : f32
    %broadcast_in_dim3A_16 = vector.broadcast %broadcast_in_dim3A_15 : f32 to vector<16xf32>
    %scan3A_17 = arith.constant 0 : i32
    %scan3A_18 = arith.constant 0 : i32
    %scan3A_19 = arith.constant 8 : i32
    %scan3A_20 = arith.addi %scan3A_18, %scan3A_19 : i32
    %scan3A_21 = arith.constant 1 : i32
    %scan3A_22 = scf.for %scan3A_38 = %scan3A_18 to %scan3A_20 step %scan3A_21 iter_args(%scan3A_39 = %scan3A_17) -> (i32)  : i32 {
      %mul3A_40 = arith.constant 16 : i32
      %mul3A_41 = arith.muli %scan3A_38, %mul3A_40 : i32
      %swap3A = arith.index_cast %mul3A_41 : i32 to index
      %swap3A_42 = tpu.vector_load %arg5[%swap3A] {strides = array<i32>} : memref<128xf32, #tpu.memory_space<vmem>>, vector<16xf32>,
      %swap3A_43 = vector.shape_cast %swap3A_42 : vector<16xf32> to vector<16xf32>
      %swap3A_44 = vector.shape_cast %broadcast_in_dim3A_16 : vector<16xf32> to vector<16xf32>
      tpu.vector_store %arg5[%swap3A], %swap3A_44 {strides = array<i32>} : memref<128xf32, #tpu.memory_space<vmem>>, vector<16xf32>,
      %scan3A_45 = arith.constant 0 : i32
      scf.yield %scan3A_45 : i32
    }
    %scan3A_23 = arith.constant 8 : i32
    %mul3A_24 = arith.constant 80 : i32
    %mul3A_25 = arith.muli %add3A, %mul3A_24 : i32
    "tpu.region"() ({
      %run_scoped3A = tpu.sem_alloc : memref<!tpu.dma_semaphore, #tpu.memory_space<semaphore_mem>>
      %dma_start3A = arith.constant 0 : i32
      %dma_start3A_38 = tpu.memref_slice %arg2[%mul3A_25, %dma_start3A] : memref<2560x128xi32, #tpu.memory_space<hbm>> -> memref<80x128xi32, #tpu.memory_space<hbm>>
      %dma_start3A_39 = arith.constant 0 : i32
      %dma_start3A_40 = tpu.memref_slice %arg2[%mul3A_25, %dma_start3A_39] : memref<2560x128xi32, #tpu.memory_space<hbm>> -> memref<80x128xi32, #tpu.memory_space<hbm>>
      tpu.enqueue_dma source(%dma_start3A_40 : memref<80x128xi32, #tpu.memory_space<hbm>>) target(%arg4 : memref<80x128xi32, #tpu.memory_space<vmem>>) target_semaphore(%run_scoped3A : memref<!tpu.dma_semaphore, #tpu.memory_space<semaphore_mem>>)
      %dma_wait3A = arith.constant 0 : i32
      %dma_wait3A_41 = tpu.memref_slice %arg2[%mul3A_25, %dma_wait3A] : memref<2560x128xi32, #tpu.memory_space<hbm>> -> memref<80x128xi32, #tpu.memory_space<hbm>>
      %dma_wait3A_42 = arith.constant 0 : i32
      %dma_wait3A_43 = tpu.memref_slice %arg2[%mul3A_25, %dma_wait3A_42] : memref<2560x128xi32, #tpu.memory_space<hbm>> -> memref<80x128xi32, #tpu.memory_space<hbm>>
      tpu.wait_dma2 semaphore(%run_scoped3A : memref<!tpu.dma_semaphore, #tpu.memory_space<semaphore_mem>>) src(%dma_wait3A_43 : memref<80x128xi32, #tpu.memory_space<hbm>>) dst(%arg4 : memref<80x128xi32, #tpu.memory_space<vmem>>)
      tpu.yield
    }) : () -> ()
    %barrier3A = arith.constant 0 : index
    tpu.barrier barrier_id(%barrier3A)
    %scan3A_26 = arith.constant 0 : i32
    %scan3A_27 = arith.constant 0 : i32
    %scan3A_28 = arith.constant 80 : i32
    %scan3A_29 = arith.addi %scan3A_27, %scan3A_28 : i32
    %scan3A_30 = arith.constant 1 : i32
    %scan3A_31 = scf.for %scan3A_38 = %scan3A_27 to %scan3A_29 step %scan3A_30 iter_args(%scan3A_39 = %scan3A_26) -> (i32)  : i32 {
      "tpu.region"() ({
        %run_scoped3A = tpu.sem_alloc : memref<!tpu.dma_semaphore, #tpu.memory_space<semaphore_mem>>
        %dma_start3A = arith.constant 0 : i32
        %dma_start3A_41 = tpu.memref_slice %arg4[%scan3A_38, %dma_start3A] : memref<80x128xi32, #tpu.memory_space<vmem>> -> memref<1x128xi32, #tpu.memory_space<vmem>>
        %dma_start3A_42 = tpu.memref_squeeze %dma_start3A_41 : memref<1x128xi32, #tpu.memory_space<vmem>> -> memref<128xi32, #tpu.memory_space<vmem>>
        %dma_start3A_43 = arith.constant 0 : i32
        %dma_start3A_44 = tpu.memref_slice %arg7[%dma_start3A_43] : memref<10240xf32, #tpu.memory_space<vmem_shared>> -> memref<10240xf32, #tpu.memory_space<vmem_shared>>
        tpu.enqueue_indirect_dma source(%arg5 : memref<128xf32, #tpu.memory_space<vmem>>) target(%dma_start3A_44 : memref<10240xf32, #tpu.memory_space<vmem_shared>>) offsets(%dma_start3A_42 : memref<128xi32, #tpu.memory_space<vmem>>) semaphore(%run_scoped3A : memref<!tpu.dma_semaphore, #tpu.memory_space<semaphore_mem>>) {add = true}
        %dma_wait3A = arith.constant 0 : i32
        %dma_wait3A_45 = tpu.memref_slice %arg4[%scan3A_38, %dma_wait3A] : memref<80x128xi32, #tpu.memory_space<vmem>> -> memref<1x128xi32, #tpu.memory_space<vmem>>
        %dma_wait3A_46 = tpu.memref_squeeze %dma_wait3A_45 : memref<1x128xi32, #tpu.memory_space<vmem>> -> memref<128xi32, #tpu.memory_space<vmem>>
        %dma_wait3A_47 = arith.constant 0 : i32
        %dma_wait3A_48 = tpu.memref_slice %arg7[%dma_wait3A_47] : memref<10240xf32, #tpu.memory_space<vmem_shared>> -> memref<10240xf32, #tpu.memory_space<vmem_shared>>
        tpu.wait_indirect_dma semaphore(%run_scoped3A : memref<!tpu.dma_semaphore, #tpu.memory_space<semaphore_mem>>) src(%arg5 : memref<128xf32, #tpu.memory_space<vmem>>) dst(%dma_wait3A_48 : memref<10240xf32, #tpu.memory_space<vmem_shared>>)
        tpu.yield
      }) : () -> ()
      %scan3A_40 = arith.constant 0 : i32
      scf.yield %scan3A_40 : i32
    }
    %scan3A_32 = arith.constant 80 : i32
    %barrier3A_33 = arith.constant 0 : index
    tpu.barrier barrier_id(%barrier3A_33)
    %mul3A_34 = arith.constant 640 : i32
    %mul3A_35 = arith.muli %arg1, %mul3A_34 : i32
    "tpu.region"() ({
      %run_scoped3A = tpu.sem_alloc : memref<!tpu.dma_semaphore, #tpu.memory_space<semaphore_mem>>
      %dma_start3A = tpu.memref_slice %arg7[%mul3A_35] : memref<10240xf32, #tpu.memory_space<vmem_shared>> -> memref<640xf32, #tpu.memory_space<vmem_shared>>
      %dma_start3A_38 = tpu.memref_slice %arg7[%mul3A_35] : memref<10240xf32, #tpu.memory_space<vmem_shared>> -> memref<640xf32, #tpu.memory_space<vmem_shared>>
      tpu.enqueue_dma source(%dma_start3A_38 : memref<640xf32, #tpu.memory_space<vmem_shared>>) target(%arg6 : memref<640xf32, #tpu.memory_space<vmem>>) target_semaphore(%run_scoped3A : memref<!tpu.dma_semaphore, #tpu.memory_space<semaphore_mem>>)
      %dma_wait3A = tpu.memref_slice %arg7[%mul3A_35] : memref<10240xf32, #tpu.memory_space<vmem_shared>> -> memref<640xf32, #tpu.memory_space<vmem_shared>>
      %dma_wait3A_39 = tpu.memref_slice %arg7[%mul3A_35] : memref<10240xf32, #tpu.memory_space<vmem_shared>> -> memref<640xf32, #tpu.memory_space<vmem_shared>>
      tpu.wait_dma2 semaphore(%run_scoped3A : memref<!tpu.dma_semaphore, #tpu.memory_space<semaphore_mem>>) src(%dma_wait3A_39 : memref<640xf32, #tpu.memory_space<vmem_shared>>) dst(%arg6 : memref<640xf32, #tpu.memory_space<vmem>>)
      tpu.yield
    }) : () -> ()
    %mul3A_36 = arith.constant 640 : i32
    %mul3A_37 = arith.muli %arg1, %mul3A_36 : i32
    "tpu.region"() ({
      %run_scoped3A = tpu.sem_alloc : memref<!tpu.dma_semaphore, #tpu.memory_space<semaphore_mem>>
      %dma_start3A = tpu.memref_slice %arg3[%arg0, %mul3A_37] : memref<2x10240xf32, #tpu.memory_space<hbm>> -> memref<1x640xf32, #tpu.memory_space<hbm>>
      %dma_start3A_38 = tpu.memref_squeeze %dma_start3A : memref<1x640xf32, #tpu.memory_space<hbm>> -> memref<640xf32, #tpu.memory_space<hbm>>
      %dma_start3A_39 = tpu.memref_slice %arg3[%arg0, %mul3A_37] : memref<2x10240xf32, #tpu.memory_space<hbm>> -> memref<1x640xf32, #tpu.memory_space<hbm>>
      %dma_start3A_40 = tpu.memref_squeeze %dma_start3A_39 : memref<1x640xf32, #tpu.memory_space<hbm>> -> memref<640xf32, #tpu.memory_space<hbm>>
      tpu.enqueue_dma source(%arg6 : memref<640xf32, #tpu.memory_space<vmem>>) target(%dma_start3A_40 : memref<640xf32, #tpu.memory_space<hbm>>) target_semaphore(%run_scoped3A : memref<!tpu.dma_semaphore, #tpu.memory_space<semaphore_mem>>)
      %dma_wait3A = tpu.memref_slice %arg3[%arg0, %mul3A_37] : memref<2x10240xf32, #tpu.memory_space<hbm>> -> memref<1x640xf32, #tpu.memory_space<hbm>>
      %dma_wait3A_41 = tpu.memref_squeeze %dma_wait3A : memref<1x640xf32, #tpu.memory_space<hbm>> -> memref<640xf32, #tpu.memory_space<hbm>>
      %dma_wait3A_42 = tpu.memref_slice %arg3[%arg0, %mul3A_37] : memref<2x10240xf32, #tpu.memory_space<hbm>> -> memref<1x640xf32, #tpu.memory_space<hbm>>
      %dma_wait3A_43 = tpu.memref_squeeze %dma_wait3A_42 : memref<1x640xf32, #tpu.memory_space<hbm>> -> memref<640xf32, #tpu.memory_space<hbm>>
      tpu.wait_dma2 semaphore(%run_scoped3A : memref<!tpu.dma_semaphore, #tpu.memory_space<semaphore_mem>>) src(%arg6 : memref<640xf32, #tpu.memory_space<vmem>>) dst(%dma_wait3A_43 : memref<640xf32, #tpu.memory_space<hbm>>)
      tpu.yield
    }) : () -> ()
    return
  }
}

#map = affine_map<(d0, d1) -> (0, 0)>
#map1 = affine_map<(d0, d1) -> (0, 0, 0)>
module attributes {stable_mosaic.version = 14 : i64} {
  func.func @_prop_kernel(%arg0: i32, %arg1: i32, %arg2: memref<20480x64xf32, #tpu.memory_space<hbm>>, %arg3: memref<2560x128xi32, #tpu.memory_space<hbm>>, %arg4: memref<2560x128xi32, #tpu.memory_space<hbm>>, %arg5: memref<2x10240x64xf32, #tpu.memory_space<hbm>>, %arg6: memref<160x128xi32, #tpu.memory_space<vmem>>, %arg7: memref<160x128xi32, #tpu.memory_space<vmem>>, %arg8: memref<2x128x64xf32, #tpu.memory_space<vmem>>, %arg9: memref<10240x64xf32, #tpu.memory_space<vmem_shared>>, %arg10: memref<!tpu.dma_semaphore, #tpu.memory_space<semaphore_mem>>, %arg11: memref<!tpu.dma_semaphore, #tpu.memory_space<semaphore_mem>>) attributes {dimension_semantics = [#tpu.dimension_semantics<core_parallel>, #tpu.dimension_semantics<subcore_parallel>], iteration_bounds = array<i64: 2, 16>, scalar_prefetch = 0 : i64, scratch_operands = 6 : i64, tpu.core_type = #tpu.core_type<sc_vector_subcore>, window_params = [{transform_indices = #map}, {transform_indices = #map}, {transform_indices = #map}, {transform_indices = #map1}]} {
    %broadcast_in_dim3A = arith.constant 0.000000e+00 : f32
    %broadcast_in_dim3A_0 = vector.broadcast %broadcast_in_dim3A : f32 to vector<16xf32>
    %scan3A = arith.constant 0 : i32
    %scan3A_1 = arith.constant 0 : i32
    %scan3A_2 = arith.constant 512 : i32
    %scan3A_3 = arith.addi %scan3A_1, %scan3A_2 : i32
    %scan3A_4 = arith.constant 1 : i32
    %scan3A_5 = scf.for %scan3A_50 = %scan3A_1 to %scan3A_3 step %scan3A_4 iter_args(%scan3A_51 = %scan3A) -> (i32)  : i32 {
      %jit3A = arith.constant 4 : i32
      %div3A = arith.divsi %scan3A_50, %jit3A : i32
      %sign3A = arith.constant 0 : i32
      %sign3A_52 = arith.cmpi sgt, %scan3A_50, %sign3A : i32
      %sign3A_53 = arith.extui %sign3A_52 : i1 to i32
      %sign3A_54 = arith.constant 0 : i32
      %sign3A_55 = arith.cmpi slt, %scan3A_50, %sign3A_54 : i32
      %sign3A_56 = arith.extui %sign3A_55 : i1 to i32
      %sign3A_57 = arith.subi %sign3A_53, %sign3A_56 : i32
      %sign3A_58 = arith.constant 0 : i32
      %sign3A_59 = arith.cmpi sgt, %jit3A, %sign3A_58 : i32
      %sign3A_60 = arith.extui %sign3A_59 : i1 to i32
      %sign3A_61 = arith.constant 0 : i32
      %sign3A_62 = arith.cmpi slt, %jit3A, %sign3A_61 : i32
      %sign3A_63 = arith.extui %sign3A_62 : i1 to i32
      %sign3A_64 = arith.subi %sign3A_60, %sign3A_63 : i32
      %ne3A = arith.cmpi ne, %sign3A_57, %sign3A_64 : i32
      %rem3A = arith.remsi %scan3A_50, %jit3A : i32
      %ne3A_65 = arith.constant 0 : i32
      %ne3A_66 = arith.cmpi ne, %rem3A, %ne3A_65 : i32
      %and3A = arith.andi %ne3A, %ne3A_66 : i1
      %sub3A = arith.constant 1 : i32
      %sub3A_67 = arith.subi %div3A, %sub3A : i32
      %select_n3A = arith.select %and3A, %sub3A_67, %div3A : i32
      %jit3A_68 = arith.constant 4 : i32
      %eq3A = arith.constant 0 : i32
      %eq3A_69 = arith.cmpi eq, %jit3A_68, %eq3A : i32
      %jit3A_70 = arith.constant 1 : i32
      %select_n3A_71 = arith.select %eq3A_69, %jit3A_70, %jit3A_68 : i32
      %rem3A_72 = arith.remsi %scan3A_50, %select_n3A_71 : i32
      %ne3A_73 = arith.constant 0 : i32
      %ne3A_74 = arith.cmpi ne, %rem3A_72, %ne3A_73 : i32
      %lt3A = arith.constant 0 : i32
      %lt3A_75 = arith.cmpi slt, %rem3A_72, %lt3A : i32
      %lt3A_76 = arith.constant 0 : i32
      %lt3A_77 = arith.cmpi slt, %select_n3A_71, %lt3A_76 : i32
      %ne3A_78 = arith.xori %lt3A_75, %lt3A_77 : i1
      %and3A_79 = arith.andi %ne3A_78, %ne3A_74 : i1
      %add3A = arith.addi %rem3A_72, %select_n3A_71 : i32
      %select_n3A_80 = arith.select %and3A_79, %add3A, %rem3A_72 : i32
      %mul3A_81 = arith.constant 16 : i32
      %mul3A_82 = arith.muli %select_n3A_80, %mul3A_81 : i32
      %swap3A = arith.constant 0 : i32
      %swap3A_83 = arith.index_cast %swap3A : i32 to index
      %swap3A_84 = arith.index_cast %select_n3A : i32 to index
      %swap3A_85 = arith.index_cast %mul3A_82 : i32 to index
      %swap3A_86 = tpu.vector_load %arg8[%swap3A_83, %swap3A_84, %swap3A_85] {strides = array<i32>} : memref<2x128x64xf32, #tpu.memory_space<vmem>>, vector<1x1x16xf32>,
      %swap3A_87 = vector.shape_cast %swap3A_86 : vector<1x1x16xf32> to vector<16xf32>
      %swap3A_88 = vector.shape_cast %broadcast_in_dim3A_0 : vector<16xf32> to vector<1x1x16xf32>
      tpu.vector_store %arg8[%swap3A_83, %swap3A_84, %swap3A_85], %swap3A_88 {strides = array<i32>} : memref<2x128x64xf32, #tpu.memory_space<vmem>>, vector<1x1x16xf32>,
      %scan3A_89 = arith.constant 0 : i32
      scf.yield %scan3A_89 : i32
    }
    %scan3A_6 = arith.constant 512 : i32
    %scan3A_7 = arith.constant 0 : i32
    %scan3A_8 = arith.constant 0 : i32
    %scan3A_9 = arith.constant 5 : i32
    %scan3A_10 = arith.addi %scan3A_8, %scan3A_9 : i32
    %scan3A_11 = arith.constant 1 : i32
    %scan3A_12 = scf.for %scan3A_50 = %scan3A_8 to %scan3A_10 step %scan3A_11 iter_args(%scan3A_51 = %scan3A_7) -> (i32)  : i32 {
      %mul3A_52 = arith.constant 640 : i32
      %mul3A_53 = arith.muli %arg1, %mul3A_52 : i32
      %mul3A_54 = arith.constant 128 : i32
      %mul3A_55 = arith.muli %scan3A_50, %mul3A_54 : i32
      %add3A = arith.addi %mul3A_53, %mul3A_55 : i32
      %run_scoped3A = arith.constant 0 : i32
      "tpu.region"() ({
        %run_scoped3A_57 = tpu.sem_alloc : memref<!tpu.dma_semaphore, #tpu.memory_space<semaphore_mem>>
        %dma_start3A_58 = arith.constant 0 : i32
        %dma_start3A_59 = arith.constant 0 : i32
        %dma_start3A_60 = tpu.memref_slice %arg8[%run_scoped3A, %dma_start3A_58, %dma_start3A_59] : memref<2x128x64xf32, #tpu.memory_space<vmem>> -> memref<1x128x64xf32, #tpu.memory_space<vmem>>
        %dma_start3A_61 = tpu.memref_squeeze %dma_start3A_60 : memref<1x128x64xf32, #tpu.memory_space<vmem>> -> memref<128x64xf32, #tpu.memory_space<vmem>>
        %dma_start3A_62 = arith.constant 0 : i32
        %dma_start3A_63 = tpu.memref_slice %arg9[%add3A, %dma_start3A_62] : memref<10240x64xf32, #tpu.memory_space<vmem_shared>> -> memref<128x64xf32, #tpu.memory_space<vmem_shared>>
        %dma_start3A_64 = arith.constant 0 : i32
        %dma_start3A_65 = tpu.memref_slice %arg9[%add3A, %dma_start3A_64] : memref<10240x64xf32, #tpu.memory_space<vmem_shared>> -> memref<128x64xf32, #tpu.memory_space<vmem_shared>>
        %dma_start3A_66 = arith.constant 0 : i32
        %dma_start3A_67 = arith.constant 0 : i32
        %dma_start3A_68 = tpu.memref_slice %arg8[%run_scoped3A, %dma_start3A_66, %dma_start3A_67] : memref<2x128x64xf32, #tpu.memory_space<vmem>> -> memref<1x128x64xf32, #tpu.memory_space<vmem>>
        %dma_start3A_69 = tpu.memref_squeeze %dma_start3A_68 : memref<1x128x64xf32, #tpu.memory_space<vmem>> -> memref<128x64xf32, #tpu.memory_space<vmem>>
        tpu.enqueue_dma source(%dma_start3A_69 : memref<128x64xf32, #tpu.memory_space<vmem>>) target(%dma_start3A_65 : memref<128x64xf32, #tpu.memory_space<vmem_shared>>) target_semaphore(%run_scoped3A_57 : memref<!tpu.dma_semaphore, #tpu.memory_space<semaphore_mem>>)
        %dma_wait3A = arith.constant 0 : i32
        %dma_wait3A_70 = arith.constant 0 : i32
        %dma_wait3A_71 = tpu.memref_slice %arg8[%run_scoped3A, %dma_wait3A, %dma_wait3A_70] : memref<2x128x64xf32, #tpu.memory_space<vmem>> -> memref<1x128x64xf32, #tpu.memory_space<vmem>>
        %dma_wait3A_72 = tpu.memref_squeeze %dma_wait3A_71 : memref<1x128x64xf32, #tpu.memory_space<vmem>> -> memref<128x64xf32, #tpu.memory_space<vmem>>
        %dma_wait3A_73 = arith.constant 0 : i32
        %dma_wait3A_74 = tpu.memref_slice %arg9[%add3A, %dma_wait3A_73] : memref<10240x64xf32, #tpu.memory_space<vmem_shared>> -> memref<128x64xf32, #tpu.memory_space<vmem_shared>>
        %dma_wait3A_75 = arith.constant 0 : i32
        %dma_wait3A_76 = tpu.memref_slice %arg9[%add3A, %dma_wait3A_75] : memref<10240x64xf32, #tpu.memory_space<vmem_shared>> -> memref<128x64xf32, #tpu.memory_space<vmem_shared>>
        %dma_wait3A_77 = arith.constant 0 : i32
        %dma_wait3A_78 = arith.constant 0 : i32
        %dma_wait3A_79 = tpu.memref_slice %arg8[%run_scoped3A, %dma_wait3A_77, %dma_wait3A_78] : memref<2x128x64xf32, #tpu.memory_space<vmem>> -> memref<1x128x64xf32, #tpu.memory_space<vmem>>
        %dma_wait3A_80 = tpu.memref_squeeze %dma_wait3A_79 : memref<1x128x64xf32, #tpu.memory_space<vmem>> -> memref<128x64xf32, #tpu.memory_space<vmem>>
        tpu.wait_dma2 semaphore(%run_scoped3A_57 : memref<!tpu.dma_semaphore, #tpu.memory_space<semaphore_mem>>) src(%dma_wait3A_80 : memref<128x64xf32, #tpu.memory_space<vmem>>) dst(%dma_wait3A_76 : memref<128x64xf32, #tpu.memory_space<vmem_shared>>)
        tpu.yield
      }) : () -> ()
      %scan3A_56 = arith.constant 0 : i32
      scf.yield %scan3A_56 : i32
    }
    %scan3A_13 = arith.constant 5 : i32
    %mul3A = arith.constant 160 : i32
    %mul3A_14 = arith.muli %arg1, %mul3A : i32
    "tpu.region"() ({
      %run_scoped3A = tpu.sem_alloc : memref<!tpu.dma_semaphore, #tpu.memory_space<semaphore_mem>>
      %dma_start3A_50 = arith.constant 0 : i32
      %dma_start3A_51 = tpu.memref_slice %arg3[%mul3A_14, %dma_start3A_50] : memref<2560x128xi32, #tpu.memory_space<hbm>> -> memref<160x128xi32, #tpu.memory_space<hbm>>
      %dma_start3A_52 = arith.constant 0 : i32
      %dma_start3A_53 = tpu.memref_slice %arg3[%mul3A_14, %dma_start3A_52] : memref<2560x128xi32, #tpu.memory_space<hbm>> -> memref<160x128xi32, #tpu.memory_space<hbm>>
      tpu.enqueue_dma source(%dma_start3A_53 : memref<160x128xi32, #tpu.memory_space<hbm>>) target(%arg6 : memref<160x128xi32, #tpu.memory_space<vmem>>) target_semaphore(%run_scoped3A : memref<!tpu.dma_semaphore, #tpu.memory_space<semaphore_mem>>)
      %dma_wait3A = arith.constant 0 : i32
      %dma_wait3A_54 = tpu.memref_slice %arg3[%mul3A_14, %dma_wait3A] : memref<2560x128xi32, #tpu.memory_space<hbm>> -> memref<160x128xi32, #tpu.memory_space<hbm>>
      %dma_wait3A_55 = arith.constant 0 : i32
      %dma_wait3A_56 = tpu.memref_slice %arg3[%mul3A_14, %dma_wait3A_55] : memref<2560x128xi32, #tpu.memory_space<hbm>> -> memref<160x128xi32, #tpu.memory_space<hbm>>
      tpu.wait_dma2 semaphore(%run_scoped3A : memref<!tpu.dma_semaphore, #tpu.memory_space<semaphore_mem>>) src(%dma_wait3A_56 : memref<160x128xi32, #tpu.memory_space<hbm>>) dst(%arg6 : memref<160x128xi32, #tpu.memory_space<vmem>>)
      tpu.yield
    }) : () -> ()
    %mul3A_15 = arith.constant 160 : i32
    %mul3A_16 = arith.muli %arg1, %mul3A_15 : i32
    "tpu.region"() ({
      %run_scoped3A = tpu.sem_alloc : memref<!tpu.dma_semaphore, #tpu.memory_space<semaphore_mem>>
      %dma_start3A_50 = arith.constant 0 : i32
      %dma_start3A_51 = tpu.memref_slice %arg4[%mul3A_16, %dma_start3A_50] : memref<2560x128xi32, #tpu.memory_space<hbm>> -> memref<160x128xi32, #tpu.memory_space<hbm>>
      %dma_start3A_52 = arith.constant 0 : i32
      %dma_start3A_53 = tpu.memref_slice %arg4[%mul3A_16, %dma_start3A_52] : memref<2560x128xi32, #tpu.memory_space<hbm>> -> memref<160x128xi32, #tpu.memory_space<hbm>>
      tpu.enqueue_dma source(%dma_start3A_53 : memref<160x128xi32, #tpu.memory_space<hbm>>) target(%arg7 : memref<160x128xi32, #tpu.memory_space<vmem>>) target_semaphore(%run_scoped3A : memref<!tpu.dma_semaphore, #tpu.memory_space<semaphore_mem>>)
      %dma_wait3A = arith.constant 0 : i32
      %dma_wait3A_54 = tpu.memref_slice %arg4[%mul3A_16, %dma_wait3A] : memref<2560x128xi32, #tpu.memory_space<hbm>> -> memref<160x128xi32, #tpu.memory_space<hbm>>
      %dma_wait3A_55 = arith.constant 0 : i32
      %dma_wait3A_56 = tpu.memref_slice %arg4[%mul3A_16, %dma_wait3A_55] : memref<2560x128xi32, #tpu.memory_space<hbm>> -> memref<160x128xi32, #tpu.memory_space<hbm>>
      tpu.wait_dma2 semaphore(%run_scoped3A : memref<!tpu.dma_semaphore, #tpu.memory_space<semaphore_mem>>) src(%dma_wait3A_56 : memref<160x128xi32, #tpu.memory_space<hbm>>) dst(%arg7 : memref<160x128xi32, #tpu.memory_space<vmem>>)
      tpu.yield
    }) : () -> ()
    %scan3A_17 = arith.constant 0 : i32
    %scan3A_18 = arith.constant 0 : i32
    %scan3A_19 = arith.constant 1280 : i32
    %scan3A_20 = arith.addi %scan3A_18, %scan3A_19 : i32
    %scan3A_21 = arith.constant 1 : i32
    %scan3A_22 = scf.for %scan3A_50 = %scan3A_18 to %scan3A_20 step %scan3A_21 iter_args(%scan3A_51 = %scan3A_17) -> (i32)  : i32 {
      %jit3A = arith.constant 8 : i32
      %div3A = arith.divsi %scan3A_50, %jit3A : i32
      %sign3A = arith.constant 0 : i32
      %sign3A_52 = arith.cmpi sgt, %scan3A_50, %sign3A : i32
      %sign3A_53 = arith.extui %sign3A_52 : i1 to i32
      %sign3A_54 = arith.constant 0 : i32
      %sign3A_55 = arith.cmpi slt, %scan3A_50, %sign3A_54 : i32
      %sign3A_56 = arith.extui %sign3A_55 : i1 to i32
      %sign3A_57 = arith.subi %sign3A_53, %sign3A_56 : i32
      %sign3A_58 = arith.constant 0 : i32
      %sign3A_59 = arith.cmpi sgt, %jit3A, %sign3A_58 : i32
      %sign3A_60 = arith.extui %sign3A_59 : i1 to i32
      %sign3A_61 = arith.constant 0 : i32
      %sign3A_62 = arith.cmpi slt, %jit3A, %sign3A_61 : i32
      %sign3A_63 = arith.extui %sign3A_62 : i1 to i32
      %sign3A_64 = arith.subi %sign3A_60, %sign3A_63 : i32
      %ne3A = arith.cmpi ne, %sign3A_57, %sign3A_64 : i32
      %rem3A = arith.remsi %scan3A_50, %jit3A : i32
      %ne3A_65 = arith.constant 0 : i32
      %ne3A_66 = arith.cmpi ne, %rem3A, %ne3A_65 : i32
      %and3A = arith.andi %ne3A, %ne3A_66 : i1
      %sub3A = arith.constant 1 : i32
      %sub3A_67 = arith.subi %div3A, %sub3A : i32
      %select_n3A = arith.select %and3A, %sub3A_67, %div3A : i32
      %jit3A_68 = arith.constant 8 : i32
      %eq3A = arith.constant 0 : i32
      %eq3A_69 = arith.cmpi eq, %jit3A_68, %eq3A : i32
      %jit3A_70 = arith.constant 1 : i32
      %select_n3A_71 = arith.select %eq3A_69, %jit3A_70, %jit3A_68 : i32
      %rem3A_72 = arith.remsi %scan3A_50, %select_n3A_71 : i32
      %ne3A_73 = arith.constant 0 : i32
      %ne3A_74 = arith.cmpi ne, %rem3A_72, %ne3A_73 : i32
      %lt3A = arith.constant 0 : i32
      %lt3A_75 = arith.cmpi slt, %rem3A_72, %lt3A : i32
      %lt3A_76 = arith.constant 0 : i32
      %lt3A_77 = arith.cmpi slt, %select_n3A_71, %lt3A_76 : i32
      %ne3A_78 = arith.xori %lt3A_75, %lt3A_77 : i1
      %and3A_79 = arith.andi %ne3A_78, %ne3A_74 : i1
      %add3A = arith.addi %rem3A_72, %select_n3A_71 : i32
      %select_n3A_80 = arith.select %and3A_79, %add3A, %rem3A_72 : i32
      %mul3A_81 = arith.constant 16 : i32
      %mul3A_82 = arith.muli %select_n3A_80, %mul3A_81 : i32
      %get3A = arith.index_cast %select_n3A : i32 to index
      %get3A_83 = arith.index_cast %mul3A_82 : i32 to index
      %get3A_84 = tpu.vector_load %arg6[%get3A, %get3A_83] {strides = array<i32>} : memref<160x128xi32, #tpu.memory_space<vmem>>, vector<1x16xi32>,
      %get3A_85 = vector.shape_cast %get3A_84 : vector<1x16xi32> to vector<16xi32>
      %add3A_86 = arith.addi %get3A_85, %get3A_85 : vector<16xi32>
      %add3A_87 = vector.broadcast %arg0 : i32 to vector<16xi32>
      %add3A_88 = arith.addi %add3A_86, %add3A_87 : vector<16xi32>
      %swap3A = arith.index_cast %select_n3A : i32 to index
      %swap3A_89 = arith.index_cast %mul3A_82 : i32 to index
      %swap3A_90 = tpu.vector_load %arg6[%swap3A, %swap3A_89] {strides = array<i32>} : memref<160x128xi32, #tpu.memory_space<vmem>>, vector<1x16xi32>,
      %swap3A_91 = vector.shape_cast %swap3A_90 : vector<1x16xi32> to vector<16xi32>
      %swap3A_92 = vector.shape_cast %add3A_88 : vector<16xi32> to vector<1x16xi32>
      tpu.vector_store %arg6[%swap3A, %swap3A_89], %swap3A_92 {strides = array<i32>} : memref<160x128xi32, #tpu.memory_space<vmem>>, vector<1x16xi32>,
      %scan3A_93 = arith.constant 0 : i32
      scf.yield %scan3A_93 : i32
    }
    %scan3A_23 = arith.constant 1280 : i32
    %barrier3A = arith.constant 0 : index
    tpu.barrier barrier_id(%barrier3A)
    %dma_start3A = arith.constant 0 : i32
    %dma_start3A_24 = arith.constant 0 : i32
    %dma_start3A_25 = arith.constant 0 : i32
    %dma_start3A_26 = arith.constant 0 : i32
    %dma_start3A_27 = tpu.memref_slice %arg8[%dma_start3A_24, %dma_start3A_25, %dma_start3A_26] : memref<2x128x64xf32, #tpu.memory_space<vmem>> -> memref<1x128x64xf32, #tpu.memory_space<vmem>>
    %dma_start3A_28 = tpu.memref_squeeze %dma_start3A_27 : memref<1x128x64xf32, #tpu.memory_space<vmem>> -> memref<128x64xf32, #tpu.memory_space<vmem>>
    %dma_start3A_29 = arith.constant 0 : i32
    %dma_start3A_30 = tpu.memref_slice %arg6[%dma_start3A, %dma_start3A_29] : memref<160x128xi32, #tpu.memory_space<vmem>> -> memref<1x128xi32, #tpu.memory_space<vmem>>
    %dma_start3A_31 = tpu.memref_squeeze %dma_start3A_30 : memref<1x128xi32, #tpu.memory_space<vmem>> -> memref<128xi32, #tpu.memory_space<vmem>>
    %dma_start3A_32 = arith.constant 0 : i32
    %dma_start3A_33 = arith.constant 0 : i32
    %dma_start3A_34 = tpu.memref_slice %arg2[%dma_start3A_32, %dma_start3A_33] : memref<20480x64xf32, #tpu.memory_space<hbm>> -> memref<20480x64xf32, #tpu.memory_space<hbm>>
    tpu.enqueue_indirect_dma source(%dma_start3A_34 : memref<20480x64xf32, #tpu.memory_space<hbm>>) target(%dma_start3A_28 : memref<128x64xf32, #tpu.memory_space<vmem>>) offsets(%dma_start3A_31 : memref<128xi32, #tpu.memory_space<vmem>>) semaphore(%arg10 : memref<!tpu.dma_semaphore, #tpu.memory_space<semaphore_mem>>)
    %scan3A_35 = arith.constant 0 : i32
    %scan3A_36 = arith.constant 0 : i32
    %scan3A_37 = arith.constant 80 : i32
    %scan3A_38 = arith.addi %scan3A_36, %scan3A_37 : i32
    %scan3A_39 = arith.constant 1 : i32
    %scan3A_40 = scf.for %scan3A_50 = %scan3A_36 to %scan3A_38 step %scan3A_39 iter_args(%scan3A_51 = %scan3A_35) -> (i32)  : i32 {
      %mul3A_52 = arith.constant 2 : i32
      %mul3A_53 = arith.muli %mul3A_52, %scan3A_50 : i32
      %dma_wait3A = arith.constant 0 : i32
      %dma_wait3A_54 = arith.constant 0 : i32
      %dma_wait3A_55 = arith.constant 0 : i32
      %dma_wait3A_56 = tpu.memref_slice %arg8[%dma_wait3A, %dma_wait3A_54, %dma_wait3A_55] : memref<2x128x64xf32, #tpu.memory_space<vmem>> -> memref<1x128x64xf32, #tpu.memory_space<vmem>>
      %dma_wait3A_57 = tpu.memref_squeeze %dma_wait3A_56 : memref<1x128x64xf32, #tpu.memory_space<vmem>> -> memref<128x64xf32, #tpu.memory_space<vmem>>
      %dma_wait3A_58 = arith.constant 0 : i32
      %dma_wait3A_59 = tpu.memref_slice %arg6[%mul3A_53, %dma_wait3A_58] : memref<160x128xi32, #tpu.memory_space<vmem>> -> memref<1x128xi32, #tpu.memory_space<vmem>>
      %dma_wait3A_60 = tpu.memref_squeeze %dma_wait3A_59 : memref<1x128xi32, #tpu.memory_space<vmem>> -> memref<128xi32, #tpu.memory_space<vmem>>
      %dma_wait3A_61 = arith.constant 0 : i32
      %dma_wait3A_62 = arith.constant 0 : i32
      %dma_wait3A_63 = tpu.memref_slice %arg2[%dma_wait3A_61, %dma_wait3A_62] : memref<20480x64xf32, #tpu.memory_space<hbm>> -> memref<20480x64xf32, #tpu.memory_space<hbm>>
      tpu.wait_indirect_dma semaphore(%arg10 : memref<!tpu.dma_semaphore, #tpu.memory_space<semaphore_mem>>) src(%dma_wait3A_63 : memref<20480x64xf32, #tpu.memory_space<hbm>>) dst(%dma_wait3A_57 : memref<128x64xf32, #tpu.memory_space<vmem>>)
      %add3A = arith.constant 1 : i32
      %add3A_64 = arith.addi %mul3A_53, %add3A : i32
      %dma_start3A_65 = arith.constant 1 : i32
      %dma_start3A_66 = arith.constant 0 : i32
      %dma_start3A_67 = arith.constant 0 : i32
      %dma_start3A_68 = tpu.memref_slice %arg8[%dma_start3A_65, %dma_start3A_66, %dma_start3A_67] : memref<2x128x64xf32, #tpu.memory_space<vmem>> -> memref<1x128x64xf32, #tpu.memory_space<vmem>>
      %dma_start3A_69 = tpu.memref_squeeze %dma_start3A_68 : memref<1x128x64xf32, #tpu.memory_space<vmem>> -> memref<128x64xf32, #tpu.memory_space<vmem>>
      %dma_start3A_70 = arith.constant 0 : i32
      %dma_start3A_71 = tpu.memref_slice %arg6[%add3A_64, %dma_start3A_70] : memref<160x128xi32, #tpu.memory_space<vmem>> -> memref<1x128xi32, #tpu.memory_space<vmem>>
      %dma_start3A_72 = tpu.memref_squeeze %dma_start3A_71 : memref<1x128xi32, #tpu.memory_space<vmem>> -> memref<128xi32, #tpu.memory_space<vmem>>
      %dma_start3A_73 = arith.constant 0 : i32
      %dma_start3A_74 = arith.constant 0 : i32
      %dma_start3A_75 = tpu.memref_slice %arg2[%dma_start3A_73, %dma_start3A_74] : memref<20480x64xf32, #tpu.memory_space<hbm>> -> memref<20480x64xf32, #tpu.memory_space<hbm>>
      tpu.enqueue_indirect_dma source(%dma_start3A_75 : memref<20480x64xf32, #tpu.memory_space<hbm>>) target(%dma_start3A_69 : memref<128x64xf32, #tpu.memory_space<vmem>>) offsets(%dma_start3A_72 : memref<128xi32, #tpu.memory_space<vmem>>) semaphore(%arg11 : memref<!tpu.dma_semaphore, #tpu.memory_space<semaphore_mem>>)
      %add3A_76 = arith.constant 1 : i32
      %add3A_77 = arith.addi %mul3A_53, %add3A_76 : i32
      %dma_wait3A_78 = arith.constant 1 : i32
      %dma_wait3A_79 = arith.constant 0 : i32
      %dma_wait3A_80 = arith.constant 0 : i32
      %dma_wait3A_81 = tpu.memref_slice %arg8[%dma_wait3A_78, %dma_wait3A_79, %dma_wait3A_80] : memref<2x128x64xf32, #tpu.memory_space<vmem>> -> memref<1x128x64xf32, #tpu.memory_space<vmem>>
      %dma_wait3A_82 = tpu.memref_squeeze %dma_wait3A_81 : memref<1x128x64xf32, #tpu.memory_space<vmem>> -> memref<128x64xf32, #tpu.memory_space<vmem>>
      %dma_wait3A_83 = arith.constant 0 : i32
      %dma_wait3A_84 = tpu.memref_slice %arg6[%add3A_77, %dma_wait3A_83] : memref<160x128xi32, #tpu.memory_space<vmem>> -> memref<1x128xi32, #tpu.memory_space<vmem>>
      %dma_wait3A_85 = tpu.memref_squeeze %dma_wait3A_84 : memref<1x128xi32, #tpu.memory_space<vmem>> -> memref<128xi32, #tpu.memory_space<vmem>>
      %dma_wait3A_86 = arith.constant 0 : i32
      %dma_wait3A_87 = arith.constant 0 : i32
      %dma_wait3A_88 = tpu.memref_slice %arg2[%dma_wait3A_86, %dma_wait3A_87] : memref<20480x64xf32, #tpu.memory_space<hbm>> -> memref<20480x64xf32, #tpu.memory_space<hbm>>
      tpu.wait_indirect_dma semaphore(%arg11 : memref<!tpu.dma_semaphore, #tpu.memory_space<semaphore_mem>>) src(%dma_wait3A_88 : memref<20480x64xf32, #tpu.memory_space<hbm>>) dst(%dma_wait3A_82 : memref<128x64xf32, #tpu.memory_space<vmem>>)
      %add3A_89 = arith.constant 1 : i32
      %add3A_90 = arith.addi %scan3A_50, %add3A_89 : i32
      %lt3A = arith.constant 80 : i32
      %lt3A_91 = arith.cmpi slt, %add3A_90, %lt3A : i32
      %convert_element_type3A = arith.extui %lt3A_91 : i1 to i32
      %cond3A = arith.constant 0 : i32
      %cond3A_92 = arith.cmpi ne, %convert_element_type3A, %cond3A : i32
      scf.if %cond3A_92 {
        %add3A_94 = arith.constant 2 : i32
        %add3A_95 = arith.addi %mul3A_53, %add3A_94 : i32
        %dma_start3A_96 = arith.constant 0 : i32
        %dma_start3A_97 = arith.constant 0 : i32
        %dma_start3A_98 = arith.constant 0 : i32
        %dma_start3A_99 = tpu.memref_slice %arg8[%dma_start3A_96, %dma_start3A_97, %dma_start3A_98] : memref<2x128x64xf32, #tpu.memory_space<vmem>> -> memref<1x128x64xf32, #tpu.memory_space<vmem>>
        %dma_start3A_100 = tpu.memref_squeeze %dma_start3A_99 : memref<1x128x64xf32, #tpu.memory_space<vmem>> -> memref<128x64xf32, #tpu.memory_space<vmem>>
        %dma_start3A_101 = arith.constant 0 : i32
        %dma_start3A_102 = tpu.memref_slice %arg6[%add3A_95, %dma_start3A_101] : memref<160x128xi32, #tpu.memory_space<vmem>> -> memref<1x128xi32, #tpu.memory_space<vmem>>
        %dma_start3A_103 = tpu.memref_squeeze %dma_start3A_102 : memref<1x128xi32, #tpu.memory_space<vmem>> -> memref<128xi32, #tpu.memory_space<vmem>>
        %dma_start3A_104 = arith.constant 0 : i32
        %dma_start3A_105 = arith.constant 0 : i32
        %dma_start3A_106 = tpu.memref_slice %arg2[%dma_start3A_104, %dma_start3A_105] : memref<20480x64xf32, #tpu.memory_space<hbm>> -> memref<20480x64xf32, #tpu.memory_space<hbm>>
        tpu.enqueue_indirect_dma source(%dma_start3A_106 : memref<20480x64xf32, #tpu.memory_space<hbm>>) target(%dma_start3A_100 : memref<128x64xf32, #tpu.memory_space<vmem>>) offsets(%dma_start3A_103 : memref<128xi32, #tpu.memory_space<vmem>>) semaphore(%arg10 : memref<!tpu.dma_semaphore, #tpu.memory_space<semaphore_mem>>)
      } else {
      }
      %scan3A_93 = arith.constant 0 : i32
      scf.yield %scan3A_93 : i32
    }
    %scan3A_41 = arith.constant 80 : i32
    %barrier3A_42 = arith.constant 0 : index
    tpu.barrier barrier_id(%barrier3A_42)
    %scan3A_43 = arith.constant 0 : i32
    %scan3A_44 = arith.constant 0 : i32
    %scan3A_45 = arith.constant 5 : i32
    %scan3A_46 = arith.addi %scan3A_44, %scan3A_45 : i32
    %scan3A_47 = arith.constant 1 : i32
    %scan3A_48 = scf.for %scan3A_50 = %scan3A_44 to %scan3A_46 step %scan3A_47 iter_args(%scan3A_51 = %scan3A_43) -> (i32)  : i32 {
      %mul3A_52 = arith.constant 640 : i32
      %mul3A_53 = arith.muli %arg1, %mul3A_52 : i32
      %mul3A_54 = arith.constant 128 : i32
      %mul3A_55 = arith.muli %scan3A_50, %mul3A_54 : i32
      %add3A = arith.addi %mul3A_53, %mul3A_55 : i32
      %run_scoped3A = arith.constant 0 : i32
      "tpu.region"() ({
        %run_scoped3A_58 = tpu.sem_alloc : memref<!tpu.dma_semaphore, #tpu.memory_space<semaphore_mem>>
        %dma_start3A_59 = arith.constant 0 : i32
        %dma_start3A_60 = arith.constant 0 : i32
        %dma_start3A_61 = tpu.memref_slice %arg8[%run_scoped3A, %dma_start3A_59, %dma_start3A_60] : memref<2x128x64xf32, #tpu.memory_space<vmem>> -> memref<1x128x64xf32, #tpu.memory_space<vmem>>
        %dma_start3A_62 = tpu.memref_squeeze %dma_start3A_61 : memref<1x128x64xf32, #tpu.memory_space<vmem>> -> memref<128x64xf32, #tpu.memory_space<vmem>>
        %dma_start3A_63 = arith.constant 0 : i32
        %dma_start3A_64 = tpu.memref_slice %arg9[%add3A, %dma_start3A_63] : memref<10240x64xf32, #tpu.memory_space<vmem_shared>> -> memref<128x64xf32, #tpu.memory_space<vmem_shared>>
        %dma_start3A_65 = arith.constant 0 : i32
        %dma_start3A_66 = arith.constant 0 : i32
        %dma_start3A_67 = tpu.memref_slice %arg8[%run_scoped3A, %dma_start3A_65, %dma_start3A_66] : memref<2x128x64xf32, #tpu.memory_space<vmem>> -> memref<1x128x64xf32, #tpu.memory_space<vmem>>
        %dma_start3A_68 = tpu.memref_squeeze %dma_start3A_67 : memref<1x128x64xf32, #tpu.memory_space<vmem>> -> memref<128x64xf32, #tpu.memory_space<vmem>>
        %dma_start3A_69 = arith.constant 0 : i32
        %dma_start3A_70 = tpu.memref_slice %arg9[%add3A, %dma_start3A_69] : memref<10240x64xf32, #tpu.memory_space<vmem_shared>> -> memref<128x64xf32, #tpu.memory_space<vmem_shared>>
        tpu.enqueue_dma source(%dma_start3A_70 : memref<128x64xf32, #tpu.memory_space<vmem_shared>>) target(%dma_start3A_68 : memref<128x64xf32, #tpu.memory_space<vmem>>) target_semaphore(%run_scoped3A_58 : memref<!tpu.dma_semaphore, #tpu.memory_space<semaphore_mem>>)
        %dma_wait3A = arith.constant 0 : i32
        %dma_wait3A_71 = arith.constant 0 : i32
        %dma_wait3A_72 = tpu.memref_slice %arg8[%run_scoped3A, %dma_wait3A, %dma_wait3A_71] : memref<2x128x64xf32, #tpu.memory_space<vmem>> -> memref<1x128x64xf32, #tpu.memory_space<vmem>>
        %dma_wait3A_73 = tpu.memref_squeeze %dma_wait3A_72 : memref<1x128x64xf32, #tpu.memory_space<vmem>> -> memref<128x64xf32, #tpu.memory_space<vmem>>
        %dma_wait3A_74 = arith.constant 0 : i32
        %dma_wait3A_75 = tpu.memref_slice %arg9[%add3A, %dma_wait3A_74] : memref<10240x64xf32, #tpu.memory_space<vmem_shared>> -> memref<128x64xf32, #tpu.memory_space<vmem_shared>>
        %dma_wait3A_76 = arith.constant 0 : i32
        %dma_wait3A_77 = arith.constant 0 : i32
        %dma_wait3A_78 = tpu.memref_slice %arg8[%run_scoped3A, %dma_wait3A_76, %dma_wait3A_77] : memref<2x128x64xf32, #tpu.memory_space<vmem>> -> memref<1x128x64xf32, #tpu.memory_space<vmem>>
        %dma_wait3A_79 = tpu.memref_squeeze %dma_wait3A_78 : memref<1x128x64xf32, #tpu.memory_space<vmem>> -> memref<128x64xf32, #tpu.memory_space<vmem>>
        %dma_wait3A_80 = arith.constant 0 : i32
        %dma_wait3A_81 = tpu.memref_slice %arg9[%add3A, %dma_wait3A_80] : memref<10240x64xf32, #tpu.memory_space<vmem_shared>> -> memref<128x64xf32, #tpu.memory_space<vmem_shared>>
        tpu.wait_dma2 semaphore(%run_scoped3A_58 : memref<!tpu.dma_semaphore, #tpu.memory_space<semaphore_mem>>) src(%dma_wait3A_81 : memref<128x64xf32, #tpu.memory_space<vmem_shared>>) dst(%dma_wait3A_79 : memref<128x64xf32, #tpu.memory_space<vmem>>)
        tpu.yield
      }) : () -> ()
      %run_scoped3A_56 = arith.constant 0 : i32
      "tpu.region"() ({
        %run_scoped3A_58 = tpu.sem_alloc : memref<!tpu.dma_semaphore, #tpu.memory_space<semaphore_mem>>
        %dma_start3A_59 = arith.constant 0 : i32
        %dma_start3A_60 = arith.constant 0 : i32
        %dma_start3A_61 = tpu.memref_slice %arg8[%run_scoped3A_56, %dma_start3A_59, %dma_start3A_60] : memref<2x128x64xf32, #tpu.memory_space<vmem>> -> memref<1x128x64xf32, #tpu.memory_space<vmem>>
        %dma_start3A_62 = tpu.memref_squeeze %dma_start3A_61 : memref<1x128x64xf32, #tpu.memory_space<vmem>> -> memref<128x64xf32, #tpu.memory_space<vmem>>
        %dma_start3A_63 = arith.constant 0 : i32
        %dma_start3A_64 = tpu.memref_slice %arg5[%arg0, %add3A, %dma_start3A_63] : memref<2x10240x64xf32, #tpu.memory_space<hbm>> -> memref<1x128x64xf32, #tpu.memory_space<hbm>>
        %dma_start3A_65 = tpu.memref_squeeze %dma_start3A_64 : memref<1x128x64xf32, #tpu.memory_space<hbm>> -> memref<128x64xf32, #tpu.memory_space<hbm>>
        %dma_start3A_66 = arith.constant 0 : i32
        %dma_start3A_67 = tpu.memref_slice %arg5[%arg0, %add3A, %dma_start3A_66] : memref<2x10240x64xf32, #tpu.memory_space<hbm>> -> memref<1x128x64xf32, #tpu.memory_space<hbm>>
        %dma_start3A_68 = tpu.memref_squeeze %dma_start3A_67 : memref<1x128x64xf32, #tpu.memory_space<hbm>> -> memref<128x64xf32, #tpu.memory_space<hbm>>
        %dma_start3A_69 = arith.constant 0 : i32
        %dma_start3A_70 = arith.constant 0 : i32
        %dma_start3A_71 = tpu.memref_slice %arg8[%run_scoped3A_56, %dma_start3A_69, %dma_start3A_70] : memref<2x128x64xf32, #tpu.memory_space<vmem>> -> memref<1x128x64xf32, #tpu.memory_space<vmem>>
        %dma_start3A_72 = tpu.memref_squeeze %dma_start3A_71 : memref<1x128x64xf32, #tpu.memory_space<vmem>> -> memref<128x64xf32, #tpu.memory_space<vmem>>
        tpu.enqueue_dma source(%dma_start3A_72 : memref<128x64xf32, #tpu.memory_space<vmem>>) target(%dma_start3A_68 : memref<128x64xf32, #tpu.memory_space<hbm>>) target_semaphore(%run_scoped3A_58 : memref<!tpu.dma_semaphore, #tpu.memory_space<semaphore_mem>>)
        %dma_wait3A = arith.constant 0 : i32
        %dma_wait3A_73 = arith.constant 0 : i32
        %dma_wait3A_74 = tpu.memref_slice %arg8[%run_scoped3A_56, %dma_wait3A, %dma_wait3A_73] : memref<2x128x64xf32, #tpu.memory_space<vmem>> -> memref<1x128x64xf32, #tpu.memory_space<vmem>>
        %dma_wait3A_75 = tpu.memref_squeeze %dma_wait3A_74 : memref<1x128x64xf32, #tpu.memory_space<vmem>> -> memref<128x64xf32, #tpu.memory_space<vmem>>
        %dma_wait3A_76 = arith.constant 0 : i32
        %dma_wait3A_77 = tpu.memref_slice %arg5[%arg0, %add3A, %dma_wait3A_76] : memref<2x10240x64xf32, #tpu.memory_space<hbm>> -> memref<1x128x64xf32, #tpu.memory_space<hbm>>
        %dma_wait3A_78 = tpu.memref_squeeze %dma_wait3A_77 : memref<1x128x64xf32, #tpu.memory_space<hbm>> -> memref<128x64xf32, #tpu.memory_space<hbm>>
        %dma_wait3A_79 = arith.constant 0 : i32
        %dma_wait3A_80 = tpu.memref_slice %arg5[%arg0, %add3A, %dma_wait3A_79] : memref<2x10240x64xf32, #tpu.memory_space<hbm>> -> memref<1x128x64xf32, #tpu.memory_space<hbm>>
        %dma_wait3A_81 = tpu.memref_squeeze %dma_wait3A_80 : memref<1x128x64xf32, #tpu.memory_space<hbm>> -> memref<128x64xf32, #tpu.memory_space<hbm>>
        %dma_wait3A_82 = arith.constant 0 : i32
        %dma_wait3A_83 = arith.constant 0 : i32
        %dma_wait3A_84 = tpu.memref_slice %arg8[%run_scoped3A_56, %dma_wait3A_82, %dma_wait3A_83] : memref<2x128x64xf32, #tpu.memory_space<vmem>> -> memref<1x128x64xf32, #tpu.memory_space<vmem>>
        %dma_wait3A_85 = tpu.memref_squeeze %dma_wait3A_84 : memref<1x128x64xf32, #tpu.memory_space<vmem>> -> memref<128x64xf32, #tpu.memory_space<vmem>>
        tpu.wait_dma2 semaphore(%run_scoped3A_58 : memref<!tpu.dma_semaphore, #tpu.memory_space<semaphore_mem>>) src(%dma_wait3A_85 : memref<128x64xf32, #tpu.memory_space<vmem>>) dst(%dma_wait3A_81 : memref<128x64xf32, #tpu.memory_space<hbm>>)
        tpu.yield
      }) : () -> ()
      %scan3A_57 = arith.constant 0 : i32
      scf.yield %scan3A_57 : i32
    }
    %scan3A_49 = arith.constant 5 : i32
    return
  }
}

#map = affine_map<(d0, d1) -> (0, 0)>
#map1 = affine_map<(d0, d1) -> (0, 0, 0)>
module attributes {stable_mosaic.version = 14 : i64} {
  func.func @_prop_kernel(%arg0: i32, %arg1: i32, %arg2: memref<20480x64xf32, #tpu.memory_space<hbm>>, %arg3: memref<2560x128xi32, #tpu.memory_space<hbm>>, %arg4: memref<2560x128xi32, #tpu.memory_space<hbm>>, %arg5: memref<2x10240x64xf32, #tpu.memory_space<hbm>>, %arg6: memref<160x128xi32, #tpu.memory_space<vmem>>, %arg7: memref<160x128xi32, #tpu.memory_space<vmem>>, %arg8: memref<2x128x64xf32, #tpu.memory_space<vmem>>, %arg9: memref<10240x64xf32, #tpu.memory_space<vmem_shared>>, %arg10: memref<!tpu.dma_semaphore, #tpu.memory_space<semaphore_mem>>, %arg11: memref<!tpu.dma_semaphore, #tpu.memory_space<semaphore_mem>>) attributes {dimension_semantics = [#tpu.dimension_semantics<core_parallel>, #tpu.dimension_semantics<subcore_parallel>], iteration_bounds = array<i64: 2, 16>, scalar_prefetch = 0 : i64, scratch_operands = 6 : i64, tpu.core_type = #tpu.core_type<sc_vector_subcore>, window_params = [{transform_indices = #map}, {transform_indices = #map}, {transform_indices = #map}, {transform_indices = #map1}]} {
    %broadcast_in_dim3A = arith.constant 0.000000e+00 : f32
    %broadcast_in_dim3A_0 = vector.broadcast %broadcast_in_dim3A : f32 to vector<16xf32>
    %scan3A = arith.constant 0 : i32
    %scan3A_1 = arith.constant 0 : i32
    %scan3A_2 = arith.constant 512 : i32
    %scan3A_3 = arith.addi %scan3A_1, %scan3A_2 : i32
    %scan3A_4 = arith.constant 1 : i32
    %scan3A_5 = scf.for %scan3A_50 = %scan3A_1 to %scan3A_3 step %scan3A_4 iter_args(%scan3A_51 = %scan3A) -> (i32)  : i32 {
      %jit3A = arith.constant 4 : i32
      %div3A = arith.divsi %scan3A_50, %jit3A : i32
      %sign3A = arith.constant 0 : i32
      %sign3A_52 = arith.cmpi sgt, %scan3A_50, %sign3A : i32
      %sign3A_53 = arith.extui %sign3A_52 : i1 to i32
      %sign3A_54 = arith.constant 0 : i32
      %sign3A_55 = arith.cmpi slt, %scan3A_50, %sign3A_54 : i32
      %sign3A_56 = arith.extui %sign3A_55 : i1 to i32
      %sign3A_57 = arith.subi %sign3A_53, %sign3A_56 : i32
      %sign3A_58 = arith.constant 0 : i32
      %sign3A_59 = arith.cmpi sgt, %jit3A, %sign3A_58 : i32
      %sign3A_60 = arith.extui %sign3A_59 : i1 to i32
      %sign3A_61 = arith.constant 0 : i32
      %sign3A_62 = arith.cmpi slt, %jit3A, %sign3A_61 : i32
      %sign3A_63 = arith.extui %sign3A_62 : i1 to i32
      %sign3A_64 = arith.subi %sign3A_60, %sign3A_63 : i32
      %ne3A = arith.cmpi ne, %sign3A_57, %sign3A_64 : i32
      %rem3A = arith.remsi %scan3A_50, %jit3A : i32
      %ne3A_65 = arith.constant 0 : i32
      %ne3A_66 = arith.cmpi ne, %rem3A, %ne3A_65 : i32
      %and3A = arith.andi %ne3A, %ne3A_66 : i1
      %sub3A = arith.constant 1 : i32
      %sub3A_67 = arith.subi %div3A, %sub3A : i32
      %select_n3A = arith.select %and3A, %sub3A_67, %div3A : i32
      %jit3A_68 = arith.constant 4 : i32
      %eq3A = arith.constant 0 : i32
      %eq3A_69 = arith.cmpi eq, %jit3A_68, %eq3A : i32
      %jit3A_70 = arith.constant 1 : i32
      %select_n3A_71 = arith.select %eq3A_69, %jit3A_70, %jit3A_68 : i32
      %rem3A_72 = arith.remsi %scan3A_50, %select_n3A_71 : i32
      %ne3A_73 = arith.constant 0 : i32
      %ne3A_74 = arith.cmpi ne, %rem3A_72, %ne3A_73 : i32
      %lt3A = arith.constant 0 : i32
      %lt3A_75 = arith.cmpi slt, %rem3A_72, %lt3A : i32
      %lt3A_76 = arith.constant 0 : i32
      %lt3A_77 = arith.cmpi slt, %select_n3A_71, %lt3A_76 : i32
      %ne3A_78 = arith.xori %lt3A_75, %lt3A_77 : i1
      %and3A_79 = arith.andi %ne3A_78, %ne3A_74 : i1
      %add3A = arith.addi %rem3A_72, %select_n3A_71 : i32
      %select_n3A_80 = arith.select %and3A_79, %add3A, %rem3A_72 : i32
      %mul3A_81 = arith.constant 16 : i32
      %mul3A_82 = arith.muli %select_n3A_80, %mul3A_81 : i32
      %swap3A = arith.constant 0 : i32
      %swap3A_83 = arith.index_cast %swap3A : i32 to index
      %swap3A_84 = arith.index_cast %select_n3A : i32 to index
      %swap3A_85 = arith.index_cast %mul3A_82 : i32 to index
      %swap3A_86 = tpu.vector_load %arg8[%swap3A_83, %swap3A_84, %swap3A_85] {strides = array<i32>} : memref<2x128x64xf32, #tpu.memory_space<vmem>>, vector<1x1x16xf32>,
      %swap3A_87 = vector.shape_cast %swap3A_86 : vector<1x1x16xf32> to vector<16xf32>
      %swap3A_88 = vector.shape_cast %broadcast_in_dim3A_0 : vector<16xf32> to vector<1x1x16xf32>
      tpu.vector_store %arg8[%swap3A_83, %swap3A_84, %swap3A_85], %swap3A_88 {strides = array<i32>} : memref<2x128x64xf32, #tpu.memory_space<vmem>>, vector<1x1x16xf32>,
      %scan3A_89 = arith.constant 0 : i32
      scf.yield %scan3A_89 : i32
    }
    %scan3A_6 = arith.constant 512 : i32
    %scan3A_7 = arith.constant 0 : i32
    %scan3A_8 = arith.constant 0 : i32
    %scan3A_9 = arith.constant 5 : i32
    %scan3A_10 = arith.addi %scan3A_8, %scan3A_9 : i32
    %scan3A_11 = arith.constant 1 : i32
    %scan3A_12 = scf.for %scan3A_50 = %scan3A_8 to %scan3A_10 step %scan3A_11 iter_args(%scan3A_51 = %scan3A_7) -> (i32)  : i32 {
      %mul3A_52 = arith.constant 640 : i32
      %mul3A_53 = arith.muli %arg1, %mul3A_52 : i32
      %mul3A_54 = arith.constant 128 : i32
      %mul3A_55 = arith.muli %scan3A_50, %mul3A_54 : i32
      %add3A = arith.addi %mul3A_53, %mul3A_55 : i32
      %run_scoped3A = arith.constant 0 : i32
      "tpu.region"() ({
        %run_scoped3A_57 = tpu.sem_alloc : memref<!tpu.dma_semaphore, #tpu.memory_space<semaphore_mem>>
        %dma_start3A_58 = arith.constant 0 : i32
        %dma_start3A_59 = arith.constant 0 : i32
        %dma_start3A_60 = tpu.memref_slice %arg8[%run_scoped3A, %dma_start3A_58, %dma_start3A_59] : memref<2x128x64xf32, #tpu.memory_space<vmem>> -> memref<1x128x64xf32, #tpu.memory_space<vmem>>
        %dma_start3A_61 = tpu.memref_squeeze %dma_start3A_60 : memref<1x128x64xf32, #tpu.memory_space<vmem>> -> memref<128x64xf32, #tpu.memory_space<vmem>>
        %dma_start3A_62 = arith.constant 0 : i32
        %dma_start3A_63 = tpu.memref_slice %arg9[%add3A, %dma_start3A_62] : memref<10240x64xf32, #tpu.memory_space<vmem_shared>> -> memref<128x64xf32, #tpu.memory_space<vmem_shared>>
        %dma_start3A_64 = arith.constant 0 : i32
        %dma_start3A_65 = tpu.memref_slice %arg9[%add3A, %dma_start3A_64] : memref<10240x64xf32, #tpu.memory_space<vmem_shared>> -> memref<128x64xf32, #tpu.memory_space<vmem_shared>>
        %dma_start3A_66 = arith.constant 0 : i32
        %dma_start3A_67 = arith.constant 0 : i32
        %dma_start3A_68 = tpu.memref_slice %arg8[%run_scoped3A, %dma_start3A_66, %dma_start3A_67] : memref<2x128x64xf32, #tpu.memory_space<vmem>> -> memref<1x128x64xf32, #tpu.memory_space<vmem>>
        %dma_start3A_69 = tpu.memref_squeeze %dma_start3A_68 : memref<1x128x64xf32, #tpu.memory_space<vmem>> -> memref<128x64xf32, #tpu.memory_space<vmem>>
        tpu.enqueue_dma source(%dma_start3A_69 : memref<128x64xf32, #tpu.memory_space<vmem>>) target(%dma_start3A_65 : memref<128x64xf32, #tpu.memory_space<vmem_shared>>) target_semaphore(%run_scoped3A_57 : memref<!tpu.dma_semaphore, #tpu.memory_space<semaphore_mem>>)
        %dma_wait3A = arith.constant 0 : i32
        %dma_wait3A_70 = arith.constant 0 : i32
        %dma_wait3A_71 = tpu.memref_slice %arg8[%run_scoped3A, %dma_wait3A, %dma_wait3A_70] : memref<2x128x64xf32, #tpu.memory_space<vmem>> -> memref<1x128x64xf32, #tpu.memory_space<vmem>>
        %dma_wait3A_72 = tpu.memref_squeeze %dma_wait3A_71 : memref<1x128x64xf32, #tpu.memory_space<vmem>> -> memref<128x64xf32, #tpu.memory_space<vmem>>
        %dma_wait3A_73 = arith.constant 0 : i32
        %dma_wait3A_74 = tpu.memref_slice %arg9[%add3A, %dma_wait3A_73] : memref<10240x64xf32, #tpu.memory_space<vmem_shared>> -> memref<128x64xf32, #tpu.memory_space<vmem_shared>>
        %dma_wait3A_75 = arith.constant 0 : i32
        %dma_wait3A_76 = tpu.memref_slice %arg9[%add3A, %dma_wait3A_75] : memref<10240x64xf32, #tpu.memory_space<vmem_shared>> -> memref<128x64xf32, #tpu.memory_space<vmem_shared>>
        %dma_wait3A_77 = arith.constant 0 : i32
        %dma_wait3A_78 = arith.constant 0 : i32
        %dma_wait3A_79 = tpu.memref_slice %arg8[%run_scoped3A, %dma_wait3A_77, %dma_wait3A_78] : memref<2x128x64xf32, #tpu.memory_space<vmem>> -> memref<1x128x64xf32, #tpu.memory_space<vmem>>
        %dma_wait3A_80 = tpu.memref_squeeze %dma_wait3A_79 : memref<1x128x64xf32, #tpu.memory_space<vmem>> -> memref<128x64xf32, #tpu.memory_space<vmem>>
        tpu.wait_dma2 semaphore(%run_scoped3A_57 : memref<!tpu.dma_semaphore, #tpu.memory_space<semaphore_mem>>) src(%dma_wait3A_80 : memref<128x64xf32, #tpu.memory_space<vmem>>) dst(%dma_wait3A_76 : memref<128x64xf32, #tpu.memory_space<vmem_shared>>)
        tpu.yield
      }) : () -> ()
      %scan3A_56 = arith.constant 0 : i32
      scf.yield %scan3A_56 : i32
    }
    %scan3A_13 = arith.constant 5 : i32
    %mul3A = arith.constant 160 : i32
    %mul3A_14 = arith.muli %arg1, %mul3A : i32
    "tpu.region"() ({
      %run_scoped3A = tpu.sem_alloc : memref<!tpu.dma_semaphore, #tpu.memory_space<semaphore_mem>>
      %dma_start3A_50 = arith.constant 0 : i32
      %dma_start3A_51 = tpu.memref_slice %arg3[%mul3A_14, %dma_start3A_50] : memref<2560x128xi32, #tpu.memory_space<hbm>> -> memref<160x128xi32, #tpu.memory_space<hbm>>
      %dma_start3A_52 = arith.constant 0 : i32
      %dma_start3A_53 = tpu.memref_slice %arg3[%mul3A_14, %dma_start3A_52] : memref<2560x128xi32, #tpu.memory_space<hbm>> -> memref<160x128xi32, #tpu.memory_space<hbm>>
      tpu.enqueue_dma source(%dma_start3A_53 : memref<160x128xi32, #tpu.memory_space<hbm>>) target(%arg6 : memref<160x128xi32, #tpu.memory_space<vmem>>) target_semaphore(%run_scoped3A : memref<!tpu.dma_semaphore, #tpu.memory_space<semaphore_mem>>)
      %dma_wait3A = arith.constant 0 : i32
      %dma_wait3A_54 = tpu.memref_slice %arg3[%mul3A_14, %dma_wait3A] : memref<2560x128xi32, #tpu.memory_space<hbm>> -> memref<160x128xi32, #tpu.memory_space<hbm>>
      %dma_wait3A_55 = arith.constant 0 : i32
      %dma_wait3A_56 = tpu.memref_slice %arg3[%mul3A_14, %dma_wait3A_55] : memref<2560x128xi32, #tpu.memory_space<hbm>> -> memref<160x128xi32, #tpu.memory_space<hbm>>
      tpu.wait_dma2 semaphore(%run_scoped3A : memref<!tpu.dma_semaphore, #tpu.memory_space<semaphore_mem>>) src(%dma_wait3A_56 : memref<160x128xi32, #tpu.memory_space<hbm>>) dst(%arg6 : memref<160x128xi32, #tpu.memory_space<vmem>>)
      tpu.yield
    }) : () -> ()
    %mul3A_15 = arith.constant 160 : i32
    %mul3A_16 = arith.muli %arg1, %mul3A_15 : i32
    "tpu.region"() ({
      %run_scoped3A = tpu.sem_alloc : memref<!tpu.dma_semaphore, #tpu.memory_space<semaphore_mem>>
      %dma_start3A_50 = arith.constant 0 : i32
      %dma_start3A_51 = tpu.memref_slice %arg4[%mul3A_16, %dma_start3A_50] : memref<2560x128xi32, #tpu.memory_space<hbm>> -> memref<160x128xi32, #tpu.memory_space<hbm>>
      %dma_start3A_52 = arith.constant 0 : i32
      %dma_start3A_53 = tpu.memref_slice %arg4[%mul3A_16, %dma_start3A_52] : memref<2560x128xi32, #tpu.memory_space<hbm>> -> memref<160x128xi32, #tpu.memory_space<hbm>>
      tpu.enqueue_dma source(%dma_start3A_53 : memref<160x128xi32, #tpu.memory_space<hbm>>) target(%arg7 : memref<160x128xi32, #tpu.memory_space<vmem>>) target_semaphore(%run_scoped3A : memref<!tpu.dma_semaphore, #tpu.memory_space<semaphore_mem>>)
      %dma_wait3A = arith.constant 0 : i32
      %dma_wait3A_54 = tpu.memref_slice %arg4[%mul3A_16, %dma_wait3A] : memref<2560x128xi32, #tpu.memory_space<hbm>> -> memref<160x128xi32, #tpu.memory_space<hbm>>
      %dma_wait3A_55 = arith.constant 0 : i32
      %dma_wait3A_56 = tpu.memref_slice %arg4[%mul3A_16, %dma_wait3A_55] : memref<2560x128xi32, #tpu.memory_space<hbm>> -> memref<160x128xi32, #tpu.memory_space<hbm>>
      tpu.wait_dma2 semaphore(%run_scoped3A : memref<!tpu.dma_semaphore, #tpu.memory_space<semaphore_mem>>) src(%dma_wait3A_56 : memref<160x128xi32, #tpu.memory_space<hbm>>) dst(%arg7 : memref<160x128xi32, #tpu.memory_space<vmem>>)
      tpu.yield
    }) : () -> ()
    %scan3A_17 = arith.constant 0 : i32
    %scan3A_18 = arith.constant 0 : i32
    %scan3A_19 = arith.constant 1280 : i32
    %scan3A_20 = arith.addi %scan3A_18, %scan3A_19 : i32
    %scan3A_21 = arith.constant 1 : i32
    %scan3A_22 = scf.for %scan3A_50 = %scan3A_18 to %scan3A_20 step %scan3A_21 iter_args(%scan3A_51 = %scan3A_17) -> (i32)  : i32 {
      %jit3A = arith.constant 8 : i32
      %div3A = arith.divsi %scan3A_50, %jit3A : i32
      %sign3A = arith.constant 0 : i32
      %sign3A_52 = arith.cmpi sgt, %scan3A_50, %sign3A : i32
      %sign3A_53 = arith.extui %sign3A_52 : i1 to i32
      %sign3A_54 = arith.constant 0 : i32
      %sign3A_55 = arith.cmpi slt, %scan3A_50, %sign3A_54 : i32
      %sign3A_56 = arith.extui %sign3A_55 : i1 to i32
      %sign3A_57 = arith.subi %sign3A_53, %sign3A_56 : i32
      %sign3A_58 = arith.constant 0 : i32
      %sign3A_59 = arith.cmpi sgt, %jit3A, %sign3A_58 : i32
      %sign3A_60 = arith.extui %sign3A_59 : i1 to i32
      %sign3A_61 = arith.constant 0 : i32
      %sign3A_62 = arith.cmpi slt, %jit3A, %sign3A_61 : i32
      %sign3A_63 = arith.extui %sign3A_62 : i1 to i32
      %sign3A_64 = arith.subi %sign3A_60, %sign3A_63 : i32
      %ne3A = arith.cmpi ne, %sign3A_57, %sign3A_64 : i32
      %rem3A = arith.remsi %scan3A_50, %jit3A : i32
      %ne3A_65 = arith.constant 0 : i32
      %ne3A_66 = arith.cmpi ne, %rem3A, %ne3A_65 : i32
      %and3A = arith.andi %ne3A, %ne3A_66 : i1
      %sub3A = arith.constant 1 : i32
      %sub3A_67 = arith.subi %div3A, %sub3A : i32
      %select_n3A = arith.select %and3A, %sub3A_67, %div3A : i32
      %jit3A_68 = arith.constant 8 : i32
      %eq3A = arith.constant 0 : i32
      %eq3A_69 = arith.cmpi eq, %jit3A_68, %eq3A : i32
      %jit3A_70 = arith.constant 1 : i32
      %select_n3A_71 = arith.select %eq3A_69, %jit3A_70, %jit3A_68 : i32
      %rem3A_72 = arith.remsi %scan3A_50, %select_n3A_71 : i32
      %ne3A_73 = arith.constant 0 : i32
      %ne3A_74 = arith.cmpi ne, %rem3A_72, %ne3A_73 : i32
      %lt3A = arith.constant 0 : i32
      %lt3A_75 = arith.cmpi slt, %rem3A_72, %lt3A : i32
      %lt3A_76 = arith.constant 0 : i32
      %lt3A_77 = arith.cmpi slt, %select_n3A_71, %lt3A_76 : i32
      %ne3A_78 = arith.xori %lt3A_75, %lt3A_77 : i1
      %and3A_79 = arith.andi %ne3A_78, %ne3A_74 : i1
      %add3A = arith.addi %rem3A_72, %select_n3A_71 : i32
      %select_n3A_80 = arith.select %and3A_79, %add3A, %rem3A_72 : i32
      %mul3A_81 = arith.constant 16 : i32
      %mul3A_82 = arith.muli %select_n3A_80, %mul3A_81 : i32
      %get3A = arith.index_cast %select_n3A : i32 to index
      %get3A_83 = arith.index_cast %mul3A_82 : i32 to index
      %get3A_84 = tpu.vector_load %arg6[%get3A, %get3A_83] {strides = array<i32>} : memref<160x128xi32, #tpu.memory_space<vmem>>, vector<1x16xi32>,
      %get3A_85 = vector.shape_cast %get3A_84 : vector<1x16xi32> to vector<16xi32>
      %add3A_86 = arith.addi %get3A_85, %get3A_85 : vector<16xi32>
      %add3A_87 = vector.broadcast %arg0 : i32 to vector<16xi32>
      %add3A_88 = arith.addi %add3A_86, %add3A_87 : vector<16xi32>
      %swap3A = arith.index_cast %select_n3A : i32 to index
      %swap3A_89 = arith.index_cast %mul3A_82 : i32 to index
      %swap3A_90 = tpu.vector_load %arg6[%swap3A, %swap3A_89] {strides = array<i32>} : memref<160x128xi32, #tpu.memory_space<vmem>>, vector<1x16xi32>,
      %swap3A_91 = vector.shape_cast %swap3A_90 : vector<1x16xi32> to vector<16xi32>
      %swap3A_92 = vector.shape_cast %add3A_88 : vector<16xi32> to vector<1x16xi32>
      tpu.vector_store %arg6[%swap3A, %swap3A_89], %swap3A_92 {strides = array<i32>} : memref<160x128xi32, #tpu.memory_space<vmem>>, vector<1x16xi32>,
      %scan3A_93 = arith.constant 0 : i32
      scf.yield %scan3A_93 : i32
    }
    %scan3A_23 = arith.constant 1280 : i32
    %barrier3A = arith.constant 0 : index
    tpu.barrier barrier_id(%barrier3A)
    %dma_start3A = arith.constant 0 : i32
    %dma_start3A_24 = arith.constant 0 : i32
    %dma_start3A_25 = arith.constant 0 : i32
    %dma_start3A_26 = arith.constant 0 : i32
    %dma_start3A_27 = tpu.memref_slice %arg8[%dma_start3A_24, %dma_start3A_25, %dma_start3A_26] : memref<2x128x64xf32, #tpu.memory_space<vmem>> -> memref<1x128x64xf32, #tpu.memory_space<vmem>>
    %dma_start3A_28 = tpu.memref_squeeze %dma_start3A_27 : memref<1x128x64xf32, #tpu.memory_space<vmem>> -> memref<128x64xf32, #tpu.memory_space<vmem>>
    %dma_start3A_29 = arith.constant 0 : i32
    %dma_start3A_30 = tpu.memref_slice %arg6[%dma_start3A, %dma_start3A_29] : memref<160x128xi32, #tpu.memory_space<vmem>> -> memref<1x128xi32, #tpu.memory_space<vmem>>
    %dma_start3A_31 = tpu.memref_squeeze %dma_start3A_30 : memref<1x128xi32, #tpu.memory_space<vmem>> -> memref<128xi32, #tpu.memory_space<vmem>>
    %dma_start3A_32 = arith.constant 0 : i32
    %dma_start3A_33 = arith.constant 0 : i32
    %dma_start3A_34 = tpu.memref_slice %arg2[%dma_start3A_32, %dma_start3A_33] : memref<20480x64xf32, #tpu.memory_space<hbm>> -> memref<20480x64xf32, #tpu.memory_space<hbm>>
    tpu.enqueue_indirect_dma source(%dma_start3A_34 : memref<20480x64xf32, #tpu.memory_space<hbm>>) target(%dma_start3A_28 : memref<128x64xf32, #tpu.memory_space<vmem>>) offsets(%dma_start3A_31 : memref<128xi32, #tpu.memory_space<vmem>>) semaphore(%arg10 : memref<!tpu.dma_semaphore, #tpu.memory_space<semaphore_mem>>)
    %scan3A_35 = arith.constant 0 : i32
    %scan3A_36 = arith.constant 0 : i32
    %scan3A_37 = arith.constant 80 : i32
    %scan3A_38 = arith.addi %scan3A_36, %scan3A_37 : i32
    %scan3A_39 = arith.constant 1 : i32
    %scan3A_40 = scf.for %scan3A_50 = %scan3A_36 to %scan3A_38 step %scan3A_39 iter_args(%scan3A_51 = %scan3A_35) -> (i32)  : i32 {
      %mul3A_52 = arith.constant 2 : i32
      %mul3A_53 = arith.muli %mul3A_52, %scan3A_50 : i32
      %dma_wait3A = arith.constant 0 : i32
      %dma_wait3A_54 = arith.constant 0 : i32
      %dma_wait3A_55 = arith.constant 0 : i32
      %dma_wait3A_56 = tpu.memref_slice %arg8[%dma_wait3A, %dma_wait3A_54, %dma_wait3A_55] : memref<2x128x64xf32, #tpu.memory_space<vmem>> -> memref<1x128x64xf32, #tpu.memory_space<vmem>>
      %dma_wait3A_57 = tpu.memref_squeeze %dma_wait3A_56 : memref<1x128x64xf32, #tpu.memory_space<vmem>> -> memref<128x64xf32, #tpu.memory_space<vmem>>
      %dma_wait3A_58 = arith.constant 0 : i32
      %dma_wait3A_59 = tpu.memref_slice %arg6[%mul3A_53, %dma_wait3A_58] : memref<160x128xi32, #tpu.memory_space<vmem>> -> memref<1x128xi32, #tpu.memory_space<vmem>>
      %dma_wait3A_60 = tpu.memref_squeeze %dma_wait3A_59 : memref<1x128xi32, #tpu.memory_space<vmem>> -> memref<128xi32, #tpu.memory_space<vmem>>
      %dma_wait3A_61 = arith.constant 0 : i32
      %dma_wait3A_62 = arith.constant 0 : i32
      %dma_wait3A_63 = tpu.memref_slice %arg2[%dma_wait3A_61, %dma_wait3A_62] : memref<20480x64xf32, #tpu.memory_space<hbm>> -> memref<20480x64xf32, #tpu.memory_space<hbm>>
      tpu.wait_indirect_dma semaphore(%arg10 : memref<!tpu.dma_semaphore, #tpu.memory_space<semaphore_mem>>) src(%dma_wait3A_63 : memref<20480x64xf32, #tpu.memory_space<hbm>>) dst(%dma_wait3A_57 : memref<128x64xf32, #tpu.memory_space<vmem>>)
      %add3A = arith.constant 1 : i32
      %add3A_64 = arith.addi %mul3A_53, %add3A : i32
      %dma_start3A_65 = arith.constant 1 : i32
      %dma_start3A_66 = arith.constant 0 : i32
      %dma_start3A_67 = arith.constant 0 : i32
      %dma_start3A_68 = tpu.memref_slice %arg8[%dma_start3A_65, %dma_start3A_66, %dma_start3A_67] : memref<2x128x64xf32, #tpu.memory_space<vmem>> -> memref<1x128x64xf32, #tpu.memory_space<vmem>>
      %dma_start3A_69 = tpu.memref_squeeze %dma_start3A_68 : memref<1x128x64xf32, #tpu.memory_space<vmem>> -> memref<128x64xf32, #tpu.memory_space<vmem>>
      %dma_start3A_70 = arith.constant 0 : i32
      %dma_start3A_71 = tpu.memref_slice %arg6[%add3A_64, %dma_start3A_70] : memref<160x128xi32, #tpu.memory_space<vmem>> -> memref<1x128xi32, #tpu.memory_space<vmem>>
      %dma_start3A_72 = tpu.memref_squeeze %dma_start3A_71 : memref<1x128xi32, #tpu.memory_space<vmem>> -> memref<128xi32, #tpu.memory_space<vmem>>
      %dma_start3A_73 = arith.constant 0 : i32
      %dma_start3A_74 = arith.constant 0 : i32
      %dma_start3A_75 = tpu.memref_slice %arg2[%dma_start3A_73, %dma_start3A_74] : memref<20480x64xf32, #tpu.memory_space<hbm>> -> memref<20480x64xf32, #tpu.memory_space<hbm>>
      tpu.enqueue_indirect_dma source(%dma_start3A_75 : memref<20480x64xf32, #tpu.memory_space<hbm>>) target(%dma_start3A_69 : memref<128x64xf32, #tpu.memory_space<vmem>>) offsets(%dma_start3A_72 : memref<128xi32, #tpu.memory_space<vmem>>) semaphore(%arg11 : memref<!tpu.dma_semaphore, #tpu.memory_space<semaphore_mem>>)
      %add3A_76 = arith.constant 1 : i32
      %add3A_77 = arith.addi %mul3A_53, %add3A_76 : i32
      %dma_wait3A_78 = arith.constant 1 : i32
      %dma_wait3A_79 = arith.constant 0 : i32
      %dma_wait3A_80 = arith.constant 0 : i32
      %dma_wait3A_81 = tpu.memref_slice %arg8[%dma_wait3A_78, %dma_wait3A_79, %dma_wait3A_80] : memref<2x128x64xf32, #tpu.memory_space<vmem>> -> memref<1x128x64xf32, #tpu.memory_space<vmem>>
      %dma_wait3A_82 = tpu.memref_squeeze %dma_wait3A_81 : memref<1x128x64xf32, #tpu.memory_space<vmem>> -> memref<128x64xf32, #tpu.memory_space<vmem>>
      %dma_wait3A_83 = arith.constant 0 : i32
      %dma_wait3A_84 = tpu.memref_slice %arg6[%add3A_77, %dma_wait3A_83] : memref<160x128xi32, #tpu.memory_space<vmem>> -> memref<1x128xi32, #tpu.memory_space<vmem>>
      %dma_wait3A_85 = tpu.memref_squeeze %dma_wait3A_84 : memref<1x128xi32, #tpu.memory_space<vmem>> -> memref<128xi32, #tpu.memory_space<vmem>>
      %dma_wait3A_86 = arith.constant 0 : i32
      %dma_wait3A_87 = arith.constant 0 : i32
      %dma_wait3A_88 = tpu.memref_slice %arg2[%dma_wait3A_86, %dma_wait3A_87] : memref<20480x64xf32, #tpu.memory_space<hbm>> -> memref<20480x64xf32, #tpu.memory_space<hbm>>
      tpu.wait_indirect_dma semaphore(%arg11 : memref<!tpu.dma_semaphore, #tpu.memory_space<semaphore_mem>>) src(%dma_wait3A_88 : memref<20480x64xf32, #tpu.memory_space<hbm>>) dst(%dma_wait3A_82 : memref<128x64xf32, #tpu.memory_space<vmem>>)
      %add3A_89 = arith.constant 1 : i32
      %add3A_90 = arith.addi %scan3A_50, %add3A_89 : i32
      %lt3A = arith.constant 80 : i32
      %lt3A_91 = arith.cmpi slt, %add3A_90, %lt3A : i32
      %convert_element_type3A = arith.extui %lt3A_91 : i1 to i32
      %cond3A = arith.constant 0 : i32
      %cond3A_92 = arith.cmpi ne, %convert_element_type3A, %cond3A : i32
      scf.if %cond3A_92 {
        %add3A_94 = arith.constant 2 : i32
        %add3A_95 = arith.addi %mul3A_53, %add3A_94 : i32
        %dma_start3A_96 = arith.constant 0 : i32
        %dma_start3A_97 = arith.constant 0 : i32
        %dma_start3A_98 = arith.constant 0 : i32
        %dma_start3A_99 = tpu.memref_slice %arg8[%dma_start3A_96, %dma_start3A_97, %dma_start3A_98] : memref<2x128x64xf32, #tpu.memory_space<vmem>> -> memref<1x128x64xf32, #tpu.memory_space<vmem>>
        %dma_start3A_100 = tpu.memref_squeeze %dma_start3A_99 : memref<1x128x64xf32, #tpu.memory_space<vmem>> -> memref<128x64xf32, #tpu.memory_space<vmem>>
        %dma_start3A_101 = arith.constant 0 : i32
        %dma_start3A_102 = tpu.memref_slice %arg6[%add3A_95, %dma_start3A_101] : memref<160x128xi32, #tpu.memory_space<vmem>> -> memref<1x128xi32, #tpu.memory_space<vmem>>
        %dma_start3A_103 = tpu.memref_squeeze %dma_start3A_102 : memref<1x128xi32, #tpu.memory_space<vmem>> -> memref<128xi32, #tpu.memory_space<vmem>>
        %dma_start3A_104 = arith.constant 0 : i32
        %dma_start3A_105 = arith.constant 0 : i32
        %dma_start3A_106 = tpu.memref_slice %arg2[%dma_start3A_104, %dma_start3A_105] : memref<20480x64xf32, #tpu.memory_space<hbm>> -> memref<20480x64xf32, #tpu.memory_space<hbm>>
        tpu.enqueue_indirect_dma source(%dma_start3A_106 : memref<20480x64xf32, #tpu.memory_space<hbm>>) target(%dma_start3A_100 : memref<128x64xf32, #tpu.memory_space<vmem>>) offsets(%dma_start3A_103 : memref<128xi32, #tpu.memory_space<vmem>>) semaphore(%arg10 : memref<!tpu.dma_semaphore, #tpu.memory_space<semaphore_mem>>)
      } else {
      }
      %scan3A_93 = arith.constant 0 : i32
      scf.yield %scan3A_93 : i32
    }
    %scan3A_41 = arith.constant 80 : i32
    %barrier3A_42 = arith.constant 0 : index
    tpu.barrier barrier_id(%barrier3A_42)
    %scan3A_43 = arith.constant 0 : i32
    %scan3A_44 = arith.constant 0 : i32
    %scan3A_45 = arith.constant 5 : i32
    %scan3A_46 = arith.addi %scan3A_44, %scan3A_45 : i32
    %scan3A_47 = arith.constant 1 : i32
    %scan3A_48 = scf.for %scan3A_50 = %scan3A_44 to %scan3A_46 step %scan3A_47 iter_args(%scan3A_51 = %scan3A_43) -> (i32)  : i32 {
      %mul3A_52 = arith.constant 640 : i32
      %mul3A_53 = arith.muli %arg1, %mul3A_52 : i32
      %mul3A_54 = arith.constant 128 : i32
      %mul3A_55 = arith.muli %scan3A_50, %mul3A_54 : i32
      %add3A = arith.addi %mul3A_53, %mul3A_55 : i32
      %run_scoped3A = arith.constant 0 : i32
      "tpu.region"() ({
        %run_scoped3A_58 = tpu.sem_alloc : memref<!tpu.dma_semaphore, #tpu.memory_space<semaphore_mem>>
        %dma_start3A_59 = arith.constant 0 : i32
        %dma_start3A_60 = arith.constant 0 : i32
        %dma_start3A_61 = tpu.memref_slice %arg8[%run_scoped3A, %dma_start3A_59, %dma_start3A_60] : memref<2x128x64xf32, #tpu.memory_space<vmem>> -> memref<1x128x64xf32, #tpu.memory_space<vmem>>
        %dma_start3A_62 = tpu.memref_squeeze %dma_start3A_61 : memref<1x128x64xf32, #tpu.memory_space<vmem>> -> memref<128x64xf32, #tpu.memory_space<vmem>>
        %dma_start3A_63 = arith.constant 0 : i32
        %dma_start3A_64 = tpu.memref_slice %arg9[%add3A, %dma_start3A_63] : memref<10240x64xf32, #tpu.memory_space<vmem_shared>> -> memref<128x64xf32, #tpu.memory_space<vmem_shared>>
        %dma_start3A_65 = arith.constant 0 : i32
        %dma_start3A_66 = arith.constant 0 : i32
        %dma_start3A_67 = tpu.memref_slice %arg8[%run_scoped3A, %dma_start3A_65, %dma_start3A_66] : memref<2x128x64xf32, #tpu.memory_space<vmem>> -> memref<1x128x64xf32, #tpu.memory_space<vmem>>
        %dma_start3A_68 = tpu.memref_squeeze %dma_start3A_67 : memref<1x128x64xf32, #tpu.memory_space<vmem>> -> memref<128x64xf32, #tpu.memory_space<vmem>>
        %dma_start3A_69 = arith.constant 0 : i32
        %dma_start3A_70 = tpu.memref_slice %arg9[%add3A, %dma_start3A_69] : memref<10240x64xf32, #tpu.memory_space<vmem_shared>> -> memref<128x64xf32, #tpu.memory_space<vmem_shared>>
        tpu.enqueue_dma source(%dma_start3A_70 : memref<128x64xf32, #tpu.memory_space<vmem_shared>>) target(%dma_start3A_68 : memref<128x64xf32, #tpu.memory_space<vmem>>) target_semaphore(%run_scoped3A_58 : memref<!tpu.dma_semaphore, #tpu.memory_space<semaphore_mem>>)
        %dma_wait3A = arith.constant 0 : i32
        %dma_wait3A_71 = arith.constant 0 : i32
        %dma_wait3A_72 = tpu.memref_slice %arg8[%run_scoped3A, %dma_wait3A, %dma_wait3A_71] : memref<2x128x64xf32, #tpu.memory_space<vmem>> -> memref<1x128x64xf32, #tpu.memory_space<vmem>>
        %dma_wait3A_73 = tpu.memref_squeeze %dma_wait3A_72 : memref<1x128x64xf32, #tpu.memory_space<vmem>> -> memref<128x64xf32, #tpu.memory_space<vmem>>
        %dma_wait3A_74 = arith.constant 0 : i32
        %dma_wait3A_75 = tpu.memref_slice %arg9[%add3A, %dma_wait3A_74] : memref<10240x64xf32, #tpu.memory_space<vmem_shared>> -> memref<128x64xf32, #tpu.memory_space<vmem_shared>>
        %dma_wait3A_76 = arith.constant 0 : i32
        %dma_wait3A_77 = arith.constant 0 : i32
        %dma_wait3A_78 = tpu.memref_slice %arg8[%run_scoped3A, %dma_wait3A_76, %dma_wait3A_77] : memref<2x128x64xf32, #tpu.memory_space<vmem>> -> memref<1x128x64xf32, #tpu.memory_space<vmem>>
        %dma_wait3A_79 = tpu.memref_squeeze %dma_wait3A_78 : memref<1x128x64xf32, #tpu.memory_space<vmem>> -> memref<128x64xf32, #tpu.memory_space<vmem>>
        %dma_wait3A_80 = arith.constant 0 : i32
        %dma_wait3A_81 = tpu.memref_slice %arg9[%add3A, %dma_wait3A_80] : memref<10240x64xf32, #tpu.memory_space<vmem_shared>> -> memref<128x64xf32, #tpu.memory_space<vmem_shared>>
        tpu.wait_dma2 semaphore(%run_scoped3A_58 : memref<!tpu.dma_semaphore, #tpu.memory_space<semaphore_mem>>) src(%dma_wait3A_81 : memref<128x64xf32, #tpu.memory_space<vmem_shared>>) dst(%dma_wait3A_79 : memref<128x64xf32, #tpu.memory_space<vmem>>)
        tpu.yield
      }) : () -> ()
      %run_scoped3A_56 = arith.constant 0 : i32
      "tpu.region"() ({
        %run_scoped3A_58 = tpu.sem_alloc : memref<!tpu.dma_semaphore, #tpu.memory_space<semaphore_mem>>
        %dma_start3A_59 = arith.constant 0 : i32
        %dma_start3A_60 = arith.constant 0 : i32
        %dma_start3A_61 = tpu.memref_slice %arg8[%run_scoped3A_56, %dma_start3A_59, %dma_start3A_60] : memref<2x128x64xf32, #tpu.memory_space<vmem>> -> memref<1x128x64xf32, #tpu.memory_space<vmem>>
        %dma_start3A_62 = tpu.memref_squeeze %dma_start3A_61 : memref<1x128x64xf32, #tpu.memory_space<vmem>> -> memref<128x64xf32, #tpu.memory_space<vmem>>
        %dma_start3A_63 = arith.constant 0 : i32
        %dma_start3A_64 = tpu.memref_slice %arg5[%arg0, %add3A, %dma_start3A_63] : memref<2x10240x64xf32, #tpu.memory_space<hbm>> -> memref<1x128x64xf32, #tpu.memory_space<hbm>>
        %dma_start3A_65 = tpu.memref_squeeze %dma_start3A_64 : memref<1x128x64xf32, #tpu.memory_space<hbm>> -> memref<128x64xf32, #tpu.memory_space<hbm>>
        %dma_start3A_66 = arith.constant 0 : i32
        %dma_start3A_67 = tpu.memref_slice %arg5[%arg0, %add3A, %dma_start3A_66] : memref<2x10240x64xf32, #tpu.memory_space<hbm>> -> memref<1x128x64xf32, #tpu.memory_space<hbm>>
        %dma_start3A_68 = tpu.memref_squeeze %dma_start3A_67 : memref<1x128x64xf32, #tpu.memory_space<hbm>> -> memref<128x64xf32, #tpu.memory_space<hbm>>
        %dma_start3A_69 = arith.constant 0 : i32
        %dma_start3A_70 = arith.constant 0 : i32
        %dma_start3A_71 = tpu.memref_slice %arg8[%run_scoped3A_56, %dma_start3A_69, %dma_start3A_70] : memref<2x128x64xf32, #tpu.memory_space<vmem>> -> memref<1x128x64xf32, #tpu.memory_space<vmem>>
        %dma_start3A_72 = tpu.memref_squeeze %dma_start3A_71 : memref<1x128x64xf32, #tpu.memory_space<vmem>> -> memref<128x64xf32, #tpu.memory_space<vmem>>
        tpu.enqueue_dma source(%dma_start3A_72 : memref<128x64xf32, #tpu.memory_space<vmem>>) target(%dma_start3A_68 : memref<128x64xf32, #tpu.memory_space<hbm>>) target_semaphore(%run_scoped3A_58 : memref<!tpu.dma_semaphore, #tpu.memory_space<semaphore_mem>>)
        %dma_wait3A = arith.constant 0 : i32
        %dma_wait3A_73 = arith.constant 0 : i32
        %dma_wait3A_74 = tpu.memref_slice %arg8[%run_scoped3A_56, %dma_wait3A, %dma_wait3A_73] : memref<2x128x64xf32, #tpu.memory_space<vmem>> -> memref<1x128x64xf32, #tpu.memory_space<vmem>>
        %dma_wait3A_75 = tpu.memref_squeeze %dma_wait3A_74 : memref<1x128x64xf32, #tpu.memory_space<vmem>> -> memref<128x64xf32, #tpu.memory_space<vmem>>
        %dma_wait3A_76 = arith.constant 0 : i32
        %dma_wait3A_77 = tpu.memref_slice %arg5[%arg0, %add3A, %dma_wait3A_76] : memref<2x10240x64xf32, #tpu.memory_space<hbm>> -> memref<1x128x64xf32, #tpu.memory_space<hbm>>
        %dma_wait3A_78 = tpu.memref_squeeze %dma_wait3A_77 : memref<1x128x64xf32, #tpu.memory_space<hbm>> -> memref<128x64xf32, #tpu.memory_space<hbm>>
        %dma_wait3A_79 = arith.constant 0 : i32
        %dma_wait3A_80 = tpu.memref_slice %arg5[%arg0, %add3A, %dma_wait3A_79] : memref<2x10240x64xf32, #tpu.memory_space<hbm>> -> memref<1x128x64xf32, #tpu.memory_space<hbm>>
        %dma_wait3A_81 = tpu.memref_squeeze %dma_wait3A_80 : memref<1x128x64xf32, #tpu.memory_space<hbm>> -> memref<128x64xf32, #tpu.memory_space<hbm>>
        %dma_wait3A_82 = arith.constant 0 : i32
        %dma_wait3A_83 = arith.constant 0 : i32
        %dma_wait3A_84 = tpu.memref_slice %arg8[%run_scoped3A_56, %dma_wait3A_82, %dma_wait3A_83] : memref<2x128x64xf32, #tpu.memory_space<vmem>> -> memref<1x128x64xf32, #tpu.memory_space<vmem>>
        %dma_wait3A_85 = tpu.memref_squeeze %dma_wait3A_84 : memref<1x128x64xf32, #tpu.memory_space<vmem>> -> memref<128x64xf32, #tpu.memory_space<vmem>>
        tpu.wait_dma2 semaphore(%run_scoped3A_58 : memref<!tpu.dma_semaphore, #tpu.memory_space<semaphore_mem>>) src(%dma_wait3A_85 : memref<128x64xf32, #tpu.memory_space<vmem>>) dst(%dma_wait3A_81 : memref<128x64xf32, #tpu.memory_space<hbm>>)
        tpu.yield
      }) : () -> ()
      %scan3A_57 = arith.constant 0 : i32
      scf.yield %scan3A_57 : i32
    }
    %scan3A_49 = arith.constant 5 : i32
    return
  }
}

#map = affine_map<(d0, d1) -> (0, 0)>
#map1 = affine_map<(d0, d1) -> (0, 0, 0)>
module attributes {stable_mosaic.version = 14 : i64} {
  func.func @_prop_kernel(%arg0: i32, %arg1: i32, %arg2: memref<20480x64xf32, #tpu.memory_space<hbm>>, %arg3: memref<2560x128xi32, #tpu.memory_space<hbm>>, %arg4: memref<2560x128xi32, #tpu.memory_space<hbm>>, %arg5: memref<2x10240x64xf32, #tpu.memory_space<hbm>>, %arg6: memref<160x128xi32, #tpu.memory_space<vmem>>, %arg7: memref<160x128xi32, #tpu.memory_space<vmem>>, %arg8: memref<2x128x64xf32, #tpu.memory_space<vmem>>, %arg9: memref<10240x64xf32, #tpu.memory_space<vmem_shared>>, %arg10: memref<!tpu.dma_semaphore, #tpu.memory_space<semaphore_mem>>, %arg11: memref<!tpu.dma_semaphore, #tpu.memory_space<semaphore_mem>>) attributes {dimension_semantics = [#tpu.dimension_semantics<core_parallel>, #tpu.dimension_semantics<subcore_parallel>], iteration_bounds = array<i64: 2, 16>, scalar_prefetch = 0 : i64, scratch_operands = 6 : i64, tpu.core_type = #tpu.core_type<sc_vector_subcore>, window_params = [{transform_indices = #map}, {transform_indices = #map}, {transform_indices = #map}, {transform_indices = #map1}]} {
    %broadcast_in_dim3A = arith.constant 0.000000e+00 : f32
    %broadcast_in_dim3A_0 = vector.broadcast %broadcast_in_dim3A : f32 to vector<16xf32>
    %scan3A = arith.constant 0 : i32
    %scan3A_1 = arith.constant 0 : i32
    %scan3A_2 = arith.constant 512 : i32
    %scan3A_3 = arith.addi %scan3A_1, %scan3A_2 : i32
    %scan3A_4 = arith.constant 1 : i32
    %scan3A_5 = scf.for %scan3A_50 = %scan3A_1 to %scan3A_3 step %scan3A_4 iter_args(%scan3A_51 = %scan3A) -> (i32)  : i32 {
      %jit3A = arith.constant 4 : i32
      %div3A = arith.divsi %scan3A_50, %jit3A : i32
      %sign3A = arith.constant 0 : i32
      %sign3A_52 = arith.cmpi sgt, %scan3A_50, %sign3A : i32
      %sign3A_53 = arith.extui %sign3A_52 : i1 to i32
      %sign3A_54 = arith.constant 0 : i32
      %sign3A_55 = arith.cmpi slt, %scan3A_50, %sign3A_54 : i32
      %sign3A_56 = arith.extui %sign3A_55 : i1 to i32
      %sign3A_57 = arith.subi %sign3A_53, %sign3A_56 : i32
      %sign3A_58 = arith.constant 0 : i32
      %sign3A_59 = arith.cmpi sgt, %jit3A, %sign3A_58 : i32
      %sign3A_60 = arith.extui %sign3A_59 : i1 to i32
      %sign3A_61 = arith.constant 0 : i32
      %sign3A_62 = arith.cmpi slt, %jit3A, %sign3A_61 : i32
      %sign3A_63 = arith.extui %sign3A_62 : i1 to i32
      %sign3A_64 = arith.subi %sign3A_60, %sign3A_63 : i32
      %ne3A = arith.cmpi ne, %sign3A_57, %sign3A_64 : i32
      %rem3A = arith.remsi %scan3A_50, %jit3A : i32
      %ne3A_65 = arith.constant 0 : i32
      %ne3A_66 = arith.cmpi ne, %rem3A, %ne3A_65 : i32
      %and3A = arith.andi %ne3A, %ne3A_66 : i1
      %sub3A = arith.constant 1 : i32
      %sub3A_67 = arith.subi %div3A, %sub3A : i32
      %select_n3A = arith.select %and3A, %sub3A_67, %div3A : i32
      %jit3A_68 = arith.constant 4 : i32
      %eq3A = arith.constant 0 : i32
      %eq3A_69 = arith.cmpi eq, %jit3A_68, %eq3A : i32
      %jit3A_70 = arith.constant 1 : i32
      %select_n3A_71 = arith.select %eq3A_69, %jit3A_70, %jit3A_68 : i32
      %rem3A_72 = arith.remsi %scan3A_50, %select_n3A_71 : i32
      %ne3A_73 = arith.constant 0 : i32
      %ne3A_74 = arith.cmpi ne, %rem3A_72, %ne3A_73 : i32
      %lt3A = arith.constant 0 : i32
      %lt3A_75 = arith.cmpi slt, %rem3A_72, %lt3A : i32
      %lt3A_76 = arith.constant 0 : i32
      %lt3A_77 = arith.cmpi slt, %select_n3A_71, %lt3A_76 : i32
      %ne3A_78 = arith.xori %lt3A_75, %lt3A_77 : i1
      %and3A_79 = arith.andi %ne3A_78, %ne3A_74 : i1
      %add3A = arith.addi %rem3A_72, %select_n3A_71 : i32
      %select_n3A_80 = arith.select %and3A_79, %add3A, %rem3A_72 : i32
      %mul3A_81 = arith.constant 16 : i32
      %mul3A_82 = arith.muli %select_n3A_80, %mul3A_81 : i32
      %swap3A = arith.constant 0 : i32
      %swap3A_83 = arith.index_cast %swap3A : i32 to index
      %swap3A_84 = arith.index_cast %select_n3A : i32 to index
      %swap3A_85 = arith.index_cast %mul3A_82 : i32 to index
      %swap3A_86 = tpu.vector_load %arg8[%swap3A_83, %swap3A_84, %swap3A_85] {strides = array<i32>} : memref<2x128x64xf32, #tpu.memory_space<vmem>>, vector<1x1x16xf32>,
      %swap3A_87 = vector.shape_cast %swap3A_86 : vector<1x1x16xf32> to vector<16xf32>
      %swap3A_88 = vector.shape_cast %broadcast_in_dim3A_0 : vector<16xf32> to vector<1x1x16xf32>
      tpu.vector_store %arg8[%swap3A_83, %swap3A_84, %swap3A_85], %swap3A_88 {strides = array<i32>} : memref<2x128x64xf32, #tpu.memory_space<vmem>>, vector<1x1x16xf32>,
      %scan3A_89 = arith.constant 0 : i32
      scf.yield %scan3A_89 : i32
    }
    %scan3A_6 = arith.constant 512 : i32
    %scan3A_7 = arith.constant 0 : i32
    %scan3A_8 = arith.constant 0 : i32
    %scan3A_9 = arith.constant 5 : i32
    %scan3A_10 = arith.addi %scan3A_8, %scan3A_9 : i32
    %scan3A_11 = arith.constant 1 : i32
    %scan3A_12 = scf.for %scan3A_50 = %scan3A_8 to %scan3A_10 step %scan3A_11 iter_args(%scan3A_51 = %scan3A_7) -> (i32)  : i32 {
      %mul3A_52 = arith.constant 640 : i32
      %mul3A_53 = arith.muli %arg1, %mul3A_52 : i32
      %mul3A_54 = arith.constant 128 : i32
      %mul3A_55 = arith.muli %scan3A_50, %mul3A_54 : i32
      %add3A = arith.addi %mul3A_53, %mul3A_55 : i32
      %run_scoped3A = arith.constant 0 : i32
      "tpu.region"() ({
        %run_scoped3A_57 = tpu.sem_alloc : memref<!tpu.dma_semaphore, #tpu.memory_space<semaphore_mem>>
        %dma_start3A_58 = arith.constant 0 : i32
        %dma_start3A_59 = arith.constant 0 : i32
        %dma_start3A_60 = tpu.memref_slice %arg8[%run_scoped3A, %dma_start3A_58, %dma_start3A_59] : memref<2x128x64xf32, #tpu.memory_space<vmem>> -> memref<1x128x64xf32, #tpu.memory_space<vmem>>
        %dma_start3A_61 = tpu.memref_squeeze %dma_start3A_60 : memref<1x128x64xf32, #tpu.memory_space<vmem>> -> memref<128x64xf32, #tpu.memory_space<vmem>>
        %dma_start3A_62 = arith.constant 0 : i32
        %dma_start3A_63 = tpu.memref_slice %arg9[%add3A, %dma_start3A_62] : memref<10240x64xf32, #tpu.memory_space<vmem_shared>> -> memref<128x64xf32, #tpu.memory_space<vmem_shared>>
        %dma_start3A_64 = arith.constant 0 : i32
        %dma_start3A_65 = tpu.memref_slice %arg9[%add3A, %dma_start3A_64] : memref<10240x64xf32, #tpu.memory_space<vmem_shared>> -> memref<128x64xf32, #tpu.memory_space<vmem_shared>>
        %dma_start3A_66 = arith.constant 0 : i32
        %dma_start3A_67 = arith.constant 0 : i32
        %dma_start3A_68 = tpu.memref_slice %arg8[%run_scoped3A, %dma_start3A_66, %dma_start3A_67] : memref<2x128x64xf32, #tpu.memory_space<vmem>> -> memref<1x128x64xf32, #tpu.memory_space<vmem>>
        %dma_start3A_69 = tpu.memref_squeeze %dma_start3A_68 : memref<1x128x64xf32, #tpu.memory_space<vmem>> -> memref<128x64xf32, #tpu.memory_space<vmem>>
        tpu.enqueue_dma source(%dma_start3A_69 : memref<128x64xf32, #tpu.memory_space<vmem>>) target(%dma_start3A_65 : memref<128x64xf32, #tpu.memory_space<vmem_shared>>) target_semaphore(%run_scoped3A_57 : memref<!tpu.dma_semaphore, #tpu.memory_space<semaphore_mem>>)
        %dma_wait3A = arith.constant 0 : i32
        %dma_wait3A_70 = arith.constant 0 : i32
        %dma_wait3A_71 = tpu.memref_slice %arg8[%run_scoped3A, %dma_wait3A, %dma_wait3A_70] : memref<2x128x64xf32, #tpu.memory_space<vmem>> -> memref<1x128x64xf32, #tpu.memory_space<vmem>>
        %dma_wait3A_72 = tpu.memref_squeeze %dma_wait3A_71 : memref<1x128x64xf32, #tpu.memory_space<vmem>> -> memref<128x64xf32, #tpu.memory_space<vmem>>
        %dma_wait3A_73 = arith.constant 0 : i32
        %dma_wait3A_74 = tpu.memref_slice %arg9[%add3A, %dma_wait3A_73] : memref<10240x64xf32, #tpu.memory_space<vmem_shared>> -> memref<128x64xf32, #tpu.memory_space<vmem_shared>>
        %dma_wait3A_75 = arith.constant 0 : i32
        %dma_wait3A_76 = tpu.memref_slice %arg9[%add3A, %dma_wait3A_75] : memref<10240x64xf32, #tpu.memory_space<vmem_shared>> -> memref<128x64xf32, #tpu.memory_space<vmem_shared>>
        %dma_wait3A_77 = arith.constant 0 : i32
        %dma_wait3A_78 = arith.constant 0 : i32
        %dma_wait3A_79 = tpu.memref_slice %arg8[%run_scoped3A, %dma_wait3A_77, %dma_wait3A_78] : memref<2x128x64xf32, #tpu.memory_space<vmem>> -> memref<1x128x64xf32, #tpu.memory_space<vmem>>
        %dma_wait3A_80 = tpu.memref_squeeze %dma_wait3A_79 : memref<1x128x64xf32, #tpu.memory_space<vmem>> -> memref<128x64xf32, #tpu.memory_space<vmem>>
        tpu.wait_dma2 semaphore(%run_scoped3A_57 : memref<!tpu.dma_semaphore, #tpu.memory_space<semaphore_mem>>) src(%dma_wait3A_80 : memref<128x64xf32, #tpu.memory_space<vmem>>) dst(%dma_wait3A_76 : memref<128x64xf32, #tpu.memory_space<vmem_shared>>)
        tpu.yield
      }) : () -> ()
      %scan3A_56 = arith.constant 0 : i32
      scf.yield %scan3A_56 : i32
    }
    %scan3A_13 = arith.constant 5 : i32
    %mul3A = arith.constant 160 : i32
    %mul3A_14 = arith.muli %arg1, %mul3A : i32
    "tpu.region"() ({
      %run_scoped3A = tpu.sem_alloc : memref<!tpu.dma_semaphore, #tpu.memory_space<semaphore_mem>>
      %dma_start3A_50 = arith.constant 0 : i32
      %dma_start3A_51 = tpu.memref_slice %arg3[%mul3A_14, %dma_start3A_50] : memref<2560x128xi32, #tpu.memory_space<hbm>> -> memref<160x128xi32, #tpu.memory_space<hbm>>
      %dma_start3A_52 = arith.constant 0 : i32
      %dma_start3A_53 = tpu.memref_slice %arg3[%mul3A_14, %dma_start3A_52] : memref<2560x128xi32, #tpu.memory_space<hbm>> -> memref<160x128xi32, #tpu.memory_space<hbm>>
      tpu.enqueue_dma source(%dma_start3A_53 : memref<160x128xi32, #tpu.memory_space<hbm>>) target(%arg6 : memref<160x128xi32, #tpu.memory_space<vmem>>) target_semaphore(%run_scoped3A : memref<!tpu.dma_semaphore, #tpu.memory_space<semaphore_mem>>)
      %dma_wait3A = arith.constant 0 : i32
      %dma_wait3A_54 = tpu.memref_slice %arg3[%mul3A_14, %dma_wait3A] : memref<2560x128xi32, #tpu.memory_space<hbm>> -> memref<160x128xi32, #tpu.memory_space<hbm>>
      %dma_wait3A_55 = arith.constant 0 : i32
      %dma_wait3A_56 = tpu.memref_slice %arg3[%mul3A_14, %dma_wait3A_55] : memref<2560x128xi32, #tpu.memory_space<hbm>> -> memref<160x128xi32, #tpu.memory_space<hbm>>
      tpu.wait_dma2 semaphore(%run_scoped3A : memref<!tpu.dma_semaphore, #tpu.memory_space<semaphore_mem>>) src(%dma_wait3A_56 : memref<160x128xi32, #tpu.memory_space<hbm>>) dst(%arg6 : memref<160x128xi32, #tpu.memory_space<vmem>>)
      tpu.yield
    }) : () -> ()
    %mul3A_15 = arith.constant 160 : i32
    %mul3A_16 = arith.muli %arg1, %mul3A_15 : i32
    "tpu.region"() ({
      %run_scoped3A = tpu.sem_alloc : memref<!tpu.dma_semaphore, #tpu.memory_space<semaphore_mem>>
      %dma_start3A_50 = arith.constant 0 : i32
      %dma_start3A_51 = tpu.memref_slice %arg4[%mul3A_16, %dma_start3A_50] : memref<2560x128xi32, #tpu.memory_space<hbm>> -> memref<160x128xi32, #tpu.memory_space<hbm>>
      %dma_start3A_52 = arith.constant 0 : i32
      %dma_start3A_53 = tpu.memref_slice %arg4[%mul3A_16, %dma_start3A_52] : memref<2560x128xi32, #tpu.memory_space<hbm>> -> memref<160x128xi32, #tpu.memory_space<hbm>>
      tpu.enqueue_dma source(%dma_start3A_53 : memref<160x128xi32, #tpu.memory_space<hbm>>) target(%arg7 : memref<160x128xi32, #tpu.memory_space<vmem>>) target_semaphore(%run_scoped3A : memref<!tpu.dma_semaphore, #tpu.memory_space<semaphore_mem>>)
      %dma_wait3A = arith.constant 0 : i32
      %dma_wait3A_54 = tpu.memref_slice %arg4[%mul3A_16, %dma_wait3A] : memref<2560x128xi32, #tpu.memory_space<hbm>> -> memref<160x128xi32, #tpu.memory_space<hbm>>
      %dma_wait3A_55 = arith.constant 0 : i32
      %dma_wait3A_56 = tpu.memref_slice %arg4[%mul3A_16, %dma_wait3A_55] : memref<2560x128xi32, #tpu.memory_space<hbm>> -> memref<160x128xi32, #tpu.memory_space<hbm>>
      tpu.wait_dma2 semaphore(%run_scoped3A : memref<!tpu.dma_semaphore, #tpu.memory_space<semaphore_mem>>) src(%dma_wait3A_56 : memref<160x128xi32, #tpu.memory_space<hbm>>) dst(%arg7 : memref<160x128xi32, #tpu.memory_space<vmem>>)
      tpu.yield
    }) : () -> ()
    %scan3A_17 = arith.constant 0 : i32
    %scan3A_18 = arith.constant 0 : i32
    %scan3A_19 = arith.constant 1280 : i32
    %scan3A_20 = arith.addi %scan3A_18, %scan3A_19 : i32
    %scan3A_21 = arith.constant 1 : i32
    %scan3A_22 = scf.for %scan3A_50 = %scan3A_18 to %scan3A_20 step %scan3A_21 iter_args(%scan3A_51 = %scan3A_17) -> (i32)  : i32 {
      %jit3A = arith.constant 8 : i32
      %div3A = arith.divsi %scan3A_50, %jit3A : i32
      %sign3A = arith.constant 0 : i32
      %sign3A_52 = arith.cmpi sgt, %scan3A_50, %sign3A : i32
      %sign3A_53 = arith.extui %sign3A_52 : i1 to i32
      %sign3A_54 = arith.constant 0 : i32
      %sign3A_55 = arith.cmpi slt, %scan3A_50, %sign3A_54 : i32
      %sign3A_56 = arith.extui %sign3A_55 : i1 to i32
      %sign3A_57 = arith.subi %sign3A_53, %sign3A_56 : i32
      %sign3A_58 = arith.constant 0 : i32
      %sign3A_59 = arith.cmpi sgt, %jit3A, %sign3A_58 : i32
      %sign3A_60 = arith.extui %sign3A_59 : i1 to i32
      %sign3A_61 = arith.constant 0 : i32
      %sign3A_62 = arith.cmpi slt, %jit3A, %sign3A_61 : i32
      %sign3A_63 = arith.extui %sign3A_62 : i1 to i32
      %sign3A_64 = arith.subi %sign3A_60, %sign3A_63 : i32
      %ne3A = arith.cmpi ne, %sign3A_57, %sign3A_64 : i32
      %rem3A = arith.remsi %scan3A_50, %jit3A : i32
      %ne3A_65 = arith.constant 0 : i32
      %ne3A_66 = arith.cmpi ne, %rem3A, %ne3A_65 : i32
      %and3A = arith.andi %ne3A, %ne3A_66 : i1
      %sub3A = arith.constant 1 : i32
      %sub3A_67 = arith.subi %div3A, %sub3A : i32
      %select_n3A = arith.select %and3A, %sub3A_67, %div3A : i32
      %jit3A_68 = arith.constant 8 : i32
      %eq3A = arith.constant 0 : i32
      %eq3A_69 = arith.cmpi eq, %jit3A_68, %eq3A : i32
      %jit3A_70 = arith.constant 1 : i32
      %select_n3A_71 = arith.select %eq3A_69, %jit3A_70, %jit3A_68 : i32
      %rem3A_72 = arith.remsi %scan3A_50, %select_n3A_71 : i32
      %ne3A_73 = arith.constant 0 : i32
      %ne3A_74 = arith.cmpi ne, %rem3A_72, %ne3A_73 : i32
      %lt3A = arith.constant 0 : i32
      %lt3A_75 = arith.cmpi slt, %rem3A_72, %lt3A : i32
      %lt3A_76 = arith.constant 0 : i32
      %lt3A_77 = arith.cmpi slt, %select_n3A_71, %lt3A_76 : i32
      %ne3A_78 = arith.xori %lt3A_75, %lt3A_77 : i1
      %and3A_79 = arith.andi %ne3A_78, %ne3A_74 : i1
      %add3A = arith.addi %rem3A_72, %select_n3A_71 : i32
      %select_n3A_80 = arith.select %and3A_79, %add3A, %rem3A_72 : i32
      %mul3A_81 = arith.constant 16 : i32
      %mul3A_82 = arith.muli %select_n3A_80, %mul3A_81 : i32
      %get3A = arith.index_cast %select_n3A : i32 to index
      %get3A_83 = arith.index_cast %mul3A_82 : i32 to index
      %get3A_84 = tpu.vector_load %arg6[%get3A, %get3A_83] {strides = array<i32>} : memref<160x128xi32, #tpu.memory_space<vmem>>, vector<1x16xi32>,
      %get3A_85 = vector.shape_cast %get3A_84 : vector<1x16xi32> to vector<16xi32>
      %add3A_86 = arith.addi %get3A_85, %get3A_85 : vector<16xi32>
      %add3A_87 = vector.broadcast %arg0 : i32 to vector<16xi32>
      %add3A_88 = arith.addi %add3A_86, %add3A_87 : vector<16xi32>
      %swap3A = arith.index_cast %select_n3A : i32 to index
      %swap3A_89 = arith.index_cast %mul3A_82 : i32 to index
      %swap3A_90 = tpu.vector_load %arg6[%swap3A, %swap3A_89] {strides = array<i32>} : memref<160x128xi32, #tpu.memory_space<vmem>>, vector<1x16xi32>,
      %swap3A_91 = vector.shape_cast %swap3A_90 : vector<1x16xi32> to vector<16xi32>
      %swap3A_92 = vector.shape_cast %add3A_88 : vector<16xi32> to vector<1x16xi32>
      tpu.vector_store %arg6[%swap3A, %swap3A_89], %swap3A_92 {strides = array<i32>} : memref<160x128xi32, #tpu.memory_space<vmem>>, vector<1x16xi32>,
      %scan3A_93 = arith.constant 0 : i32
      scf.yield %scan3A_93 : i32
    }
    %scan3A_23 = arith.constant 1280 : i32
    %barrier3A = arith.constant 0 : index
    tpu.barrier barrier_id(%barrier3A)
    %dma_start3A = arith.constant 0 : i32
    %dma_start3A_24 = arith.constant 0 : i32
    %dma_start3A_25 = arith.constant 0 : i32
    %dma_start3A_26 = arith.constant 0 : i32
    %dma_start3A_27 = tpu.memref_slice %arg8[%dma_start3A_24, %dma_start3A_25, %dma_start3A_26] : memref<2x128x64xf32, #tpu.memory_space<vmem>> -> memref<1x128x64xf32, #tpu.memory_space<vmem>>
    %dma_start3A_28 = tpu.memref_squeeze %dma_start3A_27 : memref<1x128x64xf32, #tpu.memory_space<vmem>> -> memref<128x64xf32, #tpu.memory_space<vmem>>
    %dma_start3A_29 = arith.constant 0 : i32
    %dma_start3A_30 = tpu.memref_slice %arg6[%dma_start3A, %dma_start3A_29] : memref<160x128xi32, #tpu.memory_space<vmem>> -> memref<1x128xi32, #tpu.memory_space<vmem>>
    %dma_start3A_31 = tpu.memref_squeeze %dma_start3A_30 : memref<1x128xi32, #tpu.memory_space<vmem>> -> memref<128xi32, #tpu.memory_space<vmem>>
    %dma_start3A_32 = arith.constant 0 : i32
    %dma_start3A_33 = arith.constant 0 : i32
    %dma_start3A_34 = tpu.memref_slice %arg2[%dma_start3A_32, %dma_start3A_33] : memref<20480x64xf32, #tpu.memory_space<hbm>> -> memref<20480x64xf32, #tpu.memory_space<hbm>>
    tpu.enqueue_indirect_dma source(%dma_start3A_34 : memref<20480x64xf32, #tpu.memory_space<hbm>>) target(%dma_start3A_28 : memref<128x64xf32, #tpu.memory_space<vmem>>) offsets(%dma_start3A_31 : memref<128xi32, #tpu.memory_space<vmem>>) semaphore(%arg10 : memref<!tpu.dma_semaphore, #tpu.memory_space<semaphore_mem>>)
    %scan3A_35 = arith.constant 0 : i32
    %scan3A_36 = arith.constant 0 : i32
    %scan3A_37 = arith.constant 80 : i32
    %scan3A_38 = arith.addi %scan3A_36, %scan3A_37 : i32
    %scan3A_39 = arith.constant 1 : i32
    %scan3A_40 = scf.for %scan3A_50 = %scan3A_36 to %scan3A_38 step %scan3A_39 iter_args(%scan3A_51 = %scan3A_35) -> (i32)  : i32 {
      %mul3A_52 = arith.constant 2 : i32
      %mul3A_53 = arith.muli %mul3A_52, %scan3A_50 : i32
      %dma_wait3A = arith.constant 0 : i32
      %dma_wait3A_54 = arith.constant 0 : i32
      %dma_wait3A_55 = arith.constant 0 : i32
      %dma_wait3A_56 = tpu.memref_slice %arg8[%dma_wait3A, %dma_wait3A_54, %dma_wait3A_55] : memref<2x128x64xf32, #tpu.memory_space<vmem>> -> memref<1x128x64xf32, #tpu.memory_space<vmem>>
      %dma_wait3A_57 = tpu.memref_squeeze %dma_wait3A_56 : memref<1x128x64xf32, #tpu.memory_space<vmem>> -> memref<128x64xf32, #tpu.memory_space<vmem>>
      %dma_wait3A_58 = arith.constant 0 : i32
      %dma_wait3A_59 = tpu.memref_slice %arg6[%mul3A_53, %dma_wait3A_58] : memref<160x128xi32, #tpu.memory_space<vmem>> -> memref<1x128xi32, #tpu.memory_space<vmem>>
      %dma_wait3A_60 = tpu.memref_squeeze %dma_wait3A_59 : memref<1x128xi32, #tpu.memory_space<vmem>> -> memref<128xi32, #tpu.memory_space<vmem>>
      %dma_wait3A_61 = arith.constant 0 : i32
      %dma_wait3A_62 = arith.constant 0 : i32
      %dma_wait3A_63 = tpu.memref_slice %arg2[%dma_wait3A_61, %dma_wait3A_62] : memref<20480x64xf32, #tpu.memory_space<hbm>> -> memref<20480x64xf32, #tpu.memory_space<hbm>>
      tpu.wait_indirect_dma semaphore(%arg10 : memref<!tpu.dma_semaphore, #tpu.memory_space<semaphore_mem>>) src(%dma_wait3A_63 : memref<20480x64xf32, #tpu.memory_space<hbm>>) dst(%dma_wait3A_57 : memref<128x64xf32, #tpu.memory_space<vmem>>)
      %add3A = arith.constant 1 : i32
      %add3A_64 = arith.addi %mul3A_53, %add3A : i32
      %dma_start3A_65 = arith.constant 1 : i32
      %dma_start3A_66 = arith.constant 0 : i32
      %dma_start3A_67 = arith.constant 0 : i32
      %dma_start3A_68 = tpu.memref_slice %arg8[%dma_start3A_65, %dma_start3A_66, %dma_start3A_67] : memref<2x128x64xf32, #tpu.memory_space<vmem>> -> memref<1x128x64xf32, #tpu.memory_space<vmem>>
      %dma_start3A_69 = tpu.memref_squeeze %dma_start3A_68 : memref<1x128x64xf32, #tpu.memory_space<vmem>> -> memref<128x64xf32, #tpu.memory_space<vmem>>
      %dma_start3A_70 = arith.constant 0 : i32
      %dma_start3A_71 = tpu.memref_slice %arg6[%add3A_64, %dma_start3A_70] : memref<160x128xi32, #tpu.memory_space<vmem>> -> memref<1x128xi32, #tpu.memory_space<vmem>>
      %dma_start3A_72 = tpu.memref_squeeze %dma_start3A_71 : memref<1x128xi32, #tpu.memory_space<vmem>> -> memref<128xi32, #tpu.memory_space<vmem>>
      %dma_start3A_73 = arith.constant 0 : i32
      %dma_start3A_74 = arith.constant 0 : i32
      %dma_start3A_75 = tpu.memref_slice %arg2[%dma_start3A_73, %dma_start3A_74] : memref<20480x64xf32, #tpu.memory_space<hbm>> -> memref<20480x64xf32, #tpu.memory_space<hbm>>
      tpu.enqueue_indirect_dma source(%dma_start3A_75 : memref<20480x64xf32, #tpu.memory_space<hbm>>) target(%dma_start3A_69 : memref<128x64xf32, #tpu.memory_space<vmem>>) offsets(%dma_start3A_72 : memref<128xi32, #tpu.memory_space<vmem>>) semaphore(%arg11 : memref<!tpu.dma_semaphore, #tpu.memory_space<semaphore_mem>>)
      %add3A_76 = arith.constant 1 : i32
      %add3A_77 = arith.addi %mul3A_53, %add3A_76 : i32
      %dma_wait3A_78 = arith.constant 1 : i32
      %dma_wait3A_79 = arith.constant 0 : i32
      %dma_wait3A_80 = arith.constant 0 : i32
      %dma_wait3A_81 = tpu.memref_slice %arg8[%dma_wait3A_78, %dma_wait3A_79, %dma_wait3A_80] : memref<2x128x64xf32, #tpu.memory_space<vmem>> -> memref<1x128x64xf32, #tpu.memory_space<vmem>>
      %dma_wait3A_82 = tpu.memref_squeeze %dma_wait3A_81 : memref<1x128x64xf32, #tpu.memory_space<vmem>> -> memref<128x64xf32, #tpu.memory_space<vmem>>
      %dma_wait3A_83 = arith.constant 0 : i32
      %dma_wait3A_84 = tpu.memref_slice %arg6[%add3A_77, %dma_wait3A_83] : memref<160x128xi32, #tpu.memory_space<vmem>> -> memref<1x128xi32, #tpu.memory_space<vmem>>
      %dma_wait3A_85 = tpu.memref_squeeze %dma_wait3A_84 : memref<1x128xi32, #tpu.memory_space<vmem>> -> memref<128xi32, #tpu.memory_space<vmem>>
      %dma_wait3A_86 = arith.constant 0 : i32
      %dma_wait3A_87 = arith.constant 0 : i32
      %dma_wait3A_88 = tpu.memref_slice %arg2[%dma_wait3A_86, %dma_wait3A_87] : memref<20480x64xf32, #tpu.memory_space<hbm>> -> memref<20480x64xf32, #tpu.memory_space<hbm>>
      tpu.wait_indirect_dma semaphore(%arg11 : memref<!tpu.dma_semaphore, #tpu.memory_space<semaphore_mem>>) src(%dma_wait3A_88 : memref<20480x64xf32, #tpu.memory_space<hbm>>) dst(%dma_wait3A_82 : memref<128x64xf32, #tpu.memory_space<vmem>>)
      %add3A_89 = arith.constant 1 : i32
      %add3A_90 = arith.addi %scan3A_50, %add3A_89 : i32
      %lt3A = arith.constant 80 : i32
      %lt3A_91 = arith.cmpi slt, %add3A_90, %lt3A : i32
      %convert_element_type3A = arith.extui %lt3A_91 : i1 to i32
      %cond3A = arith.constant 0 : i32
      %cond3A_92 = arith.cmpi ne, %convert_element_type3A, %cond3A : i32
      scf.if %cond3A_92 {
        %add3A_94 = arith.constant 2 : i32
        %add3A_95 = arith.addi %mul3A_53, %add3A_94 : i32
        %dma_start3A_96 = arith.constant 0 : i32
        %dma_start3A_97 = arith.constant 0 : i32
        %dma_start3A_98 = arith.constant 0 : i32
        %dma_start3A_99 = tpu.memref_slice %arg8[%dma_start3A_96, %dma_start3A_97, %dma_start3A_98] : memref<2x128x64xf32, #tpu.memory_space<vmem>> -> memref<1x128x64xf32, #tpu.memory_space<vmem>>
        %dma_start3A_100 = tpu.memref_squeeze %dma_start3A_99 : memref<1x128x64xf32, #tpu.memory_space<vmem>> -> memref<128x64xf32, #tpu.memory_space<vmem>>
        %dma_start3A_101 = arith.constant 0 : i32
        %dma_start3A_102 = tpu.memref_slice %arg6[%add3A_95, %dma_start3A_101] : memref<160x128xi32, #tpu.memory_space<vmem>> -> memref<1x128xi32, #tpu.memory_space<vmem>>
        %dma_start3A_103 = tpu.memref_squeeze %dma_start3A_102 : memref<1x128xi32, #tpu.memory_space<vmem>> -> memref<128xi32, #tpu.memory_space<vmem>>
        %dma_start3A_104 = arith.constant 0 : i32
        %dma_start3A_105 = arith.constant 0 : i32
        %dma_start3A_106 = tpu.memref_slice %arg2[%dma_start3A_104, %dma_start3A_105] : memref<20480x64xf32, #tpu.memory_space<hbm>> -> memref<20480x64xf32, #tpu.memory_space<hbm>>
        tpu.enqueue_indirect_dma source(%dma_start3A_106 : memref<20480x64xf32, #tpu.memory_space<hbm>>) target(%dma_start3A_100 : memref<128x64xf32, #tpu.memory_space<vmem>>) offsets(%dma_start3A_103 : memref<128xi32, #tpu.memory_space<vmem>>) semaphore(%arg10 : memref<!tpu.dma_semaphore, #tpu.memory_space<semaphore_mem>>)
      } else {
      }
      %scan3A_93 = arith.constant 0 : i32
      scf.yield %scan3A_93 : i32
    }
    %scan3A_41 = arith.constant 80 : i32
    %barrier3A_42 = arith.constant 0 : index
    tpu.barrier barrier_id(%barrier3A_42)
    %scan3A_43 = arith.constant 0 : i32
    %scan3A_44 = arith.constant 0 : i32
    %scan3A_45 = arith.constant 5 : i32
    %scan3A_46 = arith.addi %scan3A_44, %scan3A_45 : i32
    %scan3A_47 = arith.constant 1 : i32
    %scan3A_48 = scf.for %scan3A_50 = %scan3A_44 to %scan3A_46 step %scan3A_47 iter_args(%scan3A_51 = %scan3A_43) -> (i32)  : i32 {
      %mul3A_52 = arith.constant 640 : i32
      %mul3A_53 = arith.muli %arg1, %mul3A_52 : i32
      %mul3A_54 = arith.constant 128 : i32
      %mul3A_55 = arith.muli %scan3A_50, %mul3A_54 : i32
      %add3A = arith.addi %mul3A_53, %mul3A_55 : i32
      %run_scoped3A = arith.constant 0 : i32
      "tpu.region"() ({
        %run_scoped3A_58 = tpu.sem_alloc : memref<!tpu.dma_semaphore, #tpu.memory_space<semaphore_mem>>
        %dma_start3A_59 = arith.constant 0 : i32
        %dma_start3A_60 = arith.constant 0 : i32
        %dma_start3A_61 = tpu.memref_slice %arg8[%run_scoped3A, %dma_start3A_59, %dma_start3A_60] : memref<2x128x64xf32, #tpu.memory_space<vmem>> -> memref<1x128x64xf32, #tpu.memory_space<vmem>>
        %dma_start3A_62 = tpu.memref_squeeze %dma_start3A_61 : memref<1x128x64xf32, #tpu.memory_space<vmem>> -> memref<128x64xf32, #tpu.memory_space<vmem>>
        %dma_start3A_63 = arith.constant 0 : i32
        %dma_start3A_64 = tpu.memref_slice %arg9[%add3A, %dma_start3A_63] : memref<10240x64xf32, #tpu.memory_space<vmem_shared>> -> memref<128x64xf32, #tpu.memory_space<vmem_shared>>
        %dma_start3A_65 = arith.constant 0 : i32
        %dma_start3A_66 = arith.constant 0 : i32
        %dma_start3A_67 = tpu.memref_slice %arg8[%run_scoped3A, %dma_start3A_65, %dma_start3A_66] : memref<2x128x64xf32, #tpu.memory_space<vmem>> -> memref<1x128x64xf32, #tpu.memory_space<vmem>>
        %dma_start3A_68 = tpu.memref_squeeze %dma_start3A_67 : memref<1x128x64xf32, #tpu.memory_space<vmem>> -> memref<128x64xf32, #tpu.memory_space<vmem>>
        %dma_start3A_69 = arith.constant 0 : i32
        %dma_start3A_70 = tpu.memref_slice %arg9[%add3A, %dma_start3A_69] : memref<10240x64xf32, #tpu.memory_space<vmem_shared>> -> memref<128x64xf32, #tpu.memory_space<vmem_shared>>
        tpu.enqueue_dma source(%dma_start3A_70 : memref<128x64xf32, #tpu.memory_space<vmem_shared>>) target(%dma_start3A_68 : memref<128x64xf32, #tpu.memory_space<vmem>>) target_semaphore(%run_scoped3A_58 : memref<!tpu.dma_semaphore, #tpu.memory_space<semaphore_mem>>)
        %dma_wait3A = arith.constant 0 : i32
        %dma_wait3A_71 = arith.constant 0 : i32
        %dma_wait3A_72 = tpu.memref_slice %arg8[%run_scoped3A, %dma_wait3A, %dma_wait3A_71] : memref<2x128x64xf32, #tpu.memory_space<vmem>> -> memref<1x128x64xf32, #tpu.memory_space<vmem>>
        %dma_wait3A_73 = tpu.memref_squeeze %dma_wait3A_72 : memref<1x128x64xf32, #tpu.memory_space<vmem>> -> memref<128x64xf32, #tpu.memory_space<vmem>>
        %dma_wait3A_74 = arith.constant 0 : i32
        %dma_wait3A_75 = tpu.memref_slice %arg9[%add3A, %dma_wait3A_74] : memref<10240x64xf32, #tpu.memory_space<vmem_shared>> -> memref<128x64xf32, #tpu.memory_space<vmem_shared>>
        %dma_wait3A_76 = arith.constant 0 : i32
        %dma_wait3A_77 = arith.constant 0 : i32
        %dma_wait3A_78 = tpu.memref_slice %arg8[%run_scoped3A, %dma_wait3A_76, %dma_wait3A_77] : memref<2x128x64xf32, #tpu.memory_space<vmem>> -> memref<1x128x64xf32, #tpu.memory_space<vmem>>
        %dma_wait3A_79 = tpu.memref_squeeze %dma_wait3A_78 : memref<1x128x64xf32, #tpu.memory_space<vmem>> -> memref<128x64xf32, #tpu.memory_space<vmem>>
        %dma_wait3A_80 = arith.constant 0 : i32
        %dma_wait3A_81 = tpu.memref_slice %arg9[%add3A, %dma_wait3A_80] : memref<10240x64xf32, #tpu.memory_space<vmem_shared>> -> memref<128x64xf32, #tpu.memory_space<vmem_shared>>
        tpu.wait_dma2 semaphore(%run_scoped3A_58 : memref<!tpu.dma_semaphore, #tpu.memory_space<semaphore_mem>>) src(%dma_wait3A_81 : memref<128x64xf32, #tpu.memory_space<vmem_shared>>) dst(%dma_wait3A_79 : memref<128x64xf32, #tpu.memory_space<vmem>>)
        tpu.yield
      }) : () -> ()
      %run_scoped3A_56 = arith.constant 0 : i32
      "tpu.region"() ({
        %run_scoped3A_58 = tpu.sem_alloc : memref<!tpu.dma_semaphore, #tpu.memory_space<semaphore_mem>>
        %dma_start3A_59 = arith.constant 0 : i32
        %dma_start3A_60 = arith.constant 0 : i32
        %dma_start3A_61 = tpu.memref_slice %arg8[%run_scoped3A_56, %dma_start3A_59, %dma_start3A_60] : memref<2x128x64xf32, #tpu.memory_space<vmem>> -> memref<1x128x64xf32, #tpu.memory_space<vmem>>
        %dma_start3A_62 = tpu.memref_squeeze %dma_start3A_61 : memref<1x128x64xf32, #tpu.memory_space<vmem>> -> memref<128x64xf32, #tpu.memory_space<vmem>>
        %dma_start3A_63 = arith.constant 0 : i32
        %dma_start3A_64 = tpu.memref_slice %arg5[%arg0, %add3A, %dma_start3A_63] : memref<2x10240x64xf32, #tpu.memory_space<hbm>> -> memref<1x128x64xf32, #tpu.memory_space<hbm>>
        %dma_start3A_65 = tpu.memref_squeeze %dma_start3A_64 : memref<1x128x64xf32, #tpu.memory_space<hbm>> -> memref<128x64xf32, #tpu.memory_space<hbm>>
        %dma_start3A_66 = arith.constant 0 : i32
        %dma_start3A_67 = tpu.memref_slice %arg5[%arg0, %add3A, %dma_start3A_66] : memref<2x10240x64xf32, #tpu.memory_space<hbm>> -> memref<1x128x64xf32, #tpu.memory_space<hbm>>
        %dma_start3A_68 = tpu.memref_squeeze %dma_start3A_67 : memref<1x128x64xf32, #tpu.memory_space<hbm>> -> memref<128x64xf32, #tpu.memory_space<hbm>>
        %dma_start3A_69 = arith.constant 0 : i32
        %dma_start3A_70 = arith.constant 0 : i32
        %dma_start3A_71 = tpu.memref_slice %arg8[%run_scoped3A_56, %dma_start3A_69, %dma_start3A_70] : memref<2x128x64xf32, #tpu.memory_space<vmem>> -> memref<1x128x64xf32, #tpu.memory_space<vmem>>
        %dma_start3A_72 = tpu.memref_squeeze %dma_start3A_71 : memref<1x128x64xf32, #tpu.memory_space<vmem>> -> memref<128x64xf32, #tpu.memory_space<vmem>>
        tpu.enqueue_dma source(%dma_start3A_72 : memref<128x64xf32, #tpu.memory_space<vmem>>) target(%dma_start3A_68 : memref<128x64xf32, #tpu.memory_space<hbm>>) target_semaphore(%run_scoped3A_58 : memref<!tpu.dma_semaphore, #tpu.memory_space<semaphore_mem>>)
        %dma_wait3A = arith.constant 0 : i32
        %dma_wait3A_73 = arith.constant 0 : i32
        %dma_wait3A_74 = tpu.memref_slice %arg8[%run_scoped3A_56, %dma_wait3A, %dma_wait3A_73] : memref<2x128x64xf32, #tpu.memory_space<vmem>> -> memref<1x128x64xf32, #tpu.memory_space<vmem>>
        %dma_wait3A_75 = tpu.memref_squeeze %dma_wait3A_74 : memref<1x128x64xf32, #tpu.memory_space<vmem>> -> memref<128x64xf32, #tpu.memory_space<vmem>>
        %dma_wait3A_76 = arith.constant 0 : i32
        %dma_wait3A_77 = tpu.memref_slice %arg5[%arg0, %add3A, %dma_wait3A_76] : memref<2x10240x64xf32, #tpu.memory_space<hbm>> -> memref<1x128x64xf32, #tpu.memory_space<hbm>>
        %dma_wait3A_78 = tpu.memref_squeeze %dma_wait3A_77 : memref<1x128x64xf32, #tpu.memory_space<hbm>> -> memref<128x64xf32, #tpu.memory_space<hbm>>
        %dma_wait3A_79 = arith.constant 0 : i32
        %dma_wait3A_80 = tpu.memref_slice %arg5[%arg0, %add3A, %dma_wait3A_79] : memref<2x10240x64xf32, #tpu.memory_space<hbm>> -> memref<1x128x64xf32, #tpu.memory_space<hbm>>
        %dma_wait3A_81 = tpu.memref_squeeze %dma_wait3A_80 : memref<1x128x64xf32, #tpu.memory_space<hbm>> -> memref<128x64xf32, #tpu.memory_space<hbm>>
        %dma_wait3A_82 = arith.constant 0 : i32
        %dma_wait3A_83 = arith.constant 0 : i32
        %dma_wait3A_84 = tpu.memref_slice %arg8[%run_scoped3A_56, %dma_wait3A_82, %dma_wait3A_83] : memref<2x128x64xf32, #tpu.memory_space<vmem>> -> memref<1x128x64xf32, #tpu.memory_space<vmem>>
        %dma_wait3A_85 = tpu.memref_squeeze %dma_wait3A_84 : memref<1x128x64xf32, #tpu.memory_space<vmem>> -> memref<128x64xf32, #tpu.memory_space<vmem>>
        tpu.wait_dma2 semaphore(%run_scoped3A_58 : memref<!tpu.dma_semaphore, #tpu.memory_space<semaphore_mem>>) src(%dma_wait3A_85 : memref<128x64xf32, #tpu.memory_space<vmem>>) dst(%dma_wait3A_81 : memref<128x64xf32, #tpu.memory_space<hbm>>)
        tpu.yield
      }) : () -> ()
      %scan3A_57 = arith.constant 0 : i32
      scf.yield %scan3A_57 : i32
    }
    %scan3A_49 = arith.constant 5 : i32
    return
  }
}

module attributes {stable_mosaic.version = 14 : i64} {
  func.func @_dis_body(%arg0: i32, %arg1: memref<640x2xf32, #tpu.memory_space<vmem>>, %arg2: memref<640x128xf32, #tpu.memory_space<vmem>>, %arg3: memref<640x128xf32, #tpu.memory_space<vmem>>, %arg4: memref<640x128xf32, #tpu.memory_space<vmem>>) attributes {dimension_semantics = [#tpu.dimension_semantics<arbitrary>], iteration_bounds = array<i64: 16>, scalar_prefetch = 0 : i64, scratch_operands = 0 : i64, tpu.core_type = #tpu.core_type<tc>, window_params = [{transform_indices = @transform_0, window_bounds = array<i64: 640, 2>}, {transform_indices = @transform_1, window_bounds = array<i64: 640, 128>}, {transform_indices = @transform_2, window_bounds = array<i64: 640, 128>}, {transform_indices = @transform_3, window_bounds = array<i64: 640, 128>}]} {
    %get3A = arith.constant 0 : index
    %get3A_0 = arith.constant 0 : index
    %get3A_1 = vector.load %arg1[%get3A, %get3A_0] : memref<640x2xf32, #tpu.memory_space<vmem>>, vector<640x2xf32>
    %slice3A = vector.extract_strided_slice %get3A_1 {offsets = [0, 0], sizes = [640, 1], strides = [1, 1]} : vector<640x2xf32> to vector<640x1xf32>
    %slice3A_2 = vector.extract_strided_slice %get3A_1 {offsets = [0, 1], sizes = [640, 1], strides = [1, 1]} : vector<640x2xf32> to vector<640x1xf32>
    %add3A = arith.addf %slice3A, %slice3A_2 : vector<640x1xf32>
    %gt3A = arith.constant 0.000000e+00 : f32
    %gt3A_3 = vector.broadcast %gt3A : f32 to vector<640x1xf32>
    %gt3A_4 = arith.cmpf ogt, %add3A, %gt3A_3 : vector<640x1xf32>
    %rsqrt3A = math.rsqrt %add3A : vector<640x1xf32>
    %jit3A = arith.constant 0.000000e+00 : f32
    %broadcast_in_dim3A = vector.broadcast %jit3A : f32 to vector<640x1xf32>
    %select_n3A = arith.select %gt3A_4, %rsqrt3A, %broadcast_in_dim3A : vector<640x1xi1>, vector<640x1xf32>
    %broadcast_in_dim3A_5 = vector.shape_cast %select_n3A : vector<640x1xf32> to vector<640x1xf32>
    %broadcast_in_dim3A_6 = vector.broadcast %broadcast_in_dim3A_5 : vector<640x1xf32> to vector<640x128xf32>
    %swap3A = arith.constant 0 : index
    %swap3A_7 = arith.constant 0 : index
    %swap3A_8 = vector.load %arg3[%swap3A, %swap3A_7] : memref<640x128xf32, #tpu.memory_space<vmem>>, vector<640x128xf32>
    tpu.vector_store %arg3[%swap3A, %swap3A_7], %broadcast_in_dim3A_6 {strides = array<i32>} : memref<640x128xf32, #tpu.memory_space<vmem>>, vector<640x128xf32>,
    %get3A_9 = arith.constant 0 : index
    %get3A_10 = arith.constant 0 : index
    %get3A_11 = vector.load %arg2[%get3A_9, %get3A_10] : memref<640x128xf32, #tpu.memory_space<vmem>>, vector<640x128xf32>
    %mul3A = arith.mulf %broadcast_in_dim3A_6, %get3A_11 : vector<640x128xf32>
    %swap3A_12 = arith.constant 0 : index
    %swap3A_13 = arith.constant 0 : index
    %swap3A_14 = vector.load %arg4[%swap3A_12, %swap3A_13] : memref<640x128xf32, #tpu.memory_space<vmem>>, vector<640x128xf32>
    tpu.vector_store %arg4[%swap3A_12, %swap3A_13], %mul3A {strides = array<i32>} : memref<640x128xf32, #tpu.memory_space<vmem>>, vector<640x128xf32>,
    return
  }
  func.func @transform_0(%arg0: i32) -> (i32, i32) {
    %c0_i32 = arith.constant 0 : i32
    %c0_i32_0 = arith.constant 0 : i32
    return %arg0, %c0_i32 : i32, i32
  }
  func.func @transform_1(%arg0: i32) -> (i32, i32) {
    %c0_i32 = arith.constant 0 : i32
    %c0_i32_0 = arith.constant 0 : i32
    return %arg0, %c0_i32 : i32, i32
  }
  func.func @transform_2(%arg0: i32) -> (i32, i32) {
    %c0_i32 = arith.constant 0 : i32
    %c0_i32_0 = arith.constant 0 : i32
    return %arg0, %c0_i32 : i32, i32
  }
  func.func @transform_3(%arg0: i32) -> (i32, i32) {
    %c0_i32 = arith.constant 0 : i32
    %c0_i32_0 = arith.constant 0 : i32
    return %arg0, %c0_i32 : i32, i32
  }
}

module attributes {stable_mosaic.version = 14 : i64} {
  func.func @_upd_body(%arg0: i32, %arg1: memref<2x640x64xf32, #tpu.memory_space<vmem>>, %arg2: memref<640x128xf32, #tpu.memory_space<vmem>>, %arg3: memref<640x128xf32, #tpu.memory_space<vmem>>, %arg4: memref<640x128xf32, #tpu.memory_space<vmem>>, %arg5: memref<640x128xf32, #tpu.memory_space<vmem>>, %arg6: memref<640x128xf32, #tpu.memory_space<vmem>>, %arg7: memref<640x128xf32, #tpu.memory_space<vmem>>) attributes {dimension_semantics = [#tpu.dimension_semantics<arbitrary>], iteration_bounds = array<i64: 16>, scalar_prefetch = 0 : i64, scratch_operands = 0 : i64, tpu.core_type = #tpu.core_type<tc>, window_params = [{transform_indices = @transform_0, window_bounds = array<i64: 2, 640, 64>}, {transform_indices = @transform_1, window_bounds = array<i64: 640, 128>}, {transform_indices = @transform_2, window_bounds = array<i64: 640, 128>}, {transform_indices = @transform_3, window_bounds = array<i64: 640, 128>}, {transform_indices = @transform_4, window_bounds = array<i64: 640, 128>}, {transform_indices = @transform_5, window_bounds = array<i64: 640, 128>}, {transform_indices = @transform_6, window_bounds = array<i64: 640, 128>}]} {
    %get3A = arith.constant 0 : index
    %get3A_0 = arith.constant 0 : index
    %get3A_1 = arith.constant 0 : index
    %get3A_2 = vector.load %arg1[%get3A, %get3A_0, %get3A_1] : memref<2x640x64xf32, #tpu.memory_space<vmem>>, vector<1x640x64xf32>
    %get3A_3 = vector.shape_cast %get3A_2 : vector<1x640x64xf32> to vector<640x64xf32>
    %get3A_4 = arith.constant 1 : index
    %get3A_5 = arith.constant 0 : index
    %get3A_6 = arith.constant 0 : index
    %get3A_7 = vector.load %arg1[%get3A_4, %get3A_5, %get3A_6] : memref<2x640x64xf32, #tpu.memory_space<vmem>>, vector<1x640x64xf32>
    %get3A_8 = vector.shape_cast %get3A_7 : vector<1x640x64xf32> to vector<640x64xf32>
    %concatenate3A = tpu.concatenate %get3A_3, %get3A_8 in 1 : vector<640x64xf32>, vector<640x64xf32> -> vector<640x128xf32>
    %get3A_9 = arith.constant 0 : index
    %get3A_10 = arith.constant 0 : index
    %get3A_11 = vector.load %arg2[%get3A_9, %get3A_10] : memref<640x128xf32, #tpu.memory_space<vmem>>, vector<640x128xf32>
    %get3A_12 = arith.constant 0 : index
    %get3A_13 = arith.constant 0 : index
    %get3A_14 = vector.load %arg3[%get3A_12, %get3A_13] : memref<640x128xf32, #tpu.memory_space<vmem>>, vector<640x128xf32>
    %mul3A = arith.mulf %get3A_11, %concatenate3A : vector<640x128xf32>
    %sub3A = arith.subf %get3A_14, %mul3A : vector<640x128xf32>
    %swap3A = arith.constant 0 : index
    %swap3A_15 = arith.constant 0 : index
    %swap3A_16 = vector.load %arg5[%swap3A, %swap3A_15] : memref<640x128xf32, #tpu.memory_space<vmem>>, vector<640x128xf32>
    tpu.vector_store %arg5[%swap3A, %swap3A_15], %sub3A {strides = array<i32>} : memref<640x128xf32, #tpu.memory_space<vmem>>, vector<640x128xf32>,
    %get3A_17 = arith.constant 0 : index
    %get3A_18 = arith.constant 0 : index
    %get3A_19 = vector.load %arg4[%get3A_17, %get3A_18] : memref<640x128xf32, #tpu.memory_space<vmem>>, vector<640x128xf32>
    %mul3A_20 = arith.constant -1.000000e+00 : f32
    %mul3A_21 = vector.broadcast %mul3A_20 : f32 to vector<640x128xf32>
    %mul3A_22 = arith.mulf %mul3A_21, %sub3A : vector<640x128xf32>
    %add3A = arith.addf %get3A_19, %mul3A_22 : vector<640x128xf32>
    %swap3A_23 = arith.constant 0 : index
    %swap3A_24 = arith.constant 0 : index
    %swap3A_25 = vector.load %arg6[%swap3A_23, %swap3A_24] : memref<640x128xf32, #tpu.memory_space<vmem>>, vector<640x128xf32>
    tpu.vector_store %arg6[%swap3A_23, %swap3A_24], %add3A {strides = array<i32>} : memref<640x128xf32, #tpu.memory_space<vmem>>, vector<640x128xf32>,
    %mul3A_26 = arith.mulf %get3A_11, %sub3A : vector<640x128xf32>
    %swap3A_27 = arith.constant 0 : index
    %swap3A_28 = arith.constant 0 : index
    %swap3A_29 = vector.load %arg7[%swap3A_27, %swap3A_28] : memref<640x128xf32, #tpu.memory_space<vmem>>, vector<640x128xf32>
    tpu.vector_store %arg7[%swap3A_27, %swap3A_28], %mul3A_26 {strides = array<i32>} : memref<640x128xf32, #tpu.memory_space<vmem>>, vector<640x128xf32>,
    return
  }
  func.func @transform_0(%arg0: i32) -> (i32, i32, i32) {
    %c0_i32 = arith.constant 0 : i32
    %c0_i32_0 = arith.constant 0 : i32
    %c0_i32_1 = arith.constant 0 : i32
    return %c0_i32, %arg0, %c0_i32_0 : i32, i32, i32
  }
  func.func @transform_1(%arg0: i32) -> (i32, i32) {
    %c0_i32 = arith.constant 0 : i32
    %c0_i32_0 = arith.constant 0 : i32
    return %arg0, %c0_i32 : i32, i32
  }
  func.func @transform_2(%arg0: i32) -> (i32, i32) {
    %c0_i32 = arith.constant 0 : i32
    %c0_i32_0 = arith.constant 0 : i32
    return %arg0, %c0_i32 : i32, i32
  }
  func.func @transform_3(%arg0: i32) -> (i32, i32) {
    %c0_i32 = arith.constant 0 : i32
    %c0_i32_0 = arith.constant 0 : i32
    return %arg0, %c0_i32 : i32, i32
  }
  func.func @transform_4(%arg0: i32) -> (i32, i32) {
    %c0_i32 = arith.constant 0 : i32
    %c0_i32_0 = arith.constant 0 : i32
    return %arg0, %c0_i32 : i32, i32
  }
  func.func @transform_5(%arg0: i32) -> (i32, i32) {
    %c0_i32 = arith.constant 0 : i32
    %c0_i32_0 = arith.constant 0 : i32
    return %arg0, %c0_i32 : i32, i32
  }
  func.func @transform_6(%arg0: i32) -> (i32, i32) {
    %c0_i32 = arith.constant 0 : i32
    %c0_i32_0 = arith.constant 0 : i32
    return %arg0, %c0_i32 : i32, i32
  }
}

module attributes {stable_mosaic.version = 14 : i64} {
  func.func @_upd_body(%arg0: i32, %arg1: memref<2x640x64xf32, #tpu.memory_space<vmem>>, %arg2: memref<640x128xf32, #tpu.memory_space<vmem>>, %arg3: memref<640x128xf32, #tpu.memory_space<vmem>>, %arg4: memref<640x128xf32, #tpu.memory_space<vmem>>, %arg5: memref<640x128xf32, #tpu.memory_space<vmem>>, %arg6: memref<640x128xf32, #tpu.memory_space<vmem>>, %arg7: memref<640x128xf32, #tpu.memory_space<vmem>>) attributes {dimension_semantics = [#tpu.dimension_semantics<arbitrary>], iteration_bounds = array<i64: 16>, scalar_prefetch = 0 : i64, scratch_operands = 0 : i64, tpu.core_type = #tpu.core_type<tc>, window_params = [{transform_indices = @transform_0, window_bounds = array<i64: 2, 640, 64>}, {transform_indices = @transform_1, window_bounds = array<i64: 640, 128>}, {transform_indices = @transform_2, window_bounds = array<i64: 640, 128>}, {transform_indices = @transform_3, window_bounds = array<i64: 640, 128>}, {transform_indices = @transform_4, window_bounds = array<i64: 640, 128>}, {transform_indices = @transform_5, window_bounds = array<i64: 640, 128>}, {transform_indices = @transform_6, window_bounds = array<i64: 640, 128>}]} {
    %get3A = arith.constant 0 : index
    %get3A_0 = arith.constant 0 : index
    %get3A_1 = arith.constant 0 : index
    %get3A_2 = vector.load %arg1[%get3A, %get3A_0, %get3A_1] : memref<2x640x64xf32, #tpu.memory_space<vmem>>, vector<1x640x64xf32>
    %get3A_3 = vector.shape_cast %get3A_2 : vector<1x640x64xf32> to vector<640x64xf32>
    %get3A_4 = arith.constant 1 : index
    %get3A_5 = arith.constant 0 : index
    %get3A_6 = arith.constant 0 : index
    %get3A_7 = vector.load %arg1[%get3A_4, %get3A_5, %get3A_6] : memref<2x640x64xf32, #tpu.memory_space<vmem>>, vector<1x640x64xf32>
    %get3A_8 = vector.shape_cast %get3A_7 : vector<1x640x64xf32> to vector<640x64xf32>
    %concatenate3A = tpu.concatenate %get3A_3, %get3A_8 in 1 : vector<640x64xf32>, vector<640x64xf32> -> vector<640x128xf32>
    %get3A_9 = arith.constant 0 : index
    %get3A_10 = arith.constant 0 : index
    %get3A_11 = vector.load %arg2[%get3A_9, %get3A_10] : memref<640x128xf32, #tpu.memory_space<vmem>>, vector<640x128xf32>
    %get3A_12 = arith.constant 0 : index
    %get3A_13 = arith.constant 0 : index
    %get3A_14 = vector.load %arg3[%get3A_12, %get3A_13] : memref<640x128xf32, #tpu.memory_space<vmem>>, vector<640x128xf32>
    %mul3A = arith.mulf %get3A_11, %concatenate3A : vector<640x128xf32>
    %sub3A = arith.subf %get3A_14, %mul3A : vector<640x128xf32>
    %swap3A = arith.constant 0 : index
    %swap3A_15 = arith.constant 0 : index
    %swap3A_16 = vector.load %arg5[%swap3A, %swap3A_15] : memref<640x128xf32, #tpu.memory_space<vmem>>, vector<640x128xf32>
    tpu.vector_store %arg5[%swap3A, %swap3A_15], %sub3A {strides = array<i32>} : memref<640x128xf32, #tpu.memory_space<vmem>>, vector<640x128xf32>,
    %get3A_17 = arith.constant 0 : index
    %get3A_18 = arith.constant 0 : index
    %get3A_19 = vector.load %arg4[%get3A_17, %get3A_18] : memref<640x128xf32, #tpu.memory_space<vmem>>, vector<640x128xf32>
    %mul3A_20 = arith.constant 5.000000e-01 : f32
    %mul3A_21 = vector.broadcast %mul3A_20 : f32 to vector<640x128xf32>
    %mul3A_22 = arith.mulf %mul3A_21, %sub3A : vector<640x128xf32>
    %add3A = arith.addf %get3A_19, %mul3A_22 : vector<640x128xf32>
    %swap3A_23 = arith.constant 0 : index
    %swap3A_24 = arith.constant 0 : index
    %swap3A_25 = vector.load %arg6[%swap3A_23, %swap3A_24] : memref<640x128xf32, #tpu.memory_space<vmem>>, vector<640x128xf32>
    tpu.vector_store %arg6[%swap3A_23, %swap3A_24], %add3A {strides = array<i32>} : memref<640x128xf32, #tpu.memory_space<vmem>>, vector<640x128xf32>,
    %mul3A_26 = arith.mulf %get3A_11, %sub3A : vector<640x128xf32>
    %swap3A_27 = arith.constant 0 : index
    %swap3A_28 = arith.constant 0 : index
    %swap3A_29 = vector.load %arg7[%swap3A_27, %swap3A_28] : memref<640x128xf32, #tpu.memory_space<vmem>>, vector<640x128xf32>
    tpu.vector_store %arg7[%swap3A_27, %swap3A_28], %mul3A_26 {strides = array<i32>} : memref<640x128xf32, #tpu.memory_space<vmem>>, vector<640x128xf32>,
    return
  }
  func.func @transform_0(%arg0: i32) -> (i32, i32, i32) {
    %c0_i32 = arith.constant 0 : i32
    %c0_i32_0 = arith.constant 0 : i32
    %c0_i32_1 = arith.constant 0 : i32
    return %c0_i32, %arg0, %c0_i32_0 : i32, i32, i32
  }
  func.func @transform_1(%arg0: i32) -> (i32, i32) {
    %c0_i32 = arith.constant 0 : i32
    %c0_i32_0 = arith.constant 0 : i32
    return %arg0, %c0_i32 : i32, i32
  }
  func.func @transform_2(%arg0: i32) -> (i32, i32) {
    %c0_i32 = arith.constant 0 : i32
    %c0_i32_0 = arith.constant 0 : i32
    return %arg0, %c0_i32 : i32, i32
  }
  func.func @transform_3(%arg0: i32) -> (i32, i32) {
    %c0_i32 = arith.constant 0 : i32
    %c0_i32_0 = arith.constant 0 : i32
    return %arg0, %c0_i32 : i32, i32
  }
  func.func @transform_4(%arg0: i32) -> (i32, i32) {
    %c0_i32 = arith.constant 0 : i32
    %c0_i32_0 = arith.constant 0 : i32
    return %arg0, %c0_i32 : i32, i32
  }
  func.func @transform_5(%arg0: i32) -> (i32, i32) {
    %c0_i32 = arith.constant 0 : i32
    %c0_i32_0 = arith.constant 0 : i32
    return %arg0, %c0_i32 : i32, i32
  }
  func.func @transform_6(%arg0: i32) -> (i32, i32) {
    %c0_i32 = arith.constant 0 : i32
    %c0_i32_0 = arith.constant 0 : i32
    return %arg0, %c0_i32 : i32, i32
  }
}

module attributes {stable_mosaic.version = 14 : i64} {
  func.func @_upd_body(%arg0: i32, %arg1: memref<2x640x64xf32, #tpu.memory_space<vmem>>, %arg2: memref<640x128xf32, #tpu.memory_space<vmem>>, %arg3: memref<640x128xf32, #tpu.memory_space<vmem>>, %arg4: memref<640x128xf32, #tpu.memory_space<vmem>>, %arg5: memref<640x128xf32, #tpu.memory_space<vmem>>, %arg6: memref<640x128xf32, #tpu.memory_space<vmem>>, %arg7: memref<640x128xf32, #tpu.memory_space<vmem>>) attributes {dimension_semantics = [#tpu.dimension_semantics<arbitrary>], iteration_bounds = array<i64: 16>, scalar_prefetch = 0 : i64, scratch_operands = 0 : i64, tpu.core_type = #tpu.core_type<tc>, window_params = [{transform_indices = @transform_0, window_bounds = array<i64: 2, 640, 64>}, {transform_indices = @transform_1, window_bounds = array<i64: 640, 128>}, {transform_indices = @transform_2, window_bounds = array<i64: 640, 128>}, {transform_indices = @transform_3, window_bounds = array<i64: 640, 128>}, {transform_indices = @transform_4, window_bounds = array<i64: 640, 128>}, {transform_indices = @transform_5, window_bounds = array<i64: 640, 128>}, {transform_indices = @transform_6, window_bounds = array<i64: 640, 128>}]} {
    %get3A = arith.constant 0 : index
    %get3A_0 = arith.constant 0 : index
    %get3A_1 = arith.constant 0 : index
    %get3A_2 = vector.load %arg1[%get3A, %get3A_0, %get3A_1] : memref<2x640x64xf32, #tpu.memory_space<vmem>>, vector<1x640x64xf32>
    %get3A_3 = vector.shape_cast %get3A_2 : vector<1x640x64xf32> to vector<640x64xf32>
    %get3A_4 = arith.constant 1 : index
    %get3A_5 = arith.constant 0 : index
    %get3A_6 = arith.constant 0 : index
    %get3A_7 = vector.load %arg1[%get3A_4, %get3A_5, %get3A_6] : memref<2x640x64xf32, #tpu.memory_space<vmem>>, vector<1x640x64xf32>
    %get3A_8 = vector.shape_cast %get3A_7 : vector<1x640x64xf32> to vector<640x64xf32>
    %concatenate3A = tpu.concatenate %get3A_3, %get3A_8 in 1 : vector<640x64xf32>, vector<640x64xf32> -> vector<640x128xf32>
    %get3A_9 = arith.constant 0 : index
    %get3A_10 = arith.constant 0 : index
    %get3A_11 = vector.load %arg2[%get3A_9, %get3A_10] : memref<640x128xf32, #tpu.memory_space<vmem>>, vector<640x128xf32>
    %get3A_12 = arith.constant 0 : index
    %get3A_13 = arith.constant 0 : index
    %get3A_14 = vector.load %arg3[%get3A_12, %get3A_13] : memref<640x128xf32, #tpu.memory_space<vmem>>, vector<640x128xf32>
    %mul3A = arith.mulf %get3A_11, %concatenate3A : vector<640x128xf32>
    %sub3A = arith.subf %get3A_14, %mul3A : vector<640x128xf32>
    %swap3A = arith.constant 0 : index
    %swap3A_15 = arith.constant 0 : index
    %swap3A_16 = vector.load %arg5[%swap3A, %swap3A_15] : memref<640x128xf32, #tpu.memory_space<vmem>>, vector<640x128xf32>
    tpu.vector_store %arg5[%swap3A, %swap3A_15], %sub3A {strides = array<i32>} : memref<640x128xf32, #tpu.memory_space<vmem>>, vector<640x128xf32>,
    %get3A_17 = arith.constant 0 : index
    %get3A_18 = arith.constant 0 : index
    %get3A_19 = vector.load %arg4[%get3A_17, %get3A_18] : memref<640x128xf32, #tpu.memory_space<vmem>>, vector<640x128xf32>
    %mul3A_20 = arith.constant -2.500000e-01 : f32
    %mul3A_21 = vector.broadcast %mul3A_20 : f32 to vector<640x128xf32>
    %mul3A_22 = arith.mulf %mul3A_21, %sub3A : vector<640x128xf32>
    %add3A = arith.addf %get3A_19, %mul3A_22 : vector<640x128xf32>
    %swap3A_23 = arith.constant 0 : index
    %swap3A_24 = arith.constant 0 : index
    %swap3A_25 = vector.load %arg6[%swap3A_23, %swap3A_24] : memref<640x128xf32, #tpu.memory_space<vmem>>, vector<640x128xf32>
    tpu.vector_store %arg6[%swap3A_23, %swap3A_24], %add3A {strides = array<i32>} : memref<640x128xf32, #tpu.memory_space<vmem>>, vector<640x128xf32>,
    %mul3A_26 = arith.mulf %get3A_11, %sub3A : vector<640x128xf32>
    %swap3A_27 = arith.constant 0 : index
    %swap3A_28 = arith.constant 0 : index
    %swap3A_29 = vector.load %arg7[%swap3A_27, %swap3A_28] : memref<640x128xf32, #tpu.memory_space<vmem>>, vector<640x128xf32>
    tpu.vector_store %arg7[%swap3A_27, %swap3A_28], %mul3A_26 {strides = array<i32>} : memref<640x128xf32, #tpu.memory_space<vmem>>, vector<640x128xf32>,
    return
  }
  func.func @transform_0(%arg0: i32) -> (i32, i32, i32) {
    %c0_i32 = arith.constant 0 : i32
    %c0_i32_0 = arith.constant 0 : i32
    %c0_i32_1 = arith.constant 0 : i32
    return %c0_i32, %arg0, %c0_i32_0 : i32, i32, i32
  }
  func.func @transform_1(%arg0: i32) -> (i32, i32) {
    %c0_i32 = arith.constant 0 : i32
    %c0_i32_0 = arith.constant 0 : i32
    return %arg0, %c0_i32 : i32, i32
  }
  func.func @transform_2(%arg0: i32) -> (i32, i32) {
    %c0_i32 = arith.constant 0 : i32
    %c0_i32_0 = arith.constant 0 : i32
    return %arg0, %c0_i32 : i32, i32
  }
  func.func @transform_3(%arg0: i32) -> (i32, i32) {
    %c0_i32 = arith.constant 0 : i32
    %c0_i32_0 = arith.constant 0 : i32
    return %arg0, %c0_i32 : i32, i32
  }
  func.func @transform_4(%arg0: i32) -> (i32, i32) {
    %c0_i32 = arith.constant 0 : i32
    %c0_i32_0 = arith.constant 0 : i32
    return %arg0, %c0_i32 : i32, i32
  }
  func.func @transform_5(%arg0: i32) -> (i32, i32) {
    %c0_i32 = arith.constant 0 : i32
    %c0_i32_0 = arith.constant 0 : i32
    return %arg0, %c0_i32 : i32, i32
  }
  func.func @transform_6(%arg0: i32) -> (i32, i32) {
    %c0_i32 = arith.constant 0 : i32
    %c0_i32_0 = arith.constant 0 : i32
    return %arg0, %c0_i32 : i32, i32
  }
}

</mosaic_0001>

<sc_bundles>
// kernel: kernel.10.cloned.1.call-start
scs
__scs_entry_jumppad:
0x0: {  	(pc) =	sbr.rel $0x88, $3  }
0x1: {  	(tag) =	ssettag $0x0;
	lr =	simm.s32 $0x1  }
0x2: {  	[smem:$0x3F9F] =	sst lr;
	_ =	strace $0xD0000000  }
0x3: {  	_ = 	snop  }
0x4: {  	_ = 	snop  }
0x5: {  	_ = 	snop  }
0x6: {  	_ = 	snop  }
0x7: {  	_ = 	snop  }
__scs_overlays_trampoline_lowered:
0x8: {  	[smem:$0x3FAE] =	sst s0  }
0x9: {  	[smem:$0x3FAF] =	sst s1  }
0xa: {  	[smem:$0x3FB0] =	sst s2  }
0xb: {  	[smem:$0x3FB1] =	sst s3  }
0xc: {  	[smem:$0x3FB2] =	sst s4  }
0xd: {  	[smem:$0x3FB3] =	sst s5  }
0xe: {  	[smem:$0x3FB4] =	sst s6  }
0xf: {  	[smem:$0x3FB5] =	sst s7  }
0x10: {  	[smem:$0x3FB6] =	sst s8  }
0x11: {  	[smem:$0x3FB7] =	sst s9;
	s0 =	simm.s32 @!p0 $0x0  }
0x12: {  	s1 =	sld [smem:$0x3F9D];
	s0 =	simm.s32 @p0 $0x1  }
0x13: {  	[smem:$0x3FB8] =	sst s0;
	s0 =	simm.s32 @!p1 $0x0  }
0x14: {  	s2 =	sld [smem:$0x3F9C];
	s0 =	simm.s32 @p1 $0x1  }
0x15: {  	[smem:$0x3FB9] =	sst s0;
	s0 =	simm.s32 @!p2 $0x0  }
0x16: {  	s3 =	sld [smem:$0x3FDB];
	s0 =	simm.s32 @p2 $0x1  }
0x17: {  	s4 =	simm.s32 $0x1BF5;
	[smem:$0x3FBB] =	sst s0  }
0x18: {  	s0 =	sld [smem:$0x3F9E];
	_ =	swait.ge [sflag:s4], $0x0  }
0x19: {  	s7 =	sld [smem:$0x3F9F]  }
0x1a: {  	s8 =	sadd.s32 $0xFFFFE003, lr  }
0x1b: {  	s9 =	sadd.s32 $0xFFFFFEF7, lr;
	s5 =	simm.s32 $0xFFFFFFFF;
	p2 =	slt.u32 s8, $0xFFFFF086  }
0x1c: {  	p1 =	slt.u32 s9, $0xF7A;
	s5 =	simm.s32 @!p2 $0x0  }
0x1d: {  	s5 =	simm.s32 @p1 $0x1;
	p0 =	seq.s32 s7, s2  }
0x1e: {  	s7 =	smul.u32 @!p0 $0xF7A, s2;
	p2 =	seq.s32 @!p0 s5, $0x0  }
0x1f: {  	s9 =	smul.u32 $0xF7A, s1;
	s8 =	simm.s32 @!p0 $0x1BF5;
	p2 =	por !p2, p0  }
0x20: {  	[sflag:s8] =	ssyncset.s32 @!p0 $0xFFFFF086;
	s6 =	sadd.s32 @!p0 s3, s7;
	s7 =	simm.s32 @!p0 $0x108  }
0x21: {  	s3 =	sadd.s32 s3, s9;
	s6 =	sadd.s32 @!p0 $0x88, s6;
	s7 =	simm.s32 @p2 $0x1082  }
0x22: {  	[simem:s7], [sflag:s8] =	dma.local @!p0 [hbm:s6], $0xF7A  }
0x23: {  	s9 =	sor.u32 $0xD0000000, s2;
	s6 =	simm.s32 $0x108;
	_ =	swait.ge @!p0 [sflag:s8], $0x0  }
0x24: {  	s3 =	sadd.s32 $0x88, s3;
	s6 =	simm.s32 @!p1 $0x1082;
	[sflag:s4] =	ssyncset.s32 $0xFFFFF086  }
0x25: {  	[simem:s6], [sflag:s4] =	dma.local [hbm:s3], $0xF7A  }
0x26: {  	[smem:$0x3F9F] =	sst s1;
	(tag) =	ssettag s2;
	_ =	strace s9  }
0x27: {  	s1 =	sld [smem:$0x3FAF]  }
0x28: {  	s2 =	sld [smem:$0x3FB0]  }
0x29: {  	s4 =	sld [smem:$0x3FB2]  }
0x2a: {  	p0 =	seq.s32 s5, $0x0;
	s5 =	sld [smem:$0x3FB3]  }
0x2b: {  	s6 =	sld [smem:$0x3FB4]  }
0x2c: {  	s7 =	sld [smem:$0x3FB5]  }
0x2d: {  	s3 =	simm.s32 $0x108;
	s8 =	sld [smem:$0x3FB6]  }
0x2e: {  	s3 =	simm.s32 @!p0 $0x1082;
	s9 =	sld [smem:$0x3FB7]  }
0x2f: {  	lr =	sadd.s32 s0, s3;
	s0 =	sld [smem:$0x3FAE]  }
0x30: {  	s3 =	sld [smem:$0x3FB1]  }
0x31: {  	[smem:$0x3FBA] =	sst s10  }
0x32: {  	s10 =	sld [smem:$0x3FB8];
	_ =	sdelay $0x3  }
0x33: {  	p0 =	seq.s32 s10, $0x1;
	s10 =	sld [smem:$0x3FBA];
	_ =	sdelay $0x3  }
0x34: {  	[smem:$0x3FBA] =	sst s10  }
0x35: {  	s10 =	sld [smem:$0x3FB9];
	_ =	sdelay $0x3  }
0x36: {  	p1 =	seq.s32 s10, $0x1;
	s10 =	sld [smem:$0x3FBA];
	_ =	sdelay $0x3  }
0x37: {  	[smem:$0x3FBA] =	sst s10  }
0x38: {  	s10 =	sld [smem:$0x3FBB]  }
0x39: {  	_ = 	snop;
	(pc) =	sbr.ind lr, $3  }
0x3a: {  	_ = 	snop  }
0x3b: {  	_ = 	snop  }
0x3c: {  	p2 =	seq.s32 s10, $0x1;
	s10 =	sld [smem:$0x3FBA]  }
0x3d: {  	_ =	shalt  }
0x3e: {  	_ =	shalt  }
0x3f: {  	_ =	shalt  }
0x40: {  	_ =	shalt  }
0x41: {  	_ =	shalt  }
0x42: {  	_ =	shalt  }
0x43: {  	_ =	shalt  }
0x44: {  	_ =	shalt  }
0x45: {  	_ =	shalt  }
0x46: {  	_ =	shalt  }
0x47: {  	_ =	shalt  }
0x48: {  	_ =	shalt  }
0x49: {  	_ =	shalt  }
0x4a: {  	_ =	shalt  }
0x4b: {  	_ =	shalt  }
0x4c: {  	_ =	shalt  }
0x4d: {  	_ =	shalt  }
0x4e: {  	_ =	shalt  }
0x4f: {  	_ =	shalt  }
0x50: {  	_ =	shalt  }
0x51: {  	_ =	shalt  }
0x52: {  	_ =	shalt  }
0x53: {  	_ =	shalt  }
0x54: {  	_ =	shalt  }
0x55: {  	_ =	shalt  }
0x56: {  	_ =	shalt  }
0x57: {  	_ =	shalt  }
0x58: {  	_ =	shalt  }
0x59: {  	_ =	shalt  }
0x5a: {  	_ =	shalt  }
0x5b: {  	_ =	shalt  }
0x5c: {  	_ =	shalt  }
0x5d: {  	_ =	shalt  }
0x5e: {  	_ =	shalt  }
0x5f: {  	_ =	shalt  }
0x60: {  	_ =	shalt  }
0x61: {  	_ =	shalt  }
0x62: {  	_ =	shalt  }
0x63: {  	_ =	shalt  }
0x64: {  	_ =	shalt  }
0x65: {  	_ =	shalt  }
0x66: {  	_ =	shalt  }
0x67: {  	_ =	shalt  }
0x68: {  	_ =	shalt  }
0x69: {  	_ =	shalt  }
0x6a: {  	_ =	shalt  }
0x6b: {  	_ =	shalt  }
0x6c: {  	_ =	shalt  }
0x6d: {  	_ =	shalt  }
0x6e: {  	_ =	shalt  }
0x6f: {  	_ =	shalt  }
0x70: {  	_ =	shalt  }
0x71: {  	_ =	shalt  }
0x72: {  	_ =	shalt  }
0x73: {  	_ =	shalt  }
0x74: {  	_ =	shalt  }
0x75: {  	_ =	shalt  }
0x76: {  	_ =	shalt  }
0x77: {  	_ =	shalt  }
0x78: {  	_ =	shalt  }
0x79: {  	_ =	shalt  }
0x7a: {  	_ =	shalt  }
0x7b: {  	_ =	shalt  }
0x7c: {  	_ =	shalt  }
0x7d: {  	_ =	shalt  }
0x7e: {  	_ =	shalt  }
0x7f: {  	_ =	shalt  }
0x80: {  	_ =	shalt  }
0x81: {  	_ =	shalt  }
0x82: {  	_ =	shalt  }
0x83: {  	_ =	shalt  }
0x84: {  	_ =	shalt  }
0x85: {  	_ =	shalt  }
0x86: {  	_ =	shalt  }
0x87: {  	_ =	shalt  }
.Lfunc_end0:
.L_simem_size_0:
called_computation_lowered:
.L_overlay_start_0:
0x88: {  	s2 =	sld [smem:$0x3FD9]  }
0x89: {  	s3 =	sld [smem:$0x3FFE];
	_ =	sdelay $0x1  }
0x8a: {  	s1 =	srdreg.scid  }
0x8b: {  	s0 =	sand.u32 $0x1, s1  }
0x8c: {  	s16 =	sshll.u32 s0, $0xA;
	s2 =	sadd.s32 s3, s2  }
0x8d: {  	s2 =	sadd.s32 s2, s16  }
0x8e: {  	[smem:$0x3FC6] =	sst s2  }
0x8f: {  	_ = 	snop  }
0x90: {  	(tm) =	ssettm $0x1  }
0x91: {  	s17 =	sld [smem:$0x3FFB];
	_ =	sdelay $0x3  }
0x92: {  	_ =	strace s17  }
0x93: {  	s2 =	sld [smem:$0x3FFC];
	_ =	sdelay $0x3  }
0x94: {  	_ =	strace s2  }
0x95: {  	s2 =	sld [smem:$0x3FFD];
	_ =	sdelay $0x3  }
0x96: {  	_ =	strace s2  }
0x97: {  	_ =	strace $0x8FFFFFFF  }
0x98: {  	s18 =	sld [smem:$0x3FDB];
	_ =	sdelay $0x1  }
0x99: {  	s19 =	simm.s32 $_scs_section_size  }
0x9a: {  	s4 =	simm.s32 $_size__tile_overlayer_lowered;
	s5 =	simm.s32 $_tile_overlayer_lowered  }
0x9b: {  	s22 =	simm.s32 $0x1BFF;
	s21 =	sshll.u32 s5, $0x1;
	s2 =	sadd.s32 s19, s18  }
0x9c: {  	s6 =	simm.s32 $0x0;
	s20 =	sshll.u32 s4, $0x1;
	s4 =	sadd.s32 s21, s2  }
0x9d: {  	[timem:s6], [sflag:s22] =	dma.local [hbm:s4], s20  }
0x9e: {  	_ =	swait.ge [sflag:s22], s20  }
0x9f: {  	s3 =	ssub.s32 $0x0, s20;
	[sflag:s22] =	ssyncset.done $0x0  }
0xa0: {  	[sflag:s22] =	ssyncadd.s32 s3;
	_ =	sdelay $0x1  }
0xa1: {  	s23 =	simm.s32 $0x1B8B  }
0xa2: {  	_ =	swait.ge [sflag:s23], $0x1  }
0xa3: {  	[sflag:s23] =	ssyncset.done $0x0  }
0xa4: {  	s25 =	simm.s32 $0x1B8E;
	s24 =	sld [smem:$0x3FFE];
	[sflag:s23] =	ssyncadd.s32 $0xFFFFFFFF  }
0xa5: {  	s26 =	simm.s32 $execute0_lowered;
	[smem:$0x3FD2] =	sst s25  }
0xa6: {  	s4 =	sshll.u32 s26, $0x1;
	_ =	strace $0x80000046;
	[dreg:$0x1] =	wrdreg $0xFFFFFFFF  }
0xa7: {  	s28 =	simm.s32 $_size_execute0_lowered;
	s2 =	sadd.s32 s2, s4;
	[dreg:$0x0] =	wrdreg $0x0  }
0xa8: {  	s4 =	sshll.u32 s28, $0x1;
	[dreg:$0x2] =	wrdreg s2  }
0xa9: {  	[dreg:$0x3] =	wrdreg s4  }
0xaa: {  	[dreg:$0x4] =	wrdreg $0xC0  }
0xab: {  	_ =	task [dreg:s6], $0x5FFFF  }
0xac: {  	[dreg:$0x1] =	wrdreg $0xFFFFFFFF  }
0xad: {  	[dreg:$0x0] =	wrdreg $0x60  }
0xae: {  	[dreg:$0x2] =	wrdreg s24  }
0xaf: {  	[dreg:$0x3] =	wrdreg $0x2B000  }
0xb0: {  	[dreg:$0x4] =	wrdreg $0x9  }
0xb1: {  	_ =	task.clear_ibuf [dreg:s6], $0x5FFFF;
	_ =	strace $0x90000046  }
0xb2: {  	s29 =	simm.s32 $0x9;
	_ =	strace $0x80000048  }
0xb3: {  	_ =	swait.ge [sflag:s29], $0x1  }
0xb4: {  	[sflag:s29] =	ssyncadd.s32 $0xFFFFFFFF  }
0xb5: {  	_ =	strace $0x90000048  }
0xb6: {  	_ =	sfence  }
0xb7: {  	s30 =	sld [smem:$0x0];
	_ =	sdelay $0x2  }
0xb8: {  	s31 =	sshll.u32 s1, $0xD;
	s1 =	sshrl.u32 s1, $0x2  }
0xb9: {  	s3 =	sand.u32 $0x4000, s31;
	s1 =	sadd.s32 s1, s30  }
0xba: {  	s0 =	sor.u32 s3, s0;
	s1 =	sshll.u32 s1, $0x11  }
0xbb: {  	s0 =	sor.u32 s1, s0  }
0xbc: {  	s0 =	sadd.s32 $0x8F2B, s0  }
0xbd: {  	[sflag:s0] =	ssyncadd.remote.s32 $0x1  }
0xbe: {  	_ =	sfence.sel $0xFFFF  }
0xbf: {  	[dreg:$0x0] =	wrdreg $0xFFFFFFFF;
	(pc) =	sbr.abs _section_cstart, $3  }
0xc0: {  	[dreg:$0x1] =	wrdreg $0xFFFFFFFF  }
0xc1: {  	_ =	task.clear_ibuf [dreg:s6], $0x2FFFF;
	_ =	strace $0x9FFFFFFF  }
0xc2: {  	(tm) =	ssettm $0x7FFFFFFF  }
0xc3: {  	_ =	shalt  }
tec
execute0_lowered:
.L_overlay_start_1:
0x0: {  	(tag) =	ssettag $0x1  }
0x1: {  	s4 =	rddreg [dreg:$0x0]  }
0x2: {  	s2 =	rddreg [dreg:$0x1]  }
0x3: {  	s3 =	srdreg.scid;
	s1 =	stileid.u32  }
0x4: {  	s0 =	rddreg [dreg:$0x2];
	s12 =	simm.s32 $0x2800;
	s13 =	simm.s32 $0x1  }
0x5: {  	s14 =	simm.s32 $0x80;
	s15 =	simm.s32 $0x2880;
	s16 =	simm.s32 $0x100  }
0x6: {  	s17 =	simm.s32 $0x0;
	s5 =	sand.u32 $0x1, s3;
	s7 =	smul.u32 $0x500, s1  }
0x7: {  	s6 =	sshll.u32 s1, $0x1;
	s3 =	simm.s32 $0x0;
	s30 =	smul.u32 $0xA00, s1  }
0x8: {  	s6 =	sor.u32 s5, s6;
	[smem:$0x7FF] =	sst s3;
	s8 =	sshll.u32 s5, $0x7  }
0x9: {  	s5 =	ssub.s32 $0x2, s5;
	s6 =	smul.u32 $0x500, s6;
	_ =	strace $0x80000047  }
0xa: {  	s7 =	sor.u32 s8, s7;
	s31 =	sshrl.u32 s5, $0x1;
	s8 =	sshrl.u32 s30, $0x2  }
0xb: {  	s7 =	sshrl.u32 s7, $0x3;
	s9 =	ssub.s32 s5, s31;
	s5 =	sadd.s32 s8, s2  }
0xc: {  	s6 =	sadd.s32 s6, s4;
	s7 =	sadd.s32 s7, s4;
	s8 =	sadd.s32 $0x80, s5  }
0xd: {  	s10 =	sadd.s32 $0x180, s5;
	s11 =	sadd.s32 $0x200, s5;
	s4 =	sadd.s32 $0x2A00, s6  }
0xe: {  	v0 =	vimm.f32 $0.0e+00;
	v1 =	vimm.f32 $1.000000000e+00;
	s6 =	sadd.s32 $0xCA00, s7;
	s7 =	smax.u32 s9, $0x1;
	s9 =	sadd.s32 $0x100, s5  }
.LBB2_1:
0xf: {  	[tilespmem:$0x2800] =	vst v0  }
0x10: {  	[tilespmem:$0x2810] =	vst v0  }
0x11: {  	[tilespmem:$0x2820] =	vst v0  }
0x12: {  	[tilespmem:$0x2830] =	vst v0  }
0x13: {  	[tilespmem:$0x2840] =	vst v0  }
0x14: {  	[tilespmem:$0x2850] =	vst v0  }
0x15: {  	[tilespmem:$0x2860] =	vst v0  }
0x16: {  	[tilespmem:$0x2870] =	vst v0  }
0x17: {  	[spmem:s5] =	stream.linear.scatter [tilespmem:s12], [sflag:$0x1], $0x80, $0x38;
	[tilespmem:$0x2D80] =	vst v63  }
0x18: {  	_ =	swait.ge [sflag:s13], $0x80  }
0x19: {  	[sflag:s13] =	ssyncset.done $0x0  }
0x1a: {  	[sflag:s13] =	ssyncadd.s32 $0xFFFFFF80  }
0x1b: {  	[spmem:s8] =	stream.linear.scatter [tilespmem:s12], [sflag:$0x1], $0x80, $0x38;
	[tilespmem:$0x2D80] =	vst v63  }
0x1c: {  	_ =	swait.ge [sflag:s13], $0x80  }
0x1d: {  	[sflag:s13] =	ssyncset.done $0x0  }
0x1e: {  	[sflag:s13] =	ssyncadd.s32 $0xFFFFFF80  }
0x1f: {  	[spmem:s9] =	stream.linear.scatter [tilespmem:s12], [sflag:$0x1], $0x80, $0x38;
	[tilespmem:$0x2D80] =	vst v63  }
0x20: {  	_ =	swait.ge [sflag:s13], $0x80  }
0x21: {  	[sflag:s13] =	ssyncset.done $0x0  }
0x22: {  	[sflag:s13] =	ssyncadd.s32 $0xFFFFFF80  }
0x23: {  	[spmem:s10] =	stream.linear.scatter [tilespmem:s12], [sflag:$0x1], $0x80, $0x38;
	[tilespmem:$0x2D80] =	vst v63  }
0x24: {  	_ =	swait.ge [sflag:s13], $0x80  }
0x25: {  	[sflag:s13] =	ssyncset.done $0x0  }
0x26: {  	[sflag:s13] =	ssyncadd.s32 $0xFFFFFF80  }
0x27: {  	[spmem:s11] =	stream.linear.scatter [tilespmem:s12], [sflag:$0x1], $0x80, $0x38;
	[tilespmem:$0x2D80] =	vst v63  }
0x28: {  	_ =	swait.ge [sflag:s13], $0x80  }
0x29: {  	[sflag:s13] =	ssyncset.done $0x0  }
0x2a: {  	[sflag:s13] =	ssyncadd.s32 $0xFFFFFF80  }
0x2b: {  	[tilespmem:$0x2800] =	vst v1  }
0x2c: {  	[tilespmem:$0x2810] =	vst v1  }
0x2d: {  	[tilespmem:$0x2820] =	vst v1  }
0x2e: {  	[tilespmem:$0x2830] =	vst v1  }
0x2f: {  	[tilespmem:$0x2840] =	vst v1  }
0x30: {  	[tilespmem:$0x2850] =	vst v1  }
0x31: {  	[tilespmem:$0x2860] =	vst v1  }
0x32: {  	[tilespmem:$0x2870] =	vst v1  }
0x33: {  	[tilespmem:s3], [sflag:$0x1] =	stream.linear.gather [hbm4b:s4+s3], $0x2800, $0x38;
	[tilespmem:$0x2D80] =	vst v63  }
0x34: {  	_ =	swait.ge [sflag:s13], $0x2800  }
0x35: {  	[sflag:s13] =	ssyncset.done $0x0  }
0x36: {  	[sflag:s13] =	ssyncadd.s32 $0xFFFFD800  }
0x37: {  	s18 =	simm.s32 $0x0;
	[bflag:$0x0] =	sbarrier.arrive $0xFFFF  }
0x38: {  	[spmem:s2] =	stream.indirect.scatter.add.f32 [tilespmem:s12], [sflag:$0x1], $0x1, s18, s14, $0xb8;
	[tilespmem:$0x2D80] =	vst v63  }
0x39: {  	_ =	swait.ge [sflag:s13], $0x80  }
0x3a: {  	s18 =	simm.s32 $0x200;
	[sflag:s13] =	ssyncset.done $0x0  }
.LBB2_2:
0x3b: {  	s19 =	sshra.s32 s18, $0x2;
	[sflag:s13] =	ssyncadd.s32 $0xFFFFFF80;
	p0 =	sne.s32 s18, $0x9E00  }
0x3c: {  	[spmem:s2] =	stream.indirect.scatter.add.f32 [tilespmem:s12], [sflag:$0x1], $0x1, s19, s14, $0xb8;
	[tilespmem:$0x2D80] =	vst v63  }
.Ltmp0:
0x3d: {  	_ = 	snop;
	(pc) =	sbr.rel @p0 .LBB2_2-.Ltmp0, $4  }
0x3e: {  	_ = 	snop  }
0x3f: {  	s18 =	sadd.s32 $0x200, s18  }
0x40: {  	_ =	swait.ge [sflag:s13], $0x80  }
0x41: {  	[sflag:s13] =	ssyncset.done $0x0  }
0x42: {  	[sflag:s13] =	ssyncadd.s32 $0xFFFFFF80  }
0x43: {  	[bflag:$0x0] =	sbarrier.arrive $0xFFFF  }
0x44: {  	[tilespmem:s15], [sflag:$0x1] =	stream.linear.gather [spmem:s5], $0x280, $0x38;
	[tilespmem:$0x2D80] =	vst v63  }
0x45: {  	s17 =	sadd.s32 $0x1, s17;
	_ =	swait.ge [sflag:s13], $0x280  }
0x46: {  	p0 =	sne.s32 s17, s7;
	[sflag:s13] =	ssyncset.done $0x0  }
.Ltmp1:
0x47: {  	[sflag:s13] =	ssyncadd.s32 $0xFFFFFD80;
	(pc) =	sbr.rel @p0 .LBB2_1-.Ltmp1, $4  }
0x48: {  	[hbm4b:s6+s14] =	stream.strided.scatter [tilespmem:s15], [sflag:$0x1], $0x280, s16, s14, $0x38;
	[tilespmem:$0x2D80] =	vst v63  }
0x49: {  	_ =	swait.ge [sflag:s13], $0x280  }
0x4a: {  	[sflag:s13] =	ssyncset.done $0x0  }
0x4b: {  	[sflag:s13] =	ssyncadd.s32 $0xFFFFFD80  }
0x4c: {  	_ =	sfence.sel $0x180000  }
0x4d: {  	[bflag:$0x0] =	sbarrier.arrive $0xFFFF  }
0x4e: {  	p0 =	sne.s32 s1, $0x0;
	_ =	strace $0x90000047  }
0x4f: {  	s0 =	sadd.s32 @!p0 $0x100000, s0;
	[bflag:$0x2] =	sbarrier.arrive $0xFFFF  }
0x50: {  	[sflag:s0] =	ssyncadd.tile.s32 @!p0 $0x1;
	_ =	shalt  }
.Lfunc_end2:
_tile_overlayer_lowered:
.L_overlay_start_2:
0x51: {  	(tag) =	ssettag $0x2  }
0x52: {  	s0 =	rddreg [dreg:$0x0];
	s2 =	stileid.u32  }
0x53: {  	s1 =	rddreg [dreg:$0x1];
	p0 =	sne.s32 s2, $0x0  }
0x54: {  	s3 =	rddreg [dreg:$0x2];
	[bflag:$0x3] =	sbarrier.arrive $0xFFFF;
	s2 =	simm.s32 @!p0 $0x1C01  }
0x55: {  	[timem:s3], [sflag:s2] =	dma.local @!p0 [hbm:s0], s1  }
0x56: {  	s0 =	simm.s32 @!p0 $0x1  }
0x57: {  	_ =	swait.ge @!p0 [sflag:s0], s1  }
0x58: {  	s1 =	ssub.s32 @!p0 $0x0, s1;
	[sflag:s0] =	ssyncset.done @!p0 $0x0  }
0x59: {  	[sflag:s0] =	ssyncadd.s32 @!p0 s1  }
0x5a: {  	[bflag:$0x3] =	sbarrier.arrive $0xFFFF  }
0x5b: {  	_ =	shalt  }

// kernel: kernel.13.cloned.1.call-start
scs
__scs_entry_jumppad:
0x0: {  	(pc) =	sbr.rel $0x88, $3  }
0x1: {  	(tag) =	ssettag $0x0;
	lr =	simm.s32 $0x1  }
0x2: {  	[smem:$0x3F9F] =	sst lr;
	_ =	strace $0xD0000000  }
0x3: {  	_ = 	snop  }
0x4: {  	_ = 	snop  }
0x5: {  	_ = 	snop  }
0x6: {  	_ = 	snop  }
0x7: {  	_ = 	snop  }
__scs_overlays_trampoline_lowered:
0x8: {  	[smem:$0x3FAE] =	sst s0  }
0x9: {  	[smem:$0x3FAF] =	sst s1  }
0xa: {  	[smem:$0x3FB0] =	sst s2  }
0xb: {  	[smem:$0x3FB1] =	sst s3  }
0xc: {  	[smem:$0x3FB2] =	sst s4  }
0xd: {  	[smem:$0x3FB3] =	sst s5  }
0xe: {  	[smem:$0x3FB4] =	sst s6  }
0xf: {  	[smem:$0x3FB5] =	sst s7  }
0x10: {  	[smem:$0x3FB6] =	sst s8  }
0x11: {  	[smem:$0x3FB7] =	sst s9;
	s0 =	simm.s32 @!p0 $0x0  }
0x12: {  	s1 =	sld [smem:$0x3F9D];
	s0 =	simm.s32 @p0 $0x1  }
0x13: {  	[smem:$0x3FB8] =	sst s0;
	s0 =	simm.s32 @!p1 $0x0  }
0x14: {  	s2 =	sld [smem:$0x3F9C];
	s0 =	simm.s32 @p1 $0x1  }
0x15: {  	[smem:$0x3FB9] =	sst s0;
	s0 =	simm.s32 @!p2 $0x0  }
0x16: {  	s3 =	sld [smem:$0x3FDB];
	s0 =	simm.s32 @p2 $0x1  }
0x17: {  	s4 =	simm.s32 $0x1BF5;
	[smem:$0x3FBB] =	sst s0  }
0x18: {  	s0 =	sld [smem:$0x3F9E];
	_ =	swait.ge [sflag:s4], $0x0  }
0x19: {  	s7 =	sld [smem:$0x3F9F]  }
0x1a: {  	s8 =	sadd.s32 $0xFFFFE003, lr  }
0x1b: {  	s9 =	sadd.s32 $0xFFFFFEF7, lr;
	s5 =	simm.s32 $0xFFFFFFFF;
	p2 =	slt.u32 s8, $0xFFFFF086  }
0x1c: {  	p1 =	slt.u32 s9, $0xF7A;
	s5 =	simm.s32 @!p2 $0x0  }
0x1d: {  	s5 =	simm.s32 @p1 $0x1;
	p0 =	seq.s32 s7, s2  }
0x1e: {  	s7 =	smul.u32 @!p0 $0xF7A, s2;
	p2 =	seq.s32 @!p0 s5, $0x0  }
0x1f: {  	s9 =	smul.u32 $0xF7A, s1;
	s8 =	simm.s32 @!p0 $0x1BF5;
	p2 =	por !p2, p0  }
0x20: {  	[sflag:s8] =	ssyncset.s32 @!p0 $0xFFFFF086;
	s6 =	sadd.s32 @!p0 s3, s7;
	s7 =	simm.s32 @!p0 $0x108  }
0x21: {  	s3 =	sadd.s32 s3, s9;
	s6 =	sadd.s32 @!p0 $0x88, s6;
	s7 =	simm.s32 @p2 $0x1082  }
0x22: {  	[simem:s7], [sflag:s8] =	dma.local @!p0 [hbm:s6], $0xF7A  }
0x23: {  	s9 =	sor.u32 $0xD0000000, s2;
	s6 =	simm.s32 $0x108;
	_ =	swait.ge @!p0 [sflag:s8], $0x0  }
0x24: {  	s3 =	sadd.s32 $0x88, s3;
	s6 =	simm.s32 @!p1 $0x1082;
	[sflag:s4] =	ssyncset.s32 $0xFFFFF086  }
0x25: {  	[simem:s6], [sflag:s4] =	dma.local [hbm:s3], $0xF7A  }
0x26: {  	[smem:$0x3F9F] =	sst s1;
	(tag) =	ssettag s2;
	_ =	strace s9  }
0x27: {  	s1 =	sld [smem:$0x3FAF]  }
0x28: {  	s2 =	sld [smem:$0x3FB0]  }
0x29: {  	s4 =	sld [smem:$0x3FB2]  }
0x2a: {  	p0 =	seq.s32 s5, $0x0;
	s5 =	sld [smem:$0x3FB3]  }
0x2b: {  	s6 =	sld [smem:$0x3FB4]  }
0x2c: {  	s7 =	sld [smem:$0x3FB5]  }
0x2d: {  	s3 =	simm.s32 $0x108;
	s8 =	sld [smem:$0x3FB6]  }
0x2e: {  	s3 =	simm.s32 @!p0 $0x1082;
	s9 =	sld [smem:$0x3FB7]  }
0x2f: {  	lr =	sadd.s32 s0, s3;
	s0 =	sld [smem:$0x3FAE]  }
0x30: {  	s3 =	sld [smem:$0x3FB1]  }
0x31: {  	[smem:$0x3FBA] =	sst s10  }
0x32: {  	s10 =	sld [smem:$0x3FB8];
	_ =	sdelay $0x3  }
0x33: {  	p0 =	seq.s32 s10, $0x1;
	s10 =	sld [smem:$0x3FBA];
	_ =	sdelay $0x3  }
0x34: {  	[smem:$0x3FBA] =	sst s10  }
0x35: {  	s10 =	sld [smem:$0x3FB9];
	_ =	sdelay $0x3  }
0x36: {  	p1 =	seq.s32 s10, $0x1;
	s10 =	sld [smem:$0x3FBA];
	_ =	sdelay $0x3  }
0x37: {  	[smem:$0x3FBA] =	sst s10  }
0x38: {  	s10 =	sld [smem:$0x3FBB]  }
0x39: {  	_ = 	snop;
	(pc) =	sbr.ind lr, $3  }
0x3a: {  	_ = 	snop  }
0x3b: {  	_ = 	snop  }
0x3c: {  	p2 =	seq.s32 s10, $0x1;
	s10 =	sld [smem:$0x3FBA]  }
0x3d: {  	_ =	shalt  }
0x3e: {  	_ =	shalt  }
0x3f: {  	_ =	shalt  }
0x40: {  	_ =	shalt  }
0x41: {  	_ =	shalt  }
0x42: {  	_ =	shalt  }
0x43: {  	_ =	shalt  }
0x44: {  	_ =	shalt  }
0x45: {  	_ =	shalt  }
0x46: {  	_ =	shalt  }
0x47: {  	_ =	shalt  }
0x48: {  	_ =	shalt  }
0x49: {  	_ =	shalt  }
0x4a: {  	_ =	shalt  }
0x4b: {  	_ =	shalt  }
0x4c: {  	_ =	shalt  }
0x4d: {  	_ =	shalt  }
0x4e: {  	_ =	shalt  }
0x4f: {  	_ =	shalt  }
0x50: {  	_ =	shalt  }
0x51: {  	_ =	shalt  }
0x52: {  	_ =	shalt  }
0x53: {  	_ =	shalt  }
0x54: {  	_ =	shalt  }
0x55: {  	_ =	shalt  }
0x56: {  	_ =	shalt  }
0x57: {  	_ =	shalt  }
0x58: {  	_ =	shalt  }
0x59: {  	_ =	shalt  }
0x5a: {  	_ =	shalt  }
0x5b: {  	_ =	shalt  }
0x5c: {  	_ =	shalt  }
0x5d: {  	_ =	shalt  }
0x5e: {  	_ =	shalt  }
0x5f: {  	_ =	shalt  }
0x60: {  	_ =	shalt  }
0x61: {  	_ =	shalt  }
0x62: {  	_ =	shalt  }
0x63: {  	_ =	shalt  }
0x64: {  	_ =	shalt  }
0x65: {  	_ =	shalt  }
0x66: {  	_ =	shalt  }
0x67: {  	_ =	shalt  }
0x68: {  	_ =	shalt  }
0x69: {  	_ =	shalt  }
0x6a: {  	_ =	shalt  }
0x6b: {  	_ =	shalt  }
0x6c: {  	_ =	shalt  }
0x6d: {  	_ =	shalt  }
0x6e: {  	_ =	shalt  }
0x6f: {  	_ =	shalt  }
0x70: {  	_ =	shalt  }
0x71: {  	_ =	shalt  }
0x72: {  	_ =	shalt  }
0x73: {  	_ =	shalt  }
0x74: {  	_ =	shalt  }
0x75: {  	_ =	shalt  }
0x76: {  	_ =	shalt  }
0x77: {  	_ =	shalt  }
0x78: {  	_ =	shalt  }
0x79: {  	_ =	shalt  }
0x7a: {  	_ =	shalt  }
0x7b: {  	_ =	shalt  }
0x7c: {  	_ =	shalt  }
0x7d: {  	_ =	shalt  }
0x7e: {  	_ =	shalt  }
0x7f: {  	_ =	shalt  }
0x80: {  	_ =	shalt  }
0x81: {  	_ =	shalt  }
0x82: {  	_ =	shalt  }
0x83: {  	_ =	shalt  }
0x84: {  	_ =	shalt  }
0x85: {  	_ =	shalt  }
0x86: {  	_ =	shalt  }
0x87: {  	_ =	shalt  }
.Lfunc_end0:
.L_simem_size_0:
called_computation.1_lowered:
.L_overlay_start_0:
0x88: {  	s2 =	sld [smem:$0x3FD9]  }
0x89: {  	s3 =	sld [smem:$0x3FFE];
	_ =	sdelay $0x1  }
0x8a: {  	s1 =	srdreg.scid  }
0x8b: {  	s0 =	sand.u32 $0x1, s1  }
0x8c: {  	s17 =	sshll.u32 s0, $0xA;
	s2 =	sadd.s32 s3, s2  }
0x8d: {  	s2 =	sadd.s32 s2, s17  }
0x8e: {  	[smem:$0x3FC6] =	sst s2  }
0x8f: {  	_ = 	snop  }
0x90: {  	s2 =	sld [smem:$0x3FD0];
	(tm) =	ssettm $0x1  }
0x91: {  	s18 =	sld [smem:$0x3FFB];
	_ =	sdelay $0x3  }
0x92: {  	_ =	strace s18  }
0x93: {  	s3 =	sld [smem:$0x3FFC];
	_ =	sdelay $0x3  }
0x94: {  	_ =	strace s3  }
0x95: {  	s3 =	sld [smem:$0x3FFD];
	_ =	sdelay $0x3  }
0x96: {  	_ =	strace s3  }
0x97: {  	_ =	strace $0x8FFFFFFF  }
0x98: {  	s19 =	sld [smem:$0x3FDB];
	_ =	sdelay $0x1  }
0x99: {  	s4 =	simm.s32 $_scs_section_size  }
0x9a: {  	s5 =	simm.s32 $_size__tile_overlayer_lowered;
	s6 =	simm.s32 $_tile_overlayer_lowered  }
0x9b: {  	s22 =	simm.s32 $0x1BFF;
	s21 =	sshll.u32 s6, $0x1;
	s3 =	sadd.s32 s4, s19  }
0x9c: {  	s7 =	simm.s32 $0x0;
	s20 =	sshll.u32 s5, $0x1;
	s5 =	sadd.s32 s21, s3  }
0x9d: {  	[timem:s7], [sflag:s22] =	dma.local [hbm:s5], s20  }
0x9e: {  	_ =	swait.ge [sflag:s22], s20  }
0x9f: {  	s4 =	ssub.s32 $0x0, s20;
	[sflag:s22] =	ssyncset.done $0x0  }
0xa0: {  	[sflag:s22] =	ssyncadd.s32 s4;
	_ =	sdelay $0x1  }
0xa1: {  	s23 =	simm.s32 $0x1B8B  }
0xa2: {  	_ =	swait.ge [sflag:s23], $0x1  }
0xa3: {  	[sflag:s23] =	ssyncset.done $0x0  }
0xa4: {  	s25 =	simm.s32 $0x1B8E;
	s24 =	sld [smem:$0x3FFE];
	[sflag:s23] =	ssyncadd.s32 $0xFFFFFFFF  }
0xa5: {  	s26 =	simm.s32 $execute0_lowered;
	[smem:$0x3FD2] =	sst s25  }
0xa6: {  	s5 =	sshll.u32 s26, $0x1;
	_ =	strace $0x80000049;
	[dreg:$0x1] =	wrdreg $0xFFFFFFFF  }
0xa7: {  	s28 =	simm.s32 $_size_execute0_lowered;
	s3 =	sadd.s32 s3, s5;
	[dreg:$0x0] =	wrdreg $0x0  }
0xa8: {  	s5 =	sshll.u32 s28, $0x1;
	[dreg:$0x2] =	wrdreg s3  }
0xa9: {  	[dreg:$0x3] =	wrdreg s5  }
0xaa: {  	[dreg:$0x4] =	wrdreg $0xC0  }
0xab: {  	_ =	task [dreg:s7], $0x5FFFF  }
0xac: {  	[dreg:$0x1] =	wrdreg $0xFFFFFFFF  }
0xad: {  	[dreg:$0x0] =	wrdreg $0x60  }
0xae: {  	[dreg:$0x2] =	wrdreg s24  }
0xaf: {  	[dreg:$0x3] =	wrdreg s2  }
0xb0: {  	[dreg:$0x4] =	wrdreg $0xE0000  }
0xb1: {  	[dreg:$0x5] =	wrdreg $0x9  }
0xb2: {  	_ =	task.clear_ibuf [dreg:s7], $0x6FFFF;
	_ =	strace $0x90000049  }
0xb3: {  	s29 =	simm.s32 $0x9;
	_ =	strace $0x8000004B  }
0xb4: {  	_ =	swait.ge [sflag:s29], $0x1  }
0xb5: {  	[sflag:s29] =	ssyncadd.s32 $0xFFFFFFFF  }
0xb6: {  	_ =	strace $0x9000004B  }
0xb7: {  	_ =	sfence  }
0xb8: {  	s30 =	sld [smem:$0x0];
	_ =	sdelay $0x2  }
0xb9: {  	s31 =	sshll.u32 s1, $0xD;
	s1 =	sshrl.u32 s1, $0x2  }
0xba: {  	s3 =	sand.u32 $0x4000, s31;
	s1 =	sadd.s32 s1, s30  }
0xbb: {  	s0 =	sor.u32 s3, s0;
	s1 =	sshll.u32 s1, $0x11  }
0xbc: {  	s0 =	sor.u32 s1, s0  }
0xbd: {  	s0 =	sadd.s32 $0x8F2B, s0  }
0xbe: {  	[sflag:s0] =	ssyncadd.remote.s32 $0x1  }
0xbf: {  	_ =	sfence.sel $0xFFFF  }
0xc0: {  	[dreg:$0x0] =	wrdreg $0xFFFFFFFF;
	(pc) =	sbr.abs _section_cstart, $3  }
0xc1: {  	[dreg:$0x1] =	wrdreg $0xFFFFFFFF  }
0xc2: {  	_ =	task.clear_ibuf [dreg:s7], $0x2FFFF;
	_ =	strace $0x9FFFFFFF  }
0xc3: {  	(tm) =	ssettm $0x7FFFFFFF  }
tec
execute0_lowered:
.L_overlay_start_1:
0x0: {  	(tag) =	ssettag $0x1  }
0x1: {  	s0 =	rddreg [dreg:$0x0]  }
0x2: {  	s1 =	rddreg [dreg:$0x1]  }
0x3: {  	s20 =	rddreg [dreg:$0x2]  }
0x4: {  	s2 =	simm.s32 $0x0;
	s9 =	stileid.u32;
	s3 =	srdreg.scid  }
0x5: {  	s28 =	simm.s32 $0xC000;
	s29 =	simm.s32 $0x2;
	s6 =	smul.u32 $0xA00, s9  }
0x6: {  	s31 =	simm.s32 $0x0;
	[smem:$0x7FF] =	sst s2;
	s5 =	smul.u32 $0x28000, s9  }
0x7: {  	s24 =	sand.u32 $0x1, s3;
	s3 =	sadd.s32 $0x3F400, s0;
	s17 =	smul.u32 $0xA000, s9  }
0x8: {  	_ =	strace $0x8000004A;
	s4 =	ssub.s32 $0x2, s24;
	s18 =	smul.u32 $0xA0000, s24  }
0x9: {  	s7 =	sadd.s32 s6, s0;
	s0 =	sadd.s32 $0x67400, s0;
	s8 =	sshrl.u32 s4, $0x1  }
0xa: {  	s19 =	sshrl.u32 s5, $0x2;
	s6 =	sadd.s32 s1, s6;
	s14 =	sadd.s32 $0x2000, s17  }
0xb: {  	s26 =	sadd.s32 $0x6000, s17;
	s8 =	ssub.s32 s4, s8;
	s4 =	sadd.s32 s19, s20  }
0xc: {  	s21 =	sadd.s32 $0xD400, s7;
	s7 =	sadd.s32 s17, s20;
	s22 =	sadd.s32 s18, s17  }
0xd: {  	s23 =	sadd.s32 s18, s14;
	s14 =	sadd.s32 s14, s20;
	s19 =	sadd.s32 $0x4000, s17  }
0xe: {  	s30 =	sadd.s32 s18, s26;
	[dreg:$0x4] =	wrdreg s21;
	s8 =	smax.u32 s8, $0x1  }
0xf: {  	s9 =	sadd.s32 $0x2000, s4;
	s10 =	sadd.s32 $0x4000, s4;
	s11 =	sadd.s32 $0x6000, s4  }
0x10: {  	s1 =	sshrl.u32 s22, $0x3;
	s12 =	sadd.s32 $0x8000, s4;
	s16 =	sadd.s32 s19, s20  }
0x11: {  	s25 =	sadd.s32 s18, s19;
	s21 =	sadd.s32 $0x8000, s17;
	s13 =	sadd.s32 s0, s1  }
0x12: {  	s1 =	sshrl.u32 s23, $0x3;
	s22 =	sadd.s32 s18, s21;
	s18 =	sadd.s32 s26, s20  }
0x13: {  	s20 =	sadd.s32 s21, s20;
	s23 =	simm.s32 $0x3;
	s26 =	simm.s32 $0x1  }
0x14: {  	s15 =	sadd.s32 s0, s1;
	s1 =	sshrl.u32 s25, $0x3;
	s22 =	sshrl.u32 s22, $0x3  }
0x15: {  	s25 =	simm.s32 $0x80;
	s17 =	sadd.s32 s0, s1;
	s1 =	sshrl.u32 s30, $0x3  }
0x16: {  	v1 =	vimm.f32 $0.0e+00;
	v0 =	vmov s24;
	s21 =	sadd.s32 s0, s22;
	s22 =	simm.s32 $0xA000;
	s19 =	sadd.s32 s0, s1  }
.LBB2_1:
0x17: {  	s0 =	sand.u32 $0x7F00, s2  }
0x18: {  	s1 =	sand.u32 $0x30, s2;
	s24 =	sshrl.u32 s0, $0x2  }
0x19: {  	s0 =	simm.s32 $0x40;
	s24 =	sor.u32 s1, s24;
	s1 =	simm.s32 $0x0  }
.LBB2_2:
0x1a: {  	p0 =	sne.s32 s0, $0x7FC0  }
0x1b: {  	[tilespmem:s24+$0xA000] =	vst v1;
	s1 =	sadd.s32 $0x10, s1;
	s24 =	smov.u32 s0;
	s0 =	sadd.s32 $0x40, s0  }
.Ltmp0:
0x1c: {  	(pc) =	sbr.rel @p0 .LBB2_2-.Ltmp0, $4  }
0x1d: {  	_ = 	snop  }
0x1e: {  	s24 =	sand.u32 $0x7F00, s24  }
0x1f: {  	s30 =	sand.u32 $0x30, s1;
	s24 =	sshrl.u32 s24, $0x2  }
0x20: {  	s24 =	sor.u32 s30, s24  }
0x21: {  	[tilespmem:s24+$0xA000] =	vst v1  }
0x22: {  	[spmem:s4] =	stream.linear.scatter [tilespmem:s22], [sflag:$0x3], $0x2000, $0x38;
	[tilespmem:$0x18000] =	vst v63  }
0x23: {  	_ =	swait.ge [sflag:s23], $0x2000  }
0x24: {  	[sflag:s23] =	ssyncset.done $0x0  }
0x25: {  	[sflag:s23] =	ssyncadd.s32 $0xFFFFE000  }
0x26: {  	[spmem:s9] =	stream.linear.scatter [tilespmem:s22], [sflag:$0x3], $0x2000, $0x38;
	[tilespmem:$0x18000] =	vst v63  }
0x27: {  	_ =	swait.ge [sflag:s23], $0x2000  }
0x28: {  	[sflag:s23] =	ssyncset.done $0x0  }
0x29: {  	[sflag:s23] =	ssyncadd.s32 $0xFFFFE000  }
0x2a: {  	[spmem:s10] =	stream.linear.scatter [tilespmem:s22], [sflag:$0x3], $0x2000, $0x38;
	[tilespmem:$0x18000] =	vst v63  }
0x2b: {  	_ =	swait.ge [sflag:s23], $0x2000  }
0x2c: {  	[sflag:s23] =	ssyncset.done $0x0  }
0x2d: {  	[sflag:s23] =	ssyncadd.s32 $0xFFFFE000  }
0x2e: {  	[spmem:s11] =	stream.linear.scatter [tilespmem:s22], [sflag:$0x3], $0x2000, $0x38;
	[tilespmem:$0x18000] =	vst v63  }
0x2f: {  	_ =	swait.ge [sflag:s23], $0x2000  }
0x30: {  	[sflag:s23] =	ssyncset.done $0x0  }
0x31: {  	[sflag:s23] =	ssyncadd.s32 $0xFFFFE000  }
0x32: {  	[spmem:s12] =	stream.linear.scatter [tilespmem:s22], [sflag:$0x3], $0x2000, $0x38;
	[tilespmem:$0x18000] =	vst v63  }
0x33: {  	_ =	swait.ge [sflag:s23], $0x2000  }
0x34: {  	[sflag:s23] =	ssyncset.done $0x0  }
0x35: {  	s0 =	simm.s32 $0x0;
	s1 =	rddreg [dreg:$0x4];
	[sflag:s23] =	ssyncadd.s32 $0xFFFFE000  }
0x36: {  	[tilespmem:s0], [sflag:$0x3] =	stream.linear.gather [hbm4b:s1+s0], $0x5000, $0x38;
	[tilespmem:$0x18000] =	vst v63  }
0x37: {  	_ =	swait.ge [sflag:s23], $0x5000  }
0x38: {  	[sflag:s23] =	ssyncset.done $0x0  }
0x39: {  	s24 =	simm.s32 $0x5000;
	[sflag:s23] =	ssyncadd.s32 $0xFFFFB000  }
0x3a: {  	[tilespmem:s24], [sflag:$0x3] =	stream.linear.gather [hbm4b:s6+s0], $0x5000, $0x38;
	[tilespmem:$0x18000] =	vst v63  }
0x3b: {  	s5 =	sand.u32 $0x1FE00, s0;
	_ =	swait.ge [sflag:s23], $0x5000  }
0x3c: {  	s1 =	sshrl.u32 s5, $0x2;
	s0 =	sand.u32 $0x70, s0;
	[sflag:s23] =	ssyncset.done $0x0  }
0x3d: {  	s0 =	sor.u32 s0, s1;
	[sflag:s23] =	ssyncadd.s32 $0xFFFFB000  }
0x3e: {  	v2 =	vld [tilespmem:s0+$0x0];
	_ =	sdelay $0x3  }
0x3f: {  	s24 =	simm.s32 $0x40  }
0x40: {  	s30 =	sand.u32 $0x1FE00, s24;
	s1 =	simm.s32 $0x80;
	s24 =	simm.s32 $0x10;
	v2 =	vshll.u32 v2, $0x1  }
.LBB2_4:
0x41: {  	p0 =	sne.s32 s1, $0x13FC0;
	s5 =	sand.u32 $0x70, s24;
	s30 =	sshrl.u32 s30, $0x2;
	v2 =	vor.u32 v0, v2  }
0x42: {  	[tilespmem:s0+$0x0] =	vst v2;
	s0 =	sor.u32 s5, s30  }
0x43: {  	v2 =	vld [tilespmem:s0+$0x0]  }
.Ltmp1:
0x44: {  	(pc) =	sbr.rel @p0 .LBB2_4-.Ltmp1, $2  }
0x45: {  	_ =	sdelay $0x2  }
0x46: {  	s24 =	sadd.s32 $0x10, s24;
	s30 =	sand.u32 $0x1FE00, s1;
	s1 =	sadd.s32 $0x40, s1;
	v2 =	vshll.u32 v2, $0x1  }
0x47: {  	s1 =	sand.u32 $0x70, s24;
	s5 =	sshrl.u32 s30, $0x2;
	v2 =	vor.u32 v0, v2  }
0x48: {  	s1 =	sor.u32 s1, s5;
	[tilespmem:s0+$0x0] =	vst v2  }
0x49: {  	v2 =	vld [tilespmem:s1+$0x0];
	_ =	sdelay $0x4  }
0x4a: {  	v2 =	vshll.u32 v2, $0x1  }
0x4b: {  	v2 =	vor.u32 v0, v2  }
0x4c: {  	[tilespmem:s1+$0x0] =	vst v2  }
0x4d: {  	[bflag:$0x0] =	sbarrier.arrive $0xFFFF  }
0x4e: {  	[tilespmem:s22], [sflag:$0x1] =	stream.indirect.gather [hbm4b:s3+s25], $0x40, s2, s25, $0xb8;
	[tilespmem:$0x18000] =	vst v63  }
0x4f: {  	_ =	swait.ge [sflag:s26], $0x2000  }
0x50: {  	[sflag:s26] =	ssyncset.done $0x0  }
0x51: {  	s30 =	simm.s32 $0x80;
	[sflag:s26] =	ssyncadd.s32 $0xFFFFE000  }
0x52: {  	[tilespmem:s28], [sflag:$0x2] =	stream.indirect.gather [hbm4b:s3+s25], $0x40, s30, s25, $0xb8;
	[tilespmem:$0x18000] =	vst v63  }
0x53: {  	_ =	swait.ge [sflag:s29], $0x2000  }
0x54: {  	[sflag:s29] =	ssyncset.done $0x0  }
0x55: {  	s0 =	simm.s32 $0xFFFEC800;
	s1 =	simm.s32 $0x100;
	[sflag:s29] =	ssyncadd.s32 $0xFFFFE000  }
.LBB2_6:
0x56: {  	[tilespmem:s22], [sflag:$0x1] =	stream.indirect.gather [hbm4b:s3+s25], $0x40, s1, s25, $0xb8;
	[tilespmem:$0x18000] =	vst v63  }
0x57: {  	s1 =	smov.u32 s0  }
0x58: {  	p0 =	sne.s32 s0, $0xFFFFFC00;
	s0 =	sadd.s32 $0x400, s0;
	_ =	swait.ge [sflag:s26], $0x2000  }
0x59: {  	s1 =	sshra.s32 s1, $0x2;
	[sflag:s26] =	ssyncset.done $0x0  }
.Ltmp2:
0x5a: {  	s5 =	sadd.s32 $0x4F80, s1;
	[sflag:s26] =	ssyncadd.s32 $0xFFFFE000;
	(pc) =	sbr.rel @p0 .LBB2_6-.Ltmp2, $4  }
0x5b: {  	[tilespmem:s28], [sflag:$0x2] =	stream.indirect.gather [hbm4b:s3+s25], $0x40, s5, s25, $0xb8;
	[tilespmem:$0x18000] =	vst v63  }
0x5c: {  	_ =	swait.ge [sflag:s29], $0x2000  }
0x5d: {  	[sflag:s29] =	ssyncset.done $0x0  }
0x5e: {  	s1 =	sadd.s32 $0x5000, s1;
	[sflag:s29] =	ssyncadd.s32 $0xFFFFE000  }
0x5f: {  	[tilespmem:s22], [sflag:$0x1] =	stream.indirect.gather [hbm4b:s3+s25], $0x40, s1, s25, $0xb8;
	[tilespmem:$0x18000] =	vst v63  }
0x60: {  	_ =	swait.ge [sflag:s26], $0x2000  }
0x61: {  	[sflag:s26] =	ssyncset.done $0x0  }
0x62: {  	s0 =	simm.s32 $0x4F80;
	[sflag:s26] =	ssyncadd.s32 $0xFFFFE000  }
0x63: {  	[tilespmem:s28], [sflag:$0x2] =	stream.indirect.gather [hbm4b:s3+s25], $0x40, s0, s25, $0xb8;
	[tilespmem:$0x18000] =	vst v63  }
0x64: {  	_ =	swait.ge [sflag:s29], $0x2000  }
0x65: {  	[sflag:s29] =	ssyncset.done $0x0  }
0x66: {  	[sflag:s29] =	ssyncadd.s32 $0xFFFFE000  }
0x67: {  	[bflag:$0x0] =	sbarrier.arrive $0xFFFF  }
0x68: {  	[tilespmem:s22], [sflag:$0x3] =	stream.linear.gather [spmem:s7], $0x2000, $0x38;
	[tilespmem:$0x18000] =	vst v63  }
0x69: {  	_ =	swait.ge [sflag:s23], $0x2000  }
0x6a: {  	[sflag:s23] =	ssyncset.done $0x0  }
0x6b: {  	[sflag:s23] =	ssyncadd.s32 $0xFFFFE000  }
0x6c: {  	[hbm4b:s13+s2] =	stream.linear.scatter [tilespmem:s22], [sflag:$0x3], $0x2000, $0x38;
	[tilespmem:$0x18000] =	vst v63  }
0x6d: {  	_ =	swait.ge [sflag:s23], $0x2000  }
0x6e: {  	[sflag:s23] =	ssyncset.done $0x0  }
0x6f: {  	[sflag:s23] =	ssyncadd.s32 $0xFFFFE000  }
0x70: {  	[tilespmem:s22], [sflag:$0x3] =	stream.linear.gather [spmem:s14], $0x2000, $0x38;
	[tilespmem:$0x18000] =	vst v63  }
0x71: {  	_ =	swait.ge [sflag:s23], $0x2000  }
0x72: {  	[sflag:s23] =	ssyncset.done $0x0  }
0x73: {  	[sflag:s23] =	ssyncadd.s32 $0xFFFFE000  }
0x74: {  	[hbm4b:s15+s2] =	stream.linear.scatter [tilespmem:s22], [sflag:$0x3], $0x2000, $0x38;
	[tilespmem:$0x18000] =	vst v63  }
0x75: {  	_ =	swait.ge [sflag:s23], $0x2000  }
0x76: {  	[sflag:s23] =	ssyncset.done $0x0  }
0x77: {  	[sflag:s23] =	ssyncadd.s32 $0xFFFFE000  }
0x78: {  	[tilespmem:s22], [sflag:$0x3] =	stream.linear.gather [spmem:s16], $0x2000, $0x38;
	[tilespmem:$0x18000] =	vst v63  }
0x79: {  	_ =	swait.ge [sflag:s23], $0x2000  }
0x7a: {  	[sflag:s23] =	ssyncset.done $0x0  }
0x7b: {  	[sflag:s23] =	ssyncadd.s32 $0xFFFFE000  }
0x7c: {  	[hbm4b:s17+s2] =	stream.linear.scatter [tilespmem:s22], [sflag:$0x3], $0x2000, $0x38;
	[tilespmem:$0x18000] =	vst v63  }
0x7d: {  	_ =	swait.ge [sflag:s23], $0x2000  }
0x7e: {  	[sflag:s23] =	ssyncset.done $0x0  }
0x7f: {  	[sflag:s23] =	ssyncadd.s32 $0xFFFFE000  }
0x80: {  	[tilespmem:s22], [sflag:$0x3] =	stream.linear.gather [spmem:s18], $0x2000, $0x38;
	[tilespmem:$0x18000] =	vst v63  }
0x81: {  	_ =	swait.ge [sflag:s23], $0x2000  }
0x82: {  	[sflag:s23] =	ssyncset.done $0x0  }
0x83: {  	[sflag:s23] =	ssyncadd.s32 $0xFFFFE000  }
0x84: {  	[hbm4b:s19+s2] =	stream.linear.scatter [tilespmem:s22], [sflag:$0x3], $0x2000, $0x38;
	[tilespmem:$0x18000] =	vst v63  }
0x85: {  	_ =	swait.ge [sflag:s23], $0x2000  }
0x86: {  	[sflag:s23] =	ssyncset.done $0x0  }
0x87: {  	[sflag:s23] =	ssyncadd.s32 $0xFFFFE000  }
0x88: {  	[tilespmem:s22], [sflag:$0x3] =	stream.linear.gather [spmem:s20], $0x2000, $0x38;
	[tilespmem:$0x18000] =	vst v63  }
0x89: {  	s31 =	sadd.s32 $0x1, s31;
	_ =	swait.ge [sflag:s23], $0x2000  }
0x8a: {  	p0 =	sne.s32 s31, s8;
	[sflag:s23] =	ssyncset.done $0x0  }
.Ltmp3:
0x8b: {  	[sflag:s23] =	ssyncadd.s32 $0xFFFFE000;
	(pc) =	sbr.rel @p0 .LBB2_1-.Ltmp3, $4  }
0x8c: {  	[hbm4b:s21+s2] =	stream.linear.scatter [tilespmem:s22], [sflag:$0x3], $0x2000, $0x38;
	[tilespmem:$0x18000] =	vst v63  }
0x8d: {  	_ =	swait.ge [sflag:s23], $0x2000  }
0x8e: {  	[sflag:s23] =	ssyncset.done $0x0  }
0x8f: {  	[sflag:s23] =	ssyncadd.s32 $0xFFFFE000  }
0x90: {  	_ =	sfence.sel $0x180000  }
0x91: {  	[bflag:$0x0] =	sbarrier.arrive $0xFFFF  }
0x92: {  	_ =	strace $0x9000004A  }
0x93: {  	s0 =	stileid.u32;
	[bflag:$0x2] =	sbarrier.arrive $0xFFFF  }
0x94: {  	p0 =	sne.s32 s0, $0x0;
	s0 =	rddreg [dreg:$0x3]  }
0x95: {  	s0 =	sadd.s32 @!p0 $0x100000, s0  }
0x96: {  	[sflag:s0] =	ssyncadd.tile.s32 @!p0 $0x1;
	_ =	shalt  }
.Lfunc_end2:
_tile_overlayer_lowered:
.L_overlay_start_2:
0x97: {  	(tag) =	ssettag $0x2  }
0x98: {  	s0 =	rddreg [dreg:$0x0];
	s2 =	stileid.u32  }
0x99: {  	s1 =	rddreg [dreg:$0x1];
	p0 =	sne.s32 s2, $0x0  }
0x9a: {  	s3 =	rddreg [dreg:$0x2];
	[bflag:$0x3] =	sbarrier.arrive $0xFFFF;
	s2 =	simm.s32 @!p0 $0x1C03  }
0x9b: {  	[timem:s3], [sflag:s2] =	dma.local @!p0 [hbm:s0], s1  }
0x9c: {  	s0 =	simm.s32 @!p0 $0x3  }
0x9d: {  	_ =	swait.ge @!p0 [sflag:s0], s1  }
0x9e: {  	s1 =	ssub.s32 @!p0 $0x0, s1;
	[sflag:s0] =	ssyncset.done @!p0 $0x0  }
0x9f: {  	[sflag:s0] =	ssyncadd.s32 @!p0 s1  }
0xa0: {  	[bflag:$0x3] =	sbarrier.arrive $0xFFFF  }
0xa1: {  	_ =	shalt  }

// kernel: kernel.16.cloned.1.call-start
scs
__scs_entry_jumppad:
0x0: {  	(pc) =	sbr.rel $0x88, $3  }
0x1: {  	(tag) =	ssettag $0x0;
	lr =	simm.s32 $0x1  }
0x2: {  	[smem:$0x3F9F] =	sst lr;
	_ =	strace $0xD0000000  }
0x3: {  	_ = 	snop  }
0x4: {  	_ = 	snop  }
0x5: {  	_ = 	snop  }
0x6: {  	_ = 	snop  }
0x7: {  	_ = 	snop  }
__scs_overlays_trampoline_lowered:
0x8: {  	[smem:$0x3FAE] =	sst s0  }
0x9: {  	[smem:$0x3FAF] =	sst s1  }
0xa: {  	[smem:$0x3FB0] =	sst s2  }
0xb: {  	[smem:$0x3FB1] =	sst s3  }
0xc: {  	[smem:$0x3FB2] =	sst s4  }
0xd: {  	[smem:$0x3FB3] =	sst s5  }
0xe: {  	[smem:$0x3FB4] =	sst s6  }
0xf: {  	[smem:$0x3FB5] =	sst s7  }
0x10: {  	[smem:$0x3FB6] =	sst s8  }
0x11: {  	[smem:$0x3FB7] =	sst s9;
	s0 =	simm.s32 @!p0 $0x0  }
0x12: {  	s1 =	sld [smem:$0x3F9D];
	s0 =	simm.s32 @p0 $0x1  }
0x13: {  	[smem:$0x3FB8] =	sst s0;
	s0 =	simm.s32 @!p1 $0x0  }
0x14: {  	s2 =	sld [smem:$0x3F9C];
	s0 =	simm.s32 @p1 $0x1  }
0x15: {  	[smem:$0x3FB9] =	sst s0;
	s0 =	simm.s32 @!p2 $0x0  }
0x16: {  	s3 =	sld [smem:$0x3FDB];
	s0 =	simm.s32 @p2 $0x1  }
0x17: {  	s4 =	simm.s32 $0x1BF5;
	[smem:$0x3FBB] =	sst s0  }
0x18: {  	s0 =	sld [smem:$0x3F9E];
	_ =	swait.ge [sflag:s4], $0x0  }
0x19: {  	s7 =	sld [smem:$0x3F9F]  }
0x1a: {  	s8 =	sadd.s32 $0xFFFFE003, lr  }
0x1b: {  	s9 =	sadd.s32 $0xFFFFFEF7, lr;
	s5 =	simm.s32 $0xFFFFFFFF;
	p2 =	slt.u32 s8, $0xFFFFF086  }
0x1c: {  	p1 =	slt.u32 s9, $0xF7A;
	s5 =	simm.s32 @!p2 $0x0  }
0x1d: {  	s5 =	simm.s32 @p1 $0x1;
	p0 =	seq.s32 s7, s2  }
0x1e: {  	s7 =	smul.u32 @!p0 $0xF7A, s2;
	p2 =	seq.s32 @!p0 s5, $0x0  }
0x1f: {  	s9 =	smul.u32 $0xF7A, s1;
	s8 =	simm.s32 @!p0 $0x1BF5;
	p2 =	por !p2, p0  }
0x20: {  	[sflag:s8] =	ssyncset.s32 @!p0 $0xFFFFF086;
	s6 =	sadd.s32 @!p0 s3, s7;
	s7 =	simm.s32 @!p0 $0x108  }
0x21: {  	s3 =	sadd.s32 s3, s9;
	s6 =	sadd.s32 @!p0 $0x88, s6;
	s7 =	simm.s32 @p2 $0x1082  }
0x22: {  	[simem:s7], [sflag:s8] =	dma.local @!p0 [hbm:s6], $0xF7A  }
0x23: {  	s9 =	sor.u32 $0xD0000000, s2;
	s6 =	simm.s32 $0x108;
	_ =	swait.ge @!p0 [sflag:s8], $0x0  }
0x24: {  	s3 =	sadd.s32 $0x88, s3;
	s6 =	simm.s32 @!p1 $0x1082;
	[sflag:s4] =	ssyncset.s32 $0xFFFFF086  }
0x25: {  	[simem:s6], [sflag:s4] =	dma.local [hbm:s3], $0xF7A  }
0x26: {  	[smem:$0x3F9F] =	sst s1;
	(tag) =	ssettag s2;
	_ =	strace s9  }
0x27: {  	s1 =	sld [smem:$0x3FAF]  }
0x28: {  	s2 =	sld [smem:$0x3FB0]  }
0x29: {  	s4 =	sld [smem:$0x3FB2]  }
0x2a: {  	p0 =	seq.s32 s5, $0x0;
	s5 =	sld [smem:$0x3FB3]  }
0x2b: {  	s6 =	sld [smem:$0x3FB4]  }
0x2c: {  	s7 =	sld [smem:$0x3FB5]  }
0x2d: {  	s3 =	simm.s32 $0x108;
	s8 =	sld [smem:$0x3FB6]  }
0x2e: {  	s3 =	simm.s32 @!p0 $0x1082;
	s9 =	sld [smem:$0x3FB7]  }
0x2f: {  	lr =	sadd.s32 s0, s3;
	s0 =	sld [smem:$0x3FAE]  }
0x30: {  	s3 =	sld [smem:$0x3FB1]  }
0x31: {  	[smem:$0x3FBA] =	sst s10  }
0x32: {  	s10 =	sld [smem:$0x3FB8];
	_ =	sdelay $0x3  }
0x33: {  	p0 =	seq.s32 s10, $0x1;
	s10 =	sld [smem:$0x3FBA];
	_ =	sdelay $0x3  }
0x34: {  	[smem:$0x3FBA] =	sst s10  }
0x35: {  	s10 =	sld [smem:$0x3FB9];
	_ =	sdelay $0x3  }
0x36: {  	p1 =	seq.s32 s10, $0x1;
	s10 =	sld [smem:$0x3FBA];
	_ =	sdelay $0x3  }
0x37: {  	[smem:$0x3FBA] =	sst s10  }
0x38: {  	s10 =	sld [smem:$0x3FBB]  }
0x39: {  	_ = 	snop;
	(pc) =	sbr.ind lr, $3  }
0x3a: {  	_ = 	snop  }
0x3b: {  	_ = 	snop  }
0x3c: {  	p2 =	seq.s32 s10, $0x1;
	s10 =	sld [smem:$0x3FBA]  }
0x3d: {  	_ =	shalt  }
0x3e: {  	_ =	shalt  }
0x3f: {  	_ =	shalt  }
0x40: {  	_ =	shalt  }
0x41: {  	_ =	shalt  }
0x42: {  	_ =	shalt  }
0x43: {  	_ =	shalt  }
0x44: {  	_ =	shalt  }
0x45: {  	_ =	shalt  }
0x46: {  	_ =	shalt  }
0x47: {  	_ =	shalt  }
0x48: {  	_ =	shalt  }
0x49: {  	_ =	shalt  }
0x4a: {  	_ =	shalt  }
0x4b: {  	_ =	shalt  }
0x4c: {  	_ =	shalt  }
0x4d: {  	_ =	shalt  }
0x4e: {  	_ =	shalt  }
0x4f: {  	_ =	shalt  }
0x50: {  	_ =	shalt  }
0x51: {  	_ =	shalt  }
0x52: {  	_ =	shalt  }
0x53: {  	_ =	shalt  }
0x54: {  	_ =	shalt  }
0x55: {  	_ =	shalt  }
0x56: {  	_ =	shalt  }
0x57: {  	_ =	shalt  }
0x58: {  	_ =	shalt  }
0x59: {  	_ =	shalt  }
0x5a: {  	_ =	shalt  }
0x5b: {  	_ =	shalt  }
0x5c: {  	_ =	shalt  }
0x5d: {  	_ =	shalt  }
0x5e: {  	_ =	shalt  }
0x5f: {  	_ =	shalt  }
0x60: {  	_ =	shalt  }
0x61: {  	_ =	shalt  }
0x62: {  	_ =	shalt  }
0x63: {  	_ =	shalt  }
0x64: {  	_ =	shalt  }
0x65: {  	_ =	shalt  }
0x66: {  	_ =	shalt  }
0x67: {  	_ =	shalt  }
0x68: {  	_ =	shalt  }
0x69: {  	_ =	shalt  }
0x6a: {  	_ =	shalt  }
0x6b: {  	_ =	shalt  }
0x6c: {  	_ =	shalt  }
0x6d: {  	_ =	shalt  }
0x6e: {  	_ =	shalt  }
0x6f: {  	_ =	shalt  }
0x70: {  	_ =	shalt  }
0x71: {  	_ =	shalt  }
0x72: {  	_ =	shalt  }
0x73: {  	_ =	shalt  }
0x74: {  	_ =	shalt  }
0x75: {  	_ =	shalt  }
0x76: {  	_ =	shalt  }
0x77: {  	_ =	shalt  }
0x78: {  	_ =	shalt  }
0x79: {  	_ =	shalt  }
0x7a: {  	_ =	shalt  }
0x7b: {  	_ =	shalt  }
0x7c: {  	_ =	shalt  }
0x7d: {  	_ =	shalt  }
0x7e: {  	_ =	shalt  }
0x7f: {  	_ =	shalt  }
0x80: {  	_ =	shalt  }
0x81: {  	_ =	shalt  }
0x82: {  	_ =	shalt  }
0x83: {  	_ =	shalt  }
0x84: {  	_ =	shalt  }
0x85: {  	_ =	shalt  }
0x86: {  	_ =	shalt  }
0x87: {  	_ =	shalt  }
.Lfunc_end0:
.L_simem_size_0:
called_computation.2_lowered:
.L_overlay_start_0:
0x88: {  	s2 =	sld [smem:$0x3FD9]  }
0x89: {  	s3 =	sld [smem:$0x3FFE];
	_ =	sdelay $0x1  }
0x8a: {  	s1 =	srdreg.scid  }
0x8b: {  	s0 =	sand.u32 $0x1, s1  }
0x8c: {  	s17 =	sshll.u32 s0, $0xA;
	s2 =	sadd.s32 s3, s2  }
0x8d: {  	s2 =	sadd.s32 s2, s17  }
0x8e: {  	[smem:$0x3FC6] =	sst s2  }
0x8f: {  	_ = 	snop  }
0x90: {  	s2 =	sld [smem:$0x3FD0];
	(tm) =	ssettm $0x1  }
0x91: {  	s18 =	sld [smem:$0x3FFB];
	_ =	sdelay $0x3  }
0x92: {  	_ =	strace s18  }
0x93: {  	s3 =	sld [smem:$0x3FFC];
	_ =	sdelay $0x3  }
0x94: {  	_ =	strace s3  }
0x95: {  	s3 =	sld [smem:$0x3FFD];
	_ =	sdelay $0x3  }
0x96: {  	_ =	strace s3  }
0x97: {  	_ =	strace $0x8FFFFFFF  }
0x98: {  	s19 =	sld [smem:$0x3FDB];
	_ =	sdelay $0x1  }
0x99: {  	s4 =	simm.s32 $_scs_section_size  }
0x9a: {  	s5 =	simm.s32 $_size__tile_overlayer_lowered;
	s6 =	simm.s32 $_tile_overlayer_lowered  }
0x9b: {  	s22 =	simm.s32 $0x1BFF;
	s21 =	sshll.u32 s6, $0x1;
	s3 =	sadd.s32 s4, s19  }
0x9c: {  	s7 =	simm.s32 $0x0;
	s20 =	sshll.u32 s5, $0x1;
	s5 =	sadd.s32 s21, s3  }
0x9d: {  	[timem:s7], [sflag:s22] =	dma.local [hbm:s5], s20  }
0x9e: {  	_ =	swait.ge [sflag:s22], s20  }
0x9f: {  	s4 =	ssub.s32 $0x0, s20;
	[sflag:s22] =	ssyncset.done $0x0  }
0xa0: {  	[sflag:s22] =	ssyncadd.s32 s4;
	_ =	sdelay $0x1  }
0xa1: {  	s23 =	simm.s32 $0x1B8B  }
0xa2: {  	_ =	swait.ge [sflag:s23], $0x1  }
0xa3: {  	[sflag:s23] =	ssyncset.done $0x0  }
0xa4: {  	s25 =	simm.s32 $0x1B8E;
	s24 =	sld [smem:$0x3FFE];
	[sflag:s23] =	ssyncadd.s32 $0xFFFFFFFF  }
0xa5: {  	s26 =	simm.s32 $execute0_lowered;
	[smem:$0x3FD2] =	sst s25  }
0xa6: {  	s5 =	sshll.u32 s26, $0x1;
	_ =	strace $0x8000004C;
	[dreg:$0x1] =	wrdreg $0xFFFFFFFF  }
0xa7: {  	s28 =	simm.s32 $_size_execute0_lowered;
	s3 =	sadd.s32 s3, s5;
	[dreg:$0x0] =	wrdreg $0x0  }
0xa8: {  	s5 =	sshll.u32 s28, $0x1;
	[dreg:$0x2] =	wrdreg s3  }
0xa9: {  	[dreg:$0x3] =	wrdreg s5  }
0xaa: {  	[dreg:$0x4] =	wrdreg $0xC0  }
0xab: {  	_ =	task [dreg:s7], $0x5FFFF  }
0xac: {  	[dreg:$0x1] =	wrdreg $0xFFFFFFFF  }
0xad: {  	[dreg:$0x0] =	wrdreg $0x60  }
0xae: {  	[dreg:$0x2] =	wrdreg s24  }
0xaf: {  	[dreg:$0x3] =	wrdreg s2  }
0xb0: {  	[dreg:$0x4] =	wrdreg $0xE0000  }
0xb1: {  	[dreg:$0x5] =	wrdreg $0x9  }
0xb2: {  	_ =	task.clear_ibuf [dreg:s7], $0x6FFFF;
	_ =	strace $0x9000004C  }
0xb3: {  	s29 =	simm.s32 $0x9;
	_ =	strace $0x8000004E  }
0xb4: {  	_ =	swait.ge [sflag:s29], $0x1  }
0xb5: {  	[sflag:s29] =	ssyncadd.s32 $0xFFFFFFFF  }
0xb6: {  	_ =	strace $0x9000004E  }
0xb7: {  	_ =	sfence  }
0xb8: {  	s30 =	sld [smem:$0x0];
	_ =	sdelay $0x2  }
0xb9: {  	s31 =	sshll.u32 s1, $0xD;
	s1 =	sshrl.u32 s1, $0x2  }
0xba: {  	s3 =	sand.u32 $0x4000, s31;
	s1 =	sadd.s32 s1, s30  }
0xbb: {  	s0 =	sor.u32 s3, s0;
	s1 =	sshll.u32 s1, $0x11  }
0xbc: {  	s0 =	sor.u32 s1, s0  }
0xbd: {  	s0 =	sadd.s32 $0x8F2B, s0  }
0xbe: {  	[sflag:s0] =	ssyncadd.remote.s32 $0x1  }
0xbf: {  	_ =	sfence.sel $0xFFFF  }
0xc0: {  	[dreg:$0x0] =	wrdreg $0xFFFFFFFF;
	(pc) =	sbr.abs _section_cstart, $3  }
0xc1: {  	[dreg:$0x1] =	wrdreg $0xFFFFFFFF  }
0xc2: {  	_ =	task.clear_ibuf [dreg:s7], $0x2FFFF;
	_ =	strace $0x9FFFFFFF  }
0xc3: {  	(tm) =	ssettm $0x7FFFFFFF  }
tec
execute0_lowered:
.L_overlay_start_1:
0x0: {  	(tag) =	ssettag $0x1  }
0x1: {  	s0 =	rddreg [dreg:$0x0]  }
0x2: {  	s1 =	rddreg [dreg:$0x1]  }
0x3: {  	s20 =	rddreg [dreg:$0x2]  }
0x4: {  	s2 =	simm.s32 $0x0;
	s9 =	stileid.u32;
	s3 =	srdreg.scid  }
0x5: {  	s28 =	simm.s32 $0xC000;
	s29 =	simm.s32 $0x2;
	s6 =	smul.u32 $0xA00, s9  }
0x6: {  	s31 =	simm.s32 $0x0;
	[smem:$0x7FF] =	sst s2;
	s5 =	smul.u32 $0x28000, s9  }
0x7: {  	s24 =	sand.u32 $0x1, s3;
	s3 =	sadd.s32 $0x17400, s0;
	s17 =	smul.u32 $0xA000, s9  }
0x8: {  	_ =	strace $0x8000004D;
	s4 =	ssub.s32 $0x2, s24;
	s18 =	smul.u32 $0xA0000, s24  }
0x9: {  	s7 =	sadd.s32 s6, s0;
	s0 =	sadd.s32 $0x8F400, s0;
	s8 =	sshrl.u32 s4, $0x1  }
0xa: {  	s19 =	sshrl.u32 s5, $0x2;
	s6 =	sadd.s32 s1, s6;
	s14 =	sadd.s32 $0x2000, s17  }
0xb: {  	s26 =	sadd.s32 $0x6000, s17;
	s8 =	ssub.s32 s4, s8;
	s4 =	sadd.s32 s19, s20  }
0xc: {  	s21 =	sadd.s32 $0xD400, s7;
	s7 =	sadd.s32 s17, s20;
	s22 =	sadd.s32 s18, s17  }
0xd: {  	s23 =	sadd.s32 s18, s14;
	s14 =	sadd.s32 s14, s20;
	s19 =	sadd.s32 $0x4000, s17  }
0xe: {  	s30 =	sadd.s32 s18, s26;
	[dreg:$0x4] =	wrdreg s21;
	s8 =	smax.u32 s8, $0x1  }
0xf: {  	s9 =	sadd.s32 $0x2000, s4;
	s10 =	sadd.s32 $0x4000, s4;
	s11 =	sadd.s32 $0x6000, s4  }
0x10: {  	s1 =	sshrl.u32 s22, $0x3;
	s12 =	sadd.s32 $0x8000, s4;
	s16 =	sadd.s32 s19, s20  }
0x11: {  	s25 =	sadd.s32 s18, s19;
	s21 =	sadd.s32 $0x8000, s17;
	s13 =	sadd.s32 s0, s1  }
0x12: {  	s1 =	sshrl.u32 s23, $0x3;
	s22 =	sadd.s32 s18, s21;
	s18 =	sadd.s32 s26, s20  }
0x13: {  	s20 =	sadd.s32 s21, s20;
	s23 =	simm.s32 $0x3;
	s26 =	simm.s32 $0x1  }
0x14: {  	s15 =	sadd.s32 s0, s1;
	s1 =	sshrl.u32 s25, $0x3;
	s22 =	sshrl.u32 s22, $0x3  }
0x15: {  	s25 =	simm.s32 $0x80;
	s17 =	sadd.s32 s0, s1;
	s1 =	sshrl.u32 s30, $0x3  }
0x16: {  	v1 =	vimm.f32 $0.0e+00;
	v0 =	vmov s24;
	s21 =	sadd.s32 s0, s22;
	s22 =	simm.s32 $0xA000;
	s19 =	sadd.s32 s0, s1  }
.LBB2_1:
0x17: {  	s0 =	sand.u32 $0x7F00, s2  }
0x18: {  	s1 =	sand.u32 $0x30, s2;
	s24 =	sshrl.u32 s0, $0x2  }
0x19: {  	s0 =	simm.s32 $0x40;
	s24 =	sor.u32 s1, s24;
	s1 =	simm.s32 $0x0  }
.LBB2_2:
0x1a: {  	p0 =	sne.s32 s0, $0x7FC0  }
0x1b: {  	[tilespmem:s24+$0xA000] =	vst v1;
	s1 =	sadd.s32 $0x10, s1;
	s24 =	smov.u32 s0;
	s0 =	sadd.s32 $0x40, s0  }
.Ltmp0:
0x1c: {  	(pc) =	sbr.rel @p0 .LBB2_2-.Ltmp0, $4  }
0x1d: {  	_ = 	snop  }
0x1e: {  	s24 =	sand.u32 $0x7F00, s24  }
0x1f: {  	s30 =	sand.u32 $0x30, s1;
	s24 =	sshrl.u32 s24, $0x2  }
0x20: {  	s24 =	sor.u32 s30, s24  }
0x21: {  	[tilespmem:s24+$0xA000] =	vst v1  }
0x22: {  	[spmem:s4] =	stream.linear.scatter [tilespmem:s22], [sflag:$0x3], $0x2000, $0x38;
	[tilespmem:$0x18000] =	vst v63  }
0x23: {  	_ =	swait.ge [sflag:s23], $0x2000  }
0x24: {  	[sflag:s23] =	ssyncset.done $0x0  }
0x25: {  	[sflag:s23] =	ssyncadd.s32 $0xFFFFE000  }
0x26: {  	[spmem:s9] =	stream.linear.scatter [tilespmem:s22], [sflag:$0x3], $0x2000, $0x38;
	[tilespmem:$0x18000] =	vst v63  }
0x27: {  	_ =	swait.ge [sflag:s23], $0x2000  }
0x28: {  	[sflag:s23] =	ssyncset.done $0x0  }
0x29: {  	[sflag:s23] =	ssyncadd.s32 $0xFFFFE000  }
0x2a: {  	[spmem:s10] =	stream.linear.scatter [tilespmem:s22], [sflag:$0x3], $0x2000, $0x38;
	[tilespmem:$0x18000] =	vst v63  }
0x2b: {  	_ =	swait.ge [sflag:s23], $0x2000  }
0x2c: {  	[sflag:s23] =	ssyncset.done $0x0  }
0x2d: {  	[sflag:s23] =	ssyncadd.s32 $0xFFFFE000  }
0x2e: {  	[spmem:s11] =	stream.linear.scatter [tilespmem:s22], [sflag:$0x3], $0x2000, $0x38;
	[tilespmem:$0x18000] =	vst v63  }
0x2f: {  	_ =	swait.ge [sflag:s23], $0x2000  }
0x30: {  	[sflag:s23] =	ssyncset.done $0x0  }
0x31: {  	[sflag:s23] =	ssyncadd.s32 $0xFFFFE000  }
0x32: {  	[spmem:s12] =	stream.linear.scatter [tilespmem:s22], [sflag:$0x3], $0x2000, $0x38;
	[tilespmem:$0x18000] =	vst v63  }
0x33: {  	_ =	swait.ge [sflag:s23], $0x2000  }
0x34: {  	[sflag:s23] =	ssyncset.done $0x0  }
0x35: {  	s0 =	simm.s32 $0x0;
	s1 =	rddreg [dreg:$0x4];
	[sflag:s23] =	ssyncadd.s32 $0xFFFFE000  }
0x36: {  	[tilespmem:s0], [sflag:$0x3] =	stream.linear.gather [hbm4b:s1+s0], $0x5000, $0x38;
	[tilespmem:$0x18000] =	vst v63  }
0x37: {  	_ =	swait.ge [sflag:s23], $0x5000  }
0x38: {  	[sflag:s23] =	ssyncset.done $0x0  }
0x39: {  	s24 =	simm.s32 $0x5000;
	[sflag:s23] =	ssyncadd.s32 $0xFFFFB000  }
0x3a: {  	[tilespmem:s24], [sflag:$0x3] =	stream.linear.gather [hbm4b:s6+s0], $0x5000, $0x38;
	[tilespmem:$0x18000] =	vst v63  }
0x3b: {  	s5 =	sand.u32 $0x1FE00, s0;
	_ =	swait.ge [sflag:s23], $0x5000  }
0x3c: {  	s1 =	sshrl.u32 s5, $0x2;
	s0 =	sand.u32 $0x70, s0;
	[sflag:s23] =	ssyncset.done $0x0  }
0x3d: {  	s0 =	sor.u32 s0, s1;
	[sflag:s23] =	ssyncadd.s32 $0xFFFFB000  }
0x3e: {  	v2 =	vld [tilespmem:s0+$0x0];
	_ =	sdelay $0x3  }
0x3f: {  	s24 =	simm.s32 $0x40  }
0x40: {  	s30 =	sand.u32 $0x1FE00, s24;
	s1 =	simm.s32 $0x80;
	s24 =	simm.s32 $0x10;
	v2 =	vshll.u32 v2, $0x1  }
.LBB2_4:
0x41: {  	p0 =	sne.s32 s1, $0x13FC0;
	s5 =	sand.u32 $0x70, s24;
	s30 =	sshrl.u32 s30, $0x2;
	v2 =	vor.u32 v0, v2  }
0x42: {  	[tilespmem:s0+$0x0] =	vst v2;
	s0 =	sor.u32 s5, s30  }
0x43: {  	v2 =	vld [tilespmem:s0+$0x0]  }
.Ltmp1:
0x44: {  	(pc) =	sbr.rel @p0 .LBB2_4-.Ltmp1, $2  }
0x45: {  	_ =	sdelay $0x2  }
0x46: {  	s24 =	sadd.s32 $0x10, s24;
	s30 =	sand.u32 $0x1FE00, s1;
	s1 =	sadd.s32 $0x40, s1;
	v2 =	vshll.u32 v2, $0x1  }
0x47: {  	s1 =	sand.u32 $0x70, s24;
	s5 =	sshrl.u32 s30, $0x2;
	v2 =	vor.u32 v0, v2  }
0x48: {  	s1 =	sor.u32 s1, s5;
	[tilespmem:s0+$0x0] =	vst v2  }
0x49: {  	v2 =	vld [tilespmem:s1+$0x0];
	_ =	sdelay $0x4  }
0x4a: {  	v2 =	vshll.u32 v2, $0x1  }
0x4b: {  	v2 =	vor.u32 v0, v2  }
0x4c: {  	[tilespmem:s1+$0x0] =	vst v2  }
0x4d: {  	[bflag:$0x0] =	sbarrier.arrive $0xFFFF  }
0x4e: {  	[tilespmem:s22], [sflag:$0x1] =	stream.indirect.gather [hbm4b:s3+s25], $0x40, s2, s25, $0xb8;
	[tilespmem:$0x18000] =	vst v63  }
0x4f: {  	_ =	swait.ge [sflag:s26], $0x2000  }
0x50: {  	[sflag:s26] =	ssyncset.done $0x0  }
0x51: {  	s30 =	simm.s32 $0x80;
	[sflag:s26] =	ssyncadd.s32 $0xFFFFE000  }
0x52: {  	[tilespmem:s28], [sflag:$0x2] =	stream.indirect.gather [hbm4b:s3+s25], $0x40, s30, s25, $0xb8;
	[tilespmem:$0x18000] =	vst v63  }
0x53: {  	_ =	swait.ge [sflag:s29], $0x2000  }
0x54: {  	[sflag:s29] =	ssyncset.done $0x0  }
0x55: {  	s0 =	simm.s32 $0xFFFEC800;
	s1 =	simm.s32 $0x100;
	[sflag:s29] =	ssyncadd.s32 $0xFFFFE000  }
.LBB2_6:
0x56: {  	[tilespmem:s22], [sflag:$0x1] =	stream.indirect.gather [hbm4b:s3+s25], $0x40, s1, s25, $0xb8;
	[tilespmem:$0x18000] =	vst v63  }
0x57: {  	s1 =	smov.u32 s0  }
0x58: {  	p0 =	sne.s32 s0, $0xFFFFFC00;
	s0 =	sadd.s32 $0x400, s0;
	_ =	swait.ge [sflag:s26], $0x2000  }
0x59: {  	s1 =	sshra.s32 s1, $0x2;
	[sflag:s26] =	ssyncset.done $0x0  }
.Ltmp2:
0x5a: {  	s5 =	sadd.s32 $0x4F80, s1;
	[sflag:s26] =	ssyncadd.s32 $0xFFFFE000;
	(pc) =	sbr.rel @p0 .LBB2_6-.Ltmp2, $4  }
0x5b: {  	[tilespmem:s28], [sflag:$0x2] =	stream.indirect.gather [hbm4b:s3+s25], $0x40, s5, s25, $0xb8;
	[tilespmem:$0x18000] =	vst v63  }
0x5c: {  	_ =	swait.ge [sflag:s29], $0x2000  }
0x5d: {  	[sflag:s29] =	ssyncset.done $0x0  }
0x5e: {  	s1 =	sadd.s32 $0x5000, s1;
	[sflag:s29] =	ssyncadd.s32 $0xFFFFE000  }
0x5f: {  	[tilespmem:s22], [sflag:$0x1] =	stream.indirect.gather [hbm4b:s3+s25], $0x40, s1, s25, $0xb8;
	[tilespmem:$0x18000] =	vst v63  }
0x60: {  	_ =	swait.ge [sflag:s26], $0x2000  }
0x61: {  	[sflag:s26] =	ssyncset.done $0x0  }
0x62: {  	s0 =	simm.s32 $0x4F80;
	[sflag:s26] =	ssyncadd.s32 $0xFFFFE000  }
0x63: {  	[tilespmem:s28], [sflag:$0x2] =	stream.indirect.gather [hbm4b:s3+s25], $0x40, s0, s25, $0xb8;
	[tilespmem:$0x18000] =	vst v63  }
0x64: {  	_ =	swait.ge [sflag:s29], $0x2000  }
0x65: {  	[sflag:s29] =	ssyncset.done $0x0  }
0x66: {  	[sflag:s29] =	ssyncadd.s32 $0xFFFFE000  }
0x67: {  	[bflag:$0x0] =	sbarrier.arrive $0xFFFF  }
0x68: {  	[tilespmem:s22], [sflag:$0x3] =	stream.linear.gather [spmem:s7], $0x2000, $0x38;
	[tilespmem:$0x18000] =	vst v63  }
0x69: {  	_ =	swait.ge [sflag:s23], $0x2000  }
0x6a: {  	[sflag:s23] =	ssyncset.done $0x0  }
0x6b: {  	[sflag:s23] =	ssyncadd.s32 $0xFFFFE000  }
0x6c: {  	[hbm4b:s13+s2] =	stream.linear.scatter [tilespmem:s22], [sflag:$0x3], $0x2000, $0x38;
	[tilespmem:$0x18000] =	vst v63  }
0x6d: {  	_ =	swait.ge [sflag:s23], $0x2000  }
0x6e: {  	[sflag:s23] =	ssyncset.done $0x0  }
0x6f: {  	[sflag:s23] =	ssyncadd.s32 $0xFFFFE000  }
0x70: {  	[tilespmem:s22], [sflag:$0x3] =	stream.linear.gather [spmem:s14], $0x2000, $0x38;
	[tilespmem:$0x18000] =	vst v63  }
0x71: {  	_ =	swait.ge [sflag:s23], $0x2000  }
0x72: {  	[sflag:s23] =	ssyncset.done $0x0  }
0x73: {  	[sflag:s23] =	ssyncadd.s32 $0xFFFFE000  }
0x74: {  	[hbm4b:s15+s2] =	stream.linear.scatter [tilespmem:s22], [sflag:$0x3], $0x2000, $0x38;
	[tilespmem:$0x18000] =	vst v63  }
0x75: {  	_ =	swait.ge [sflag:s23], $0x2000  }
0x76: {  	[sflag:s23] =	ssyncset.done $0x0  }
0x77: {  	[sflag:s23] =	ssyncadd.s32 $0xFFFFE000  }
0x78: {  	[tilespmem:s22], [sflag:$0x3] =	stream.linear.gather [spmem:s16], $0x2000, $0x38;
	[tilespmem:$0x18000] =	vst v63  }
0x79: {  	_ =	swait.ge [sflag:s23], $0x2000  }
0x7a: {  	[sflag:s23] =	ssyncset.done $0x0  }
0x7b: {  	[sflag:s23] =	ssyncadd.s32 $0xFFFFE000  }
0x7c: {  	[hbm4b:s17+s2] =	stream.linear.scatter [tilespmem:s22], [sflag:$0x3], $0x2000, $0x38;
	[tilespmem:$0x18000] =	vst v63  }
0x7d: {  	_ =	swait.ge [sflag:s23], $0x2000  }
0x7e: {  	[sflag:s23] =	ssyncset.done $0x0  }
0x7f: {  	[sflag:s23] =	ssyncadd.s32 $0xFFFFE000  }
0x80: {  	[tilespmem:s22], [sflag:$0x3] =	stream.linear.gather [spmem:s18], $0x2000, $0x38;
	[tilespmem:$0x18000] =	vst v63  }
0x81: {  	_ =	swait.ge [sflag:s23], $0x2000  }
0x82: {  	[sflag:s23] =	ssyncset.done $0x0  }
0x83: {  	[sflag:s23] =	ssyncadd.s32 $0xFFFFE000  }
0x84: {  	[hbm4b:s19+s2] =	stream.linear.scatter [tilespmem:s22], [sflag:$0x3], $0x2000, $0x38;
	[tilespmem:$0x18000] =	vst v63  }
0x85: {  	_ =	swait.ge [sflag:s23], $0x2000  }
0x86: {  	[sflag:s23] =	ssyncset.done $0x0  }
0x87: {  	[sflag:s23] =	ssyncadd.s32 $0xFFFFE000  }
0x88: {  	[tilespmem:s22], [sflag:$0x3] =	stream.linear.gather [spmem:s20], $0x2000, $0x38;
	[tilespmem:$0x18000] =	vst v63  }
0x89: {  	s31 =	sadd.s32 $0x1, s31;
	_ =	swait.ge [sflag:s23], $0x2000  }
0x8a: {  	p0 =	sne.s32 s31, s8;
	[sflag:s23] =	ssyncset.done $0x0  }
.Ltmp3:
0x8b: {  	[sflag:s23] =	ssyncadd.s32 $0xFFFFE000;
	(pc) =	sbr.rel @p0 .LBB2_1-.Ltmp3, $4  }
0x8c: {  	[hbm4b:s21+s2] =	stream.linear.scatter [tilespmem:s22], [sflag:$0x3], $0x2000, $0x38;
	[tilespmem:$0x18000] =	vst v63  }
0x8d: {  	_ =	swait.ge [sflag:s23], $0x2000  }
0x8e: {  	[sflag:s23] =	ssyncset.done $0x0  }
0x8f: {  	[sflag:s23] =	ssyncadd.s32 $0xFFFFE000  }
0x90: {  	_ =	sfence.sel $0x180000  }
0x91: {  	[bflag:$0x0] =	sbarrier.arrive $0xFFFF  }
0x92: {  	_ =	strace $0x9000004D  }
0x93: {  	s0 =	stileid.u32;
	[bflag:$0x2] =	sbarrier.arrive $0xFFFF  }
0x94: {  	p0 =	sne.s32 s0, $0x0;
	s0 =	rddreg [dreg:$0x3]  }
0x95: {  	s0 =	sadd.s32 @!p0 $0x100000, s0  }
0x96: {  	[sflag:s0] =	ssyncadd.tile.s32 @!p0 $0x1;
	_ =	shalt  }
.Lfunc_end2:
_tile_overlayer_lowered:
.L_overlay_start_2:
0x97: {  	(tag) =	ssettag $0x2  }
0x98: {  	s0 =	rddreg [dreg:$0x0];
	s2 =	stileid.u32  }
0x99: {  	s1 =	rddreg [dreg:$0x1];
	p0 =	sne.s32 s2, $0x0  }
0x9a: {  	s3 =	rddreg [dreg:$0x2];
	[bflag:$0x3] =	sbarrier.arrive $0xFFFF;
	s2 =	simm.s32 @!p0 $0x1C03  }
0x9b: {  	[timem:s3], [sflag:s2] =	dma.local @!p0 [hbm:s0], s1  }
0x9c: {  	s0 =	simm.s32 @!p0 $0x3  }
0x9d: {  	_ =	swait.ge @!p0 [sflag:s0], s1  }
0x9e: {  	s1 =	ssub.s32 @!p0 $0x0, s1;
	[sflag:s0] =	ssyncset.done @!p0 $0x0  }
0x9f: {  	[sflag:s0] =	ssyncadd.s32 @!p0 s1  }
0xa0: {  	[bflag:$0x3] =	sbarrier.arrive $0xFFFF  }
0xa1: {  	_ =	shalt  }

// kernel: kernel.19.cloned.1.call-start
scs
__scs_entry_jumppad:
0x0: {  	(pc) =	sbr.rel $0x88, $3  }
0x1: {  	(tag) =	ssettag $0x0;
	lr =	simm.s32 $0x1  }
0x2: {  	[smem:$0x3F9F] =	sst lr;
	_ =	strace $0xD0000000  }
0x3: {  	_ = 	snop  }
0x4: {  	_ = 	snop  }
0x5: {  	_ = 	snop  }
0x6: {  	_ = 	snop  }
0x7: {  	_ = 	snop  }
__scs_overlays_trampoline_lowered:
0x8: {  	[smem:$0x3FAE] =	sst s0  }
0x9: {  	[smem:$0x3FAF] =	sst s1  }
0xa: {  	[smem:$0x3FB0] =	sst s2  }
0xb: {  	[smem:$0x3FB1] =	sst s3  }
0xc: {  	[smem:$0x3FB2] =	sst s4  }
0xd: {  	[smem:$0x3FB3] =	sst s5  }
0xe: {  	[smem:$0x3FB4] =	sst s6  }
0xf: {  	[smem:$0x3FB5] =	sst s7  }
0x10: {  	[smem:$0x3FB6] =	sst s8  }
0x11: {  	[smem:$0x3FB7] =	sst s9;
	s0 =	simm.s32 @!p0 $0x0  }
0x12: {  	s1 =	sld [smem:$0x3F9D];
	s0 =	simm.s32 @p0 $0x1  }
0x13: {  	[smem:$0x3FB8] =	sst s0;
	s0 =	simm.s32 @!p1 $0x0  }
0x14: {  	s2 =	sld [smem:$0x3F9C];
	s0 =	simm.s32 @p1 $0x1  }
0x15: {  	[smem:$0x3FB9] =	sst s0;
	s0 =	simm.s32 @!p2 $0x0  }
0x16: {  	s3 =	sld [smem:$0x3FDB];
	s0 =	simm.s32 @p2 $0x1  }
0x17: {  	s4 =	simm.s32 $0x1BF5;
	[smem:$0x3FBB] =	sst s0  }
0x18: {  	s0 =	sld [smem:$0x3F9E];
	_ =	swait.ge [sflag:s4], $0x0  }
0x19: {  	s7 =	sld [smem:$0x3F9F]  }
0x1a: {  	s8 =	sadd.s32 $0xFFFFE003, lr  }
0x1b: {  	s9 =	sadd.s32 $0xFFFFFEF7, lr;
	s5 =	simm.s32 $0xFFFFFFFF;
	p2 =	slt.u32 s8, $0xFFFFF086  }
0x1c: {  	p1 =	slt.u32 s9, $0xF7A;
	s5 =	simm.s32 @!p2 $0x0  }
0x1d: {  	s5 =	simm.s32 @p1 $0x1;
	p0 =	seq.s32 s7, s2  }
0x1e: {  	s7 =	smul.u32 @!p0 $0xF7A, s2;
	p2 =	seq.s32 @!p0 s5, $0x0  }
0x1f: {  	s9 =	smul.u32 $0xF7A, s1;
	s8 =	simm.s32 @!p0 $0x1BF5;
	p2 =	por !p2, p0  }
0x20: {  	[sflag:s8] =	ssyncset.s32 @!p0 $0xFFFFF086;
	s6 =	sadd.s32 @!p0 s3, s7;
	s7 =	simm.s32 @!p0 $0x108  }
0x21: {  	s3 =	sadd.s32 s3, s9;
	s6 =	sadd.s32 @!p0 $0x88, s6;
	s7 =	simm.s32 @p2 $0x1082  }
0x22: {  	[simem:s7], [sflag:s8] =	dma.local @!p0 [hbm:s6], $0xF7A  }
0x23: {  	s9 =	sor.u32 $0xD0000000, s2;
	s6 =	simm.s32 $0x108;
	_ =	swait.ge @!p0 [sflag:s8], $0x0  }
0x24: {  	s3 =	sadd.s32 $0x88, s3;
	s6 =	simm.s32 @!p1 $0x1082;
	[sflag:s4] =	ssyncset.s32 $0xFFFFF086  }
0x25: {  	[simem:s6], [sflag:s4] =	dma.local [hbm:s3], $0xF7A  }
0x26: {  	[smem:$0x3F9F] =	sst s1;
	(tag) =	ssettag s2;
	_ =	strace s9  }
0x27: {  	s1 =	sld [smem:$0x3FAF]  }
0x28: {  	s2 =	sld [smem:$0x3FB0]  }
0x29: {  	s4 =	sld [smem:$0x3FB2]  }
0x2a: {  	p0 =	seq.s32 s5, $0x0;
	s5 =	sld [smem:$0x3FB3]  }
0x2b: {  	s6 =	sld [smem:$0x3FB4]  }
0x2c: {  	s7 =	sld [smem:$0x3FB5]  }
0x2d: {  	s3 =	simm.s32 $0x108;
	s8 =	sld [smem:$0x3FB6]  }
0x2e: {  	s3 =	simm.s32 @!p0 $0x1082;
	s9 =	sld [smem:$0x3FB7]  }
0x2f: {  	lr =	sadd.s32 s0, s3;
	s0 =	sld [smem:$0x3FAE]  }
0x30: {  	s3 =	sld [smem:$0x3FB1]  }
0x31: {  	[smem:$0x3FBA] =	sst s10  }
0x32: {  	s10 =	sld [smem:$0x3FB8];
	_ =	sdelay $0x3  }
0x33: {  	p0 =	seq.s32 s10, $0x1;
	s10 =	sld [smem:$0x3FBA];
	_ =	sdelay $0x3  }
0x34: {  	[smem:$0x3FBA] =	sst s10  }
0x35: {  	s10 =	sld [smem:$0x3FB9];
	_ =	sdelay $0x3  }
0x36: {  	p1 =	seq.s32 s10, $0x1;
	s10 =	sld [smem:$0x3FBA];
	_ =	sdelay $0x3  }
0x37: {  	[smem:$0x3FBA] =	sst s10  }
0x38: {  	s10 =	sld [smem:$0x3FBB]  }
0x39: {  	_ = 	snop;
	(pc) =	sbr.ind lr, $3  }
0x3a: {  	_ = 	snop  }
0x3b: {  	_ = 	snop  }
0x3c: {  	p2 =	seq.s32 s10, $0x1;
	s10 =	sld [smem:$0x3FBA]  }
0x3d: {  	_ =	shalt  }
0x3e: {  	_ =	shalt  }
0x3f: {  	_ =	shalt  }
0x40: {  	_ =	shalt  }
0x41: {  	_ =	shalt  }
0x42: {  	_ =	shalt  }
0x43: {  	_ =	shalt  }
0x44: {  	_ =	shalt  }
0x45: {  	_ =	shalt  }
0x46: {  	_ =	shalt  }
0x47: {  	_ =	shalt  }
0x48: {  	_ =	shalt  }
0x49: {  	_ =	shalt  }
0x4a: {  	_ =	shalt  }
0x4b: {  	_ =	shalt  }
0x4c: {  	_ =	shalt  }
0x4d: {  	_ =	shalt  }
0x4e: {  	_ =	shalt  }
0x4f: {  	_ =	shalt  }
0x50: {  	_ =	shalt  }
0x51: {  	_ =	shalt  }
0x52: {  	_ =	shalt  }
0x53: {  	_ =	shalt  }
0x54: {  	_ =	shalt  }
0x55: {  	_ =	shalt  }
0x56: {  	_ =	shalt  }
0x57: {  	_ =	shalt  }
0x58: {  	_ =	shalt  }
0x59: {  	_ =	shalt  }
0x5a: {  	_ =	shalt  }
0x5b: {  	_ =	shalt  }
0x5c: {  	_ =	shalt  }
0x5d: {  	_ =	shalt  }
0x5e: {  	_ =	shalt  }
0x5f: {  	_ =	shalt  }
0x60: {  	_ =	shalt  }
0x61: {  	_ =	shalt  }
0x62: {  	_ =	shalt  }
0x63: {  	_ =	shalt  }
0x64: {  	_ =	shalt  }
0x65: {  	_ =	shalt  }
0x66: {  	_ =	shalt  }
0x67: {  	_ =	shalt  }
0x68: {  	_ =	shalt  }
0x69: {  	_ =	shalt  }
0x6a: {  	_ =	shalt  }
0x6b: {  	_ =	shalt  }
0x6c: {  	_ =	shalt  }
0x6d: {  	_ =	shalt  }
0x6e: {  	_ =	shalt  }
0x6f: {  	_ =	shalt  }
0x70: {  	_ =	shalt  }
0x71: {  	_ =	shalt  }
0x72: {  	_ =	shalt  }
0x73: {  	_ =	shalt  }
0x74: {  	_ =	shalt  }
0x75: {  	_ =	shalt  }
0x76: {  	_ =	shalt  }
0x77: {  	_ =	shalt  }
0x78: {  	_ =	shalt  }
0x79: {  	_ =	shalt  }
0x7a: {  	_ =	shalt  }
0x7b: {  	_ =	shalt  }
0x7c: {  	_ =	shalt  }
0x7d: {  	_ =	shalt  }
0x7e: {  	_ =	shalt  }
0x7f: {  	_ =	shalt  }
0x80: {  	_ =	shalt  }
0x81: {  	_ =	shalt  }
0x82: {  	_ =	shalt  }
0x83: {  	_ =	shalt  }
0x84: {  	_ =	shalt  }
0x85: {  	_ =	shalt  }
0x86: {  	_ =	shalt  }
0x87: {  	_ =	shalt  }
.Lfunc_end0:
.L_simem_size_0:
called_computation.3_lowered:
.L_overlay_start_0:
0x88: {  	s2 =	sld [smem:$0x3FD9]  }
0x89: {  	s3 =	sld [smem:$0x3FFE];
	_ =	sdelay $0x1  }
0x8a: {  	s1 =	srdreg.scid  }
0x8b: {  	s0 =	sand.u32 $0x1, s1  }
0x8c: {  	s17 =	sshll.u32 s0, $0xA;
	s2 =	sadd.s32 s3, s2  }
0x8d: {  	s2 =	sadd.s32 s2, s17  }
0x8e: {  	[smem:$0x3FC6] =	sst s2  }
0x8f: {  	_ = 	snop  }
0x90: {  	s2 =	sld [smem:$0x3FD0];
	(tm) =	ssettm $0x1  }
0x91: {  	s18 =	sld [smem:$0x3FFB];
	_ =	sdelay $0x3  }
0x92: {  	_ =	strace s18  }
0x93: {  	s3 =	sld [smem:$0x3FFC];
	_ =	sdelay $0x3  }
0x94: {  	_ =	strace s3  }
0x95: {  	s3 =	sld [smem:$0x3FFD];
	_ =	sdelay $0x3  }
0x96: {  	_ =	strace s3  }
0x97: {  	_ =	strace $0x8FFFFFFF  }
0x98: {  	s19 =	sld [smem:$0x3FDB];
	_ =	sdelay $0x1  }
0x99: {  	s4 =	simm.s32 $_scs_section_size  }
0x9a: {  	s5 =	simm.s32 $_size__tile_overlayer_lowered;
	s6 =	simm.s32 $_tile_overlayer_lowered  }
0x9b: {  	s22 =	simm.s32 $0x1BFF;
	s21 =	sshll.u32 s6, $0x1;
	s3 =	sadd.s32 s4, s19  }
0x9c: {  	s7 =	simm.s32 $0x0;
	s20 =	sshll.u32 s5, $0x1;
	s5 =	sadd.s32 s21, s3  }
0x9d: {  	[timem:s7], [sflag:s22] =	dma.local [hbm:s5], s20  }
0x9e: {  	_ =	swait.ge [sflag:s22], s20  }
0x9f: {  	s4 =	ssub.s32 $0x0, s20;
	[sflag:s22] =	ssyncset.done $0x0  }
0xa0: {  	[sflag:s22] =	ssyncadd.s32 s4;
	_ =	sdelay $0x1  }
0xa1: {  	s23 =	simm.s32 $0x1B8B  }
0xa2: {  	_ =	swait.ge [sflag:s23], $0x1  }
0xa3: {  	[sflag:s23] =	ssyncset.done $0x0  }
0xa4: {  	s25 =	simm.s32 $0x1B8E;
	s24 =	sld [smem:$0x3FFE];
	[sflag:s23] =	ssyncadd.s32 $0xFFFFFFFF  }
0xa5: {  	s26 =	simm.s32 $execute0_lowered;
	[smem:$0x3FD2] =	sst s25  }
0xa6: {  	s5 =	sshll.u32 s26, $0x1;
	_ =	strace $0x8000004F;
	[dreg:$0x1] =	wrdreg $0xFFFFFFFF  }
0xa7: {  	s28 =	simm.s32 $_size_execute0_lowered;
	s3 =	sadd.s32 s3, s5;
	[dreg:$0x0] =	wrdreg $0x0  }
0xa8: {  	s5 =	sshll.u32 s28, $0x1;
	[dreg:$0x2] =	wrdreg s3  }
0xa9: {  	[dreg:$0x3] =	wrdreg s5  }
0xaa: {  	[dreg:$0x4] =	wrdreg $0xC0  }
0xab: {  	_ =	task [dreg:s7], $0x5FFFF  }
0xac: {  	[dreg:$0x1] =	wrdreg $0xFFFFFFFF  }
0xad: {  	[dreg:$0x0] =	wrdreg $0x60  }
0xae: {  	[dreg:$0x2] =	wrdreg s24  }
0xaf: {  	[dreg:$0x3] =	wrdreg s2  }
0xb0: {  	[dreg:$0x4] =	wrdreg $0xE0000  }
0xb1: {  	[dreg:$0x5] =	wrdreg $0x9  }
0xb2: {  	_ =	task.clear_ibuf [dreg:s7], $0x6FFFF;
	_ =	strace $0x9000004F  }
0xb3: {  	s29 =	simm.s32 $0x9;
	_ =	strace $0x80000051  }
0xb4: {  	_ =	swait.ge [sflag:s29], $0x1  }
0xb5: {  	[sflag:s29] =	ssyncadd.s32 $0xFFFFFFFF  }
0xb6: {  	_ =	strace $0x90000051  }
0xb7: {  	_ =	sfence  }
0xb8: {  	s30 =	sld [smem:$0x0];
	_ =	sdelay $0x2  }
0xb9: {  	s31 =	sshll.u32 s1, $0xD;
	s1 =	sshrl.u32 s1, $0x2  }
0xba: {  	s3 =	sand.u32 $0x4000, s31;
	s1 =	sadd.s32 s1, s30  }
0xbb: {  	s0 =	sor.u32 s3, s0;
	s1 =	sshll.u32 s1, $0x11  }
0xbc: {  	s0 =	sor.u32 s1, s0  }
0xbd: {  	s0 =	sadd.s32 $0x8F2B, s0  }
0xbe: {  	[sflag:s0] =	ssyncadd.remote.s32 $0x1  }
0xbf: {  	_ =	sfence.sel $0xFFFF  }
0xc0: {  	[dreg:$0x0] =	wrdreg $0xFFFFFFFF;
	(pc) =	sbr.abs _section_cstart, $3  }
0xc1: {  	[dreg:$0x1] =	wrdreg $0xFFFFFFFF  }
0xc2: {  	_ =	task.clear_ibuf [dreg:s7], $0x2FFFF;
	_ =	strace $0x9FFFFFFF  }
0xc3: {  	(tm) =	ssettm $0x7FFFFFFF  }
tec
execute0_lowered:
.L_overlay_start_1:
0x0: {  	(tag) =	ssettag $0x1  }
0x1: {  	s0 =	rddreg [dreg:$0x0]  }
0x2: {  	s1 =	rddreg [dreg:$0x1]  }
0x3: {  	s20 =	rddreg [dreg:$0x2]  }
0x4: {  	s2 =	simm.s32 $0x0;
	s9 =	stileid.u32;
	s3 =	srdreg.scid  }
0x5: {  	s28 =	simm.s32 $0xC000;
	s29 =	simm.s32 $0x2;
	s6 =	smul.u32 $0xA00, s9  }
0x6: {  	s31 =	simm.s32 $0x0;
	[smem:$0x7FF] =	sst s2;
	s5 =	smul.u32 $0x28000, s9  }
0x7: {  	s24 =	sand.u32 $0x1, s3;
	s3 =	sadd.s32 $0x17400, s0;
	s17 =	smul.u32 $0xA000, s9  }
0x8: {  	_ =	strace $0x80000050;
	s4 =	ssub.s32 $0x2, s24;
	s18 =	smul.u32 $0xA0000, s24  }
0x9: {  	s7 =	sadd.s32 s6, s0;
	s0 =	sadd.s32 $0x8F400, s0;
	s8 =	sshrl.u32 s4, $0x1  }
0xa: {  	s19 =	sshrl.u32 s5, $0x2;
	s6 =	sadd.s32 s1, s6;
	s14 =	sadd.s32 $0x2000, s17  }
0xb: {  	s26 =	sadd.s32 $0x6000, s17;
	s8 =	ssub.s32 s4, s8;
	s4 =	sadd.s32 s19, s20  }
0xc: {  	s21 =	sadd.s32 $0xD400, s7;
	s7 =	sadd.s32 s17, s20;
	s22 =	sadd.s32 s18, s17  }
0xd: {  	s23 =	sadd.s32 s18, s14;
	s14 =	sadd.s32 s14, s20;
	s19 =	sadd.s32 $0x4000, s17  }
0xe: {  	s30 =	sadd.s32 s18, s26;
	[dreg:$0x4] =	wrdreg s21;
	s8 =	smax.u32 s8, $0x1  }
0xf: {  	s9 =	sadd.s32 $0x2000, s4;
	s10 =	sadd.s32 $0x4000, s4;
	s11 =	sadd.s32 $0x6000, s4  }
0x10: {  	s1 =	sshrl.u32 s22, $0x3;
	s12 =	sadd.s32 $0x8000, s4;
	s16 =	sadd.s32 s19, s20  }
0x11: {  	s25 =	sadd.s32 s18, s19;
	s21 =	sadd.s32 $0x8000, s17;
	s13 =	sadd.s32 s0, s1  }
0x12: {  	s1 =	sshrl.u32 s23, $0x3;
	s22 =	sadd.s32 s18, s21;
	s18 =	sadd.s32 s26, s20  }
0x13: {  	s20 =	sadd.s32 s21, s20;
	s23 =	simm.s32 $0x3;
	s26 =	simm.s32 $0x1  }
0x14: {  	s15 =	sadd.s32 s0, s1;
	s1 =	sshrl.u32 s25, $0x3;
	s22 =	sshrl.u32 s22, $0x3  }
0x15: {  	s25 =	simm.s32 $0x80;
	s17 =	sadd.s32 s0, s1;
	s1 =	sshrl.u32 s30, $0x3  }
0x16: {  	v1 =	vimm.f32 $0.0e+00;
	v0 =	vmov s24;
	s21 =	sadd.s32 s0, s22;
	s22 =	simm.s32 $0xA000;
	s19 =	sadd.s32 s0, s1  }
.LBB2_1:
0x17: {  	s0 =	sand.u32 $0x7F00, s2  }
0x18: {  	s1 =	sand.u32 $0x30, s2;
	s24 =	sshrl.u32 s0, $0x2  }
0x19: {  	s0 =	simm.s32 $0x40;
	s24 =	sor.u32 s1, s24;
	s1 =	simm.s32 $0x0  }
.LBB2_2:
0x1a: {  	p0 =	sne.s32 s0, $0x7FC0  }
0x1b: {  	[tilespmem:s24+$0xA000] =	vst v1;
	s1 =	sadd.s32 $0x10, s1;
	s24 =	smov.u32 s0;
	s0 =	sadd.s32 $0x40, s0  }
.Ltmp0:
0x1c: {  	(pc) =	sbr.rel @p0 .LBB2_2-.Ltmp0, $4  }
0x1d: {  	_ = 	snop  }
0x1e: {  	s24 =	sand.u32 $0x7F00, s24  }
0x1f: {  	s30 =	sand.u32 $0x30, s1;
	s24 =	sshrl.u32 s24, $0x2  }
0x20: {  	s24 =	sor.u32 s30, s24  }
0x21: {  	[tilespmem:s24+$0xA000] =	vst v1  }
0x22: {  	[spmem:s4] =	stream.linear.scatter [tilespmem:s22], [sflag:$0x3], $0x2000, $0x38;
	[tilespmem:$0x18000] =	vst v63  }
0x23: {  	_ =	swait.ge [sflag:s23], $0x2000  }
0x24: {  	[sflag:s23] =	ssyncset.done $0x0  }
0x25: {  	[sflag:s23] =	ssyncadd.s32 $0xFFFFE000  }
0x26: {  	[spmem:s9] =	stream.linear.scatter [tilespmem:s22], [sflag:$0x3], $0x2000, $0x38;
	[tilespmem:$0x18000] =	vst v63  }
0x27: {  	_ =	swait.ge [sflag:s23], $0x2000  }
0x28: {  	[sflag:s23] =	ssyncset.done $0x0  }
0x29: {  	[sflag:s23] =	ssyncadd.s32 $0xFFFFE000  }
0x2a: {  	[spmem:s10] =	stream.linear.scatter [tilespmem:s22], [sflag:$0x3], $0x2000, $0x38;
	[tilespmem:$0x18000] =	vst v63  }
0x2b: {  	_ =	swait.ge [sflag:s23], $0x2000  }
0x2c: {  	[sflag:s23] =	ssyncset.done $0x0  }
0x2d: {  	[sflag:s23] =	ssyncadd.s32 $0xFFFFE000  }
0x2e: {  	[spmem:s11] =	stream.linear.scatter [tilespmem:s22], [sflag:$0x3], $0x2000, $0x38;
	[tilespmem:$0x18000] =	vst v63  }
0x2f: {  	_ =	swait.ge [sflag:s23], $0x2000  }
0x30: {  	[sflag:s23] =	ssyncset.done $0x0  }
0x31: {  	[sflag:s23] =	ssyncadd.s32 $0xFFFFE000  }
0x32: {  	[spmem:s12] =	stream.linear.scatter [tilespmem:s22], [sflag:$0x3], $0x2000, $0x38;
	[tilespmem:$0x18000] =	vst v63  }
0x33: {  	_ =	swait.ge [sflag:s23], $0x2000  }
0x34: {  	[sflag:s23] =	ssyncset.done $0x0  }
0x35: {  	s0 =	simm.s32 $0x0;
	s1 =	rddreg [dreg:$0x4];
	[sflag:s23] =	ssyncadd.s32 $0xFFFFE000  }
0x36: {  	[tilespmem:s0], [sflag:$0x3] =	stream.linear.gather [hbm4b:s1+s0], $0x5000, $0x38;
	[tilespmem:$0x18000] =	vst v63  }
0x37: {  	_ =	swait.ge [sflag:s23], $0x5000  }
0x38: {  	[sflag:s23] =	ssyncset.done $0x0  }
0x39: {  	s24 =	simm.s32 $0x5000;
	[sflag:s23] =	ssyncadd.s32 $0xFFFFB000  }
0x3a: {  	[tilespmem:s24], [sflag:$0x3] =	stream.linear.gather [hbm4b:s6+s0], $0x5000, $0x38;
	[tilespmem:$0x18000] =	vst v63  }
0x3b: {  	s5 =	sand.u32 $0x1FE00, s0;
	_ =	swait.ge [sflag:s23], $0x5000  }
0x3c: {  	s1 =	sshrl.u32 s5, $0x2;
	s0 =	sand.u32 $0x70, s0;
	[sflag:s23] =	ssyncset.done $0x0  }
0x3d: {  	s0 =	sor.u32 s0, s1;
	[sflag:s23] =	ssyncadd.s32 $0xFFFFB000  }
0x3e: {  	v2 =	vld [tilespmem:s0+$0x0];
	_ =	sdelay $0x3  }
0x3f: {  	s24 =	simm.s32 $0x40  }
0x40: {  	s30 =	sand.u32 $0x1FE00, s24;
	s1 =	simm.s32 $0x80;
	s24 =	simm.s32 $0x10;
	v2 =	vshll.u32 v2, $0x1  }
.LBB2_4:
0x41: {  	p0 =	sne.s32 s1, $0x13FC0;
	s5 =	sand.u32 $0x70, s24;
	s30 =	sshrl.u32 s30, $0x2;
	v2 =	vor.u32 v0, v2  }
0x42: {  	[tilespmem:s0+$0x0] =	vst v2;
	s0 =	sor.u32 s5, s30  }
0x43: {  	v2 =	vld [tilespmem:s0+$0x0]  }
.Ltmp1:
0x44: {  	(pc) =	sbr.rel @p0 .LBB2_4-.Ltmp1, $2  }
0x45: {  	_ =	sdelay $0x2  }
0x46: {  	s24 =	sadd.s32 $0x10, s24;
	s30 =	sand.u32 $0x1FE00, s1;
	s1 =	sadd.s32 $0x40, s1;
	v2 =	vshll.u32 v2, $0x1  }
0x47: {  	s1 =	sand.u32 $0x70, s24;
	s5 =	sshrl.u32 s30, $0x2;
	v2 =	vor.u32 v0, v2  }
0x48: {  	s1 =	sor.u32 s1, s5;
	[tilespmem:s0+$0x0] =	vst v2  }
0x49: {  	v2 =	vld [tilespmem:s1+$0x0];
	_ =	sdelay $0x4  }
0x4a: {  	v2 =	vshll.u32 v2, $0x1  }
0x4b: {  	v2 =	vor.u32 v0, v2  }
0x4c: {  	[tilespmem:s1+$0x0] =	vst v2  }
0x4d: {  	[bflag:$0x0] =	sbarrier.arrive $0xFFFF  }
0x4e: {  	[tilespmem:s22], [sflag:$0x1] =	stream.indirect.gather [hbm4b:s3+s25], $0x40, s2, s25, $0xb8;
	[tilespmem:$0x18000] =	vst v63  }
0x4f: {  	_ =	swait.ge [sflag:s26], $0x2000  }
0x50: {  	[sflag:s26] =	ssyncset.done $0x0  }
0x51: {  	s30 =	simm.s32 $0x80;
	[sflag:s26] =	ssyncadd.s32 $0xFFFFE000  }
0x52: {  	[tilespmem:s28], [sflag:$0x2] =	stream.indirect.gather [hbm4b:s3+s25], $0x40, s30, s25, $0xb8;
	[tilespmem:$0x18000] =	vst v63  }
0x53: {  	_ =	swait.ge [sflag:s29], $0x2000  }
0x54: {  	[sflag:s29] =	ssyncset.done $0x0  }
0x55: {  	s0 =	simm.s32 $0xFFFEC800;
	s1 =	simm.s32 $0x100;
	[sflag:s29] =	ssyncadd.s32 $0xFFFFE000  }
.LBB2_6:
0x56: {  	[tilespmem:s22], [sflag:$0x1] =	stream.indirect.gather [hbm4b:s3+s25], $0x40, s1, s25, $0xb8;
	[tilespmem:$0x18000] =	vst v63  }
0x57: {  	s1 =	smov.u32 s0  }
0x58: {  	p0 =	sne.s32 s0, $0xFFFFFC00;
	s0 =	sadd.s32 $0x400, s0;
	_ =	swait.ge [sflag:s26], $0x2000  }
0x59: {  	s1 =	sshra.s32 s1, $0x2;
	[sflag:s26] =	ssyncset.done $0x0  }
.Ltmp2:
0x5a: {  	s5 =	sadd.s32 $0x4F80, s1;
	[sflag:s26] =	ssyncadd.s32 $0xFFFFE000;
	(pc) =	sbr.rel @p0 .LBB2_6-.Ltmp2, $4  }
0x5b: {  	[tilespmem:s28], [sflag:$0x2] =	stream.indirect.gather [hbm4b:s3+s25], $0x40, s5, s25, $0xb8;
	[tilespmem:$0x18000] =	vst v63  }
0x5c: {  	_ =	swait.ge [sflag:s29], $0x2000  }
0x5d: {  	[sflag:s29] =	ssyncset.done $0x0  }
0x5e: {  	s1 =	sadd.s32 $0x5000, s1;
	[sflag:s29] =	ssyncadd.s32 $0xFFFFE000  }
0x5f: {  	[tilespmem:s22], [sflag:$0x1] =	stream.indirect.gather [hbm4b:s3+s25], $0x40, s1, s25, $0xb8;
	[tilespmem:$0x18000] =	vst v63  }
0x60: {  	_ =	swait.ge [sflag:s26], $0x2000  }
0x61: {  	[sflag:s26] =	ssyncset.done $0x0  }
0x62: {  	s0 =	simm.s32 $0x4F80;
	[sflag:s26] =	ssyncadd.s32 $0xFFFFE000  }
0x63: {  	[tilespmem:s28], [sflag:$0x2] =	stream.indirect.gather [hbm4b:s3+s25], $0x40, s0, s25, $0xb8;
	[tilespmem:$0x18000] =	vst v63  }
0x64: {  	_ =	swait.ge [sflag:s29], $0x2000  }
0x65: {  	[sflag:s29] =	ssyncset.done $0x0  }
0x66: {  	[sflag:s29] =	ssyncadd.s32 $0xFFFFE000  }
0x67: {  	[bflag:$0x0] =	sbarrier.arrive $0xFFFF  }
0x68: {  	[tilespmem:s22], [sflag:$0x3] =	stream.linear.gather [spmem:s7], $0x2000, $0x38;
	[tilespmem:$0x18000] =	vst v63  }
0x69: {  	_ =	swait.ge [sflag:s23], $0x2000  }
0x6a: {  	[sflag:s23] =	ssyncset.done $0x0  }
0x6b: {  	[sflag:s23] =	ssyncadd.s32 $0xFFFFE000  }
0x6c: {  	[hbm4b:s13+s2] =	stream.linear.scatter [tilespmem:s22], [sflag:$0x3], $0x2000, $0x38;
	[tilespmem:$0x18000] =	vst v63  }
0x6d: {  	_ =	swait.ge [sflag:s23], $0x2000  }
0x6e: {  	[sflag:s23] =	ssyncset.done $0x0  }
0x6f: {  	[sflag:s23] =	ssyncadd.s32 $0xFFFFE000  }
0x70: {  	[tilespmem:s22], [sflag:$0x3] =	stream.linear.gather [spmem:s14], $0x2000, $0x38;
	[tilespmem:$0x18000] =	vst v63  }
0x71: {  	_ =	swait.ge [sflag:s23], $0x2000  }
0x72: {  	[sflag:s23] =	ssyncset.done $0x0  }
0x73: {  	[sflag:s23] =	ssyncadd.s32 $0xFFFFE000  }
0x74: {  	[hbm4b:s15+s2] =	stream.linear.scatter [tilespmem:s22], [sflag:$0x3], $0x2000, $0x38;
	[tilespmem:$0x18000] =	vst v63  }
0x75: {  	_ =	swait.ge [sflag:s23], $0x2000  }
0x76: {  	[sflag:s23] =	ssyncset.done $0x0  }
0x77: {  	[sflag:s23] =	ssyncadd.s32 $0xFFFFE000  }
0x78: {  	[tilespmem:s22], [sflag:$0x3] =	stream.linear.gather [spmem:s16], $0x2000, $0x38;
	[tilespmem:$0x18000] =	vst v63  }
0x79: {  	_ =	swait.ge [sflag:s23], $0x2000  }
0x7a: {  	[sflag:s23] =	ssyncset.done $0x0  }
0x7b: {  	[sflag:s23] =	ssyncadd.s32 $0xFFFFE000  }
0x7c: {  	[hbm4b:s17+s2] =	stream.linear.scatter [tilespmem:s22], [sflag:$0x3], $0x2000, $0x38;
	[tilespmem:$0x18000] =	vst v63  }
0x7d: {  	_ =	swait.ge [sflag:s23], $0x2000  }
0x7e: {  	[sflag:s23] =	ssyncset.done $0x0  }
0x7f: {  	[sflag:s23] =	ssyncadd.s32 $0xFFFFE000  }
0x80: {  	[tilespmem:s22], [sflag:$0x3] =	stream.linear.gather [spmem:s18], $0x2000, $0x38;
	[tilespmem:$0x18000] =	vst v63  }
0x81: {  	_ =	swait.ge [sflag:s23], $0x2000  }
0x82: {  	[sflag:s23] =	ssyncset.done $0x0  }
0x83: {  	[sflag:s23] =	ssyncadd.s32 $0xFFFFE000  }
0x84: {  	[hbm4b:s19+s2] =	stream.linear.scatter [tilespmem:s22], [sflag:$0x3], $0x2000, $0x38;
	[tilespmem:$0x18000] =	vst v63  }
0x85: {  	_ =	swait.ge [sflag:s23], $0x2000  }
0x86: {  	[sflag:s23] =	ssyncset.done $0x0  }
0x87: {  	[sflag:s23] =	ssyncadd.s32 $0xFFFFE000  }
0x88: {  	[tilespmem:s22], [sflag:$0x3] =	stream.linear.gather [spmem:s20], $0x2000, $0x38;
	[tilespmem:$0x18000] =	vst v63  }
0x89: {  	s31 =	sadd.s32 $0x1, s31;
	_ =	swait.ge [sflag:s23], $0x2000  }
0x8a: {  	p0 =	sne.s32 s31, s8;
	[sflag:s23] =	ssyncset.done $0x0  }
.Ltmp3:
0x8b: {  	[sflag:s23] =	ssyncadd.s32 $0xFFFFE000;
	(pc) =	sbr.rel @p0 .LBB2_1-.Ltmp3, $4  }
0x8c: {  	[hbm4b:s21+s2] =	stream.linear.scatter [tilespmem:s22], [sflag:$0x3], $0x2000, $0x38;
	[tilespmem:$0x18000] =	vst v63  }
0x8d: {  	_ =	swait.ge [sflag:s23], $0x2000  }
0x8e: {  	[sflag:s23] =	ssyncset.done $0x0  }
0x8f: {  	[sflag:s23] =	ssyncadd.s32 $0xFFFFE000  }
0x90: {  	_ =	sfence.sel $0x180000  }
0x91: {  	[bflag:$0x0] =	sbarrier.arrive $0xFFFF  }
0x92: {  	_ =	strace $0x90000050  }
0x93: {  	s0 =	stileid.u32;
	[bflag:$0x2] =	sbarrier.arrive $0xFFFF  }
0x94: {  	p0 =	sne.s32 s0, $0x0;
	s0 =	rddreg [dreg:$0x3]  }
0x95: {  	s0 =	sadd.s32 @!p0 $0x100000, s0  }
0x96: {  	[sflag:s0] =	ssyncadd.tile.s32 @!p0 $0x1;
	_ =	shalt  }
.Lfunc_end2:
_tile_overlayer_lowered:
.L_overlay_start_2:
0x97: {  	(tag) =	ssettag $0x2  }
0x98: {  	s0 =	rddreg [dreg:$0x0];
	s2 =	stileid.u32  }
0x99: {  	s1 =	rddreg [dreg:$0x1];
	p0 =	sne.s32 s2, $0x0  }
0x9a: {  	s3 =	rddreg [dreg:$0x2];
	[bflag:$0x3] =	sbarrier.arrive $0xFFFF;
	s2 =	simm.s32 @!p0 $0x1C03  }
0x9b: {  	[timem:s3], [sflag:s2] =	dma.local @!p0 [hbm:s0], s1  }
0x9c: {  	s0 =	simm.s32 @!p0 $0x3  }
0x9d: {  	_ =	swait.ge @!p0 [sflag:s0], s1  }
0x9e: {  	s1 =	ssub.s32 @!p0 $0x0, s1;
	[sflag:s0] =	ssyncset.done @!p0 $0x0  }
0x9f: {  	[sflag:s0] =	ssyncadd.s32 @!p0 s1  }
0xa0: {  	[bflag:$0x3] =	sbarrier.arrive $0xFFFF  }
0xa1: {  	_ =	shalt  }

</sc_bundles>
